<compile_context>
chip_gen: v7x
topology: tpu7x:2x2x1
jax: 0.10.2.dev20260603
libtpu: 0.0.44.dev20260713+nightly
codegen_flags: <defaults>
</compile_context>

<pallas_src>
import functools

import jax
import jax.numpy as jnp
from jax import lax
from jax.experimental import pallas as pl
from jax.experimental.pallas import tpu as pltpu
from jax.experimental.pallas import tpu_sc as plsc

_N = 10000
_E = 320000
_D = 128
_NPAD = 10240
_RPS = _NPAD // 16
_B = 128
_CPW = 80
_NBUF = 4
_GROUPS = _CPW // _NBUF
_NW = 32
_CHUNKS = _NW * _CPW
_EPAD = _CHUNKS * _B
_RB = 1024

_mesh = plsc.VectorSubcoreMesh(core_axis_name="c", subcore_axis_name="s")
_mesh1 = plsc.VectorSubcoreMesh(core_axis_name="c", subcore_axis_name="s",
                                num_cores=1)



_CPW_A = _CHUNKS // 16
_NQ = 4
_QCH = _CPW_A // _NQ
_NBUF_A = 4
_GROUPS_Q = _QCH // _NBUF_A
_NC_CORE = 5120
_GZ = 1024
_NLOC = _NC_CORE + _GZ
_ZPT = _NLOC // 16
_WPT = _NC_CORE // 16


@functools.partial(
    pl.kernel,
    out_type=jax.ShapeDtypeStruct((2, _NPAD, _D), jnp.float32),
    mesh=_mesh,
    scratch_types=[
        pltpu.VMEM((_CPW, _B), jnp.int32),
        pltpu.VMEM((_B, _D), jnp.float32),
        pltpu.VMEM_SHARED((_NPAD, _D), jnp.float32),
        pltpu.SemaphoreType.DMA((_NBUF,)),
    ],
)
def _deg_kernel(dst_hbm, ones_hbm, zrow_hbm, out_hbm, didx, ones_v, acc, sem):
    cid = lax.axis_index("c")
    sid = lax.axis_index("s")
    base = (cid * 16 + sid) * _CPW
    r0 = sid * _RPS
    pltpu.sync_copy(dst_hbm.at[pl.ds(base, _CPW)], didx)
    pltpu.sync_copy(ones_hbm, ones_v)
    pltpu.sync_copy(zrow_hbm, acc.at[pl.ds(r0, _RPS)])
    plsc.subcore_barrier()

    def body(g, carry):
        for b in range(_NBUF):
            jj = g * _NBUF + b
            pltpu.async_copy(ones_v, acc.at[didx.at[jj]], sem.at[b],
                             add=True)
        for b in range(_NBUF):
            jj = g * _NBUF + b
            pltpu.make_async_copy(ones_v, acc.at[didx.at[jj]],
                                  sem.at[b]).wait()
        return carry

    lax.fori_loop(0, _CPW // _NBUF, body, 0)
    plsc.subcore_barrier()
    pltpu.sync_copy(acc.at[pl.ds(r0, _RPS)],
                    out_hbm.at[cid].at[pl.ds(r0, _RPS)])




@functools.partial(
    pl.kernel,
    out_type=jax.ShapeDtypeStruct((_NPAD, _D), jnp.float32),
    mesh=_mesh,
    scratch_types=[
        pltpu.VMEM((_QCH, _B), jnp.int32),
        pltpu.VMEM((_QCH, _B), jnp.int32),
        pltpu.VMEM((_NBUF_A, _B, _D), jnp.float32),
        pltpu.VMEM_SHARED((_NLOC, _D), jnp.float32),
        pltpu.SemaphoreType.DMA((_NBUF_A,)),
        pltpu.SemaphoreType.DMA((_NBUF_A,)),
    ],
)
def _agg_kernel(hs_hbm, src_hbm, dloc_hbm, zrow_hbm, out_hbm,
                sidx, didx, rbuf, acc, gsem, ssem):
    cid = lax.axis_index("c")
    sid = lax.axis_index("s")
    base = sid * _CPW_A
    dlo = cid * _NC_CORE
    pltpu.sync_copy(zrow_hbm, acc.at[pl.ds(sid * _ZPT, _ZPT)])
    plsc.subcore_barrier()

    def quarter(q, carry):
        qb = base + q * _QCH
        pltpu.sync_copy(src_hbm.at[pl.ds(qb, _QCH)], sidx)
        pltpu.sync_copy(dloc_hbm.at[cid].at[pl.ds(qb, _QCH)], didx)

        for b in range(_NBUF_A):
            pltpu.async_copy(hs_hbm.at[sidx.at[b]], rbuf.at[b], gsem.at[b])

        def body(g, carry2):
            for b in range(_NBUF_A):
                jj = g * _NBUF_A + b
                pltpu.make_async_copy(hs_hbm.at[sidx.at[jj]], rbuf.at[b],
                                      gsem.at[b]).wait()
                pltpu.async_copy(rbuf.at[b], acc.at[didx.at[jj]], ssem.at[b],
                                 add=True)
            for b in range(_NBUF_A):
                jj = g * _NBUF_A + b
                pltpu.make_async_copy(rbuf.at[b], acc.at[didx.at[jj]],
                                      ssem.at[b]).wait()

                @pl.when(g < _GROUPS_Q - 1)
                def _(jj=jj, b=b):
                    pltpu.async_copy(hs_hbm.at[sidx.at[jj + _NBUF_A]],
                                     rbuf.at[b], gsem.at[b])
            return carry2

        lax.fori_loop(0, _GROUPS_Q, body, 0)
        return carry

    lax.fori_loop(0, _NQ, quarter, 0)
    plsc.subcore_barrier()
    pltpu.sync_copy(acc.at[pl.ds(sid * _WPT, _WPT)],
                    out_hbm.at[pl.ds(dlo + sid * _WPT, _WPT)])



def _prep_body(x_ref, w_ref, degp_ref, out_ref):
    dinv = lax.rsqrt(degp_ref[0] + degp_ref[1] + 1.0)
    h = jnp.dot(x_ref[...], w_ref[...],
                preferred_element_type=jnp.float32)
    out_ref[...] = h * dinv


def _prep(x_pad, w, degp):
    return pl.pallas_call(
        _prep_body,
        grid=(_NPAD // _RB,),
        in_specs=[
            pl.BlockSpec((_RB, _D), lambda i: (i, 0)),
            pl.BlockSpec((_D, _D), lambda i: (0, 0)),
            pl.BlockSpec((2, _RB, 1), lambda i: (0, i, 0)),
        ],
        out_specs=pl.BlockSpec((_RB, _D), lambda i: (i, 0)),
        out_shape=jax.ShapeDtypeStruct((_NPAD, _D), jnp.float32),
    )(x_pad, w, degp)


def _layer_body(agg_ref, hs_ref, degp_ref, b_ref, w_ref, out_ref):
    dinv = lax.rsqrt(degp_ref[0] + degp_ref[1] + 1.0)
    z = (agg_ref[...] + hs_ref[...]) * dinv + b_ref[...]
    z = jnp.maximum(z, 0.0)
    out_ref[...] = jnp.dot(z, w_ref[...],
                           preferred_element_type=jnp.float32) * dinv


def _layer(agg, hs, degp, b, w):
    return pl.pallas_call(
        _layer_body,
        grid=(_NPAD // _RB,),
        in_specs=[
            pl.BlockSpec((_RB, _D), lambda i: (i, 0)),
            pl.BlockSpec((_RB, _D), lambda i: (i, 0)),
            pl.BlockSpec((2, _RB, 1), lambda i: (0, i, 0)),
            pl.BlockSpec((1, _D), lambda i: (0, 0)),
            pl.BlockSpec((_D, _D), lambda i: (0, 0)),
        ],
        out_specs=pl.BlockSpec((_RB, _D), lambda i: (i, 0)),
        out_shape=jax.ShapeDtypeStruct((_NPAD, _D), jnp.float32),
    )(agg, hs, degp, b, w)


def _final_body(agg_ref, hs_ref, degp_ref, b_ref, wfc_ref, bfc_ref,
                out_ref, acc_ref):
    i = pl.program_id(0)
    dinv = lax.rsqrt(degp_ref[0] + degp_ref[1] + 1.0)
    z = (agg_ref[...] + hs_ref[...]) * dinv + b_ref[...]
    z = jnp.maximum(z, 0.0)
    rid = i * _RB + lax.broadcasted_iota(jnp.int32, (_RB, 1), 0)
    z = jnp.where(rid < _N, z, 0.0)

    @pl.when(i == 0)
    def _():
        acc_ref[...] = jnp.zeros_like(acc_ref)

    acc_ref[...] += jnp.sum(z, axis=0, keepdims=True)

    @pl.when(i == pl.num_programs(0) - 1)
    def _():
        g = acc_ref[...] * (1.0 / _N)
        out_ref[...] = jnp.dot(g, wfc_ref[...],
                               preferred_element_type=jnp.float32) + bfc_ref[...]


def _final(agg, hs, degp, b, wfc, bfc):
    return pl.pallas_call(
        _final_body,
        grid=(_NPAD // _RB,),
        in_specs=[
            pl.BlockSpec((_RB, _D), lambda i: (i, 0)),
            pl.BlockSpec((_RB, _D), lambda i: (i, 0)),
            pl.BlockSpec((2, _RB, 1), lambda i: (0, i, 0)),
            pl.BlockSpec((1, _D), lambda i: (0, 0)),
            pl.BlockSpec((_D, 1), lambda i: (0, 0)),
            pl.BlockSpec((1, 1), lambda i: (0, 0)),
        ],
        out_specs=pl.BlockSpec((1, 1), lambda i: (0, 0)),
        out_shape=jax.ShapeDtypeStruct((1, 1), jnp.float32),
        scratch_shapes=[pltpu.VMEM((1, _D), jnp.float32)],
    )(agg, hs, degp, b, wfc, bfc)



def kernel(x, edge_index, W1, b1, W2, b2, Wfc, bfc):
    src = edge_index[0]
    dst = edge_index[1]
    pad = (jnp.arange(_EPAD - _E, dtype=jnp.int32) % 128) + _N
    src3 = jnp.concatenate([src, pad]).reshape(_CHUNKS, _B)
    dstp = jnp.concatenate([dst, pad])
    garb = _NC_CORE + (dstp & (_GZ - 1))
    dloc = jnp.stack([
        jnp.where(dstp < _NC_CORE, dstp, garb),
        jnp.where(dstp >= _NC_CORE, dstp - _NC_CORE, garb),
    ]).reshape(2, _CHUNKS, _B)
    dst3 = dstp.reshape(_CHUNKS, _B)
    x_pad = jnp.zeros((_NPAD, _D), jnp.float32).at[:_N].set(x)
    zrow = jnp.zeros((_ZPT, _D), jnp.float32)
    zrow6 = jnp.zeros((_RPS, _D), jnp.float32)
    ones = jnp.ones((_B, _D), jnp.float32)

    degp = _deg_kernel(dst3, ones, zrow6)[:, :, :1]
    hs1 = _prep(x_pad, W1, degp)
    agg1 = _agg_kernel(hs1, src3, dloc, zrow)
    hs2 = _layer(agg1, hs1, degp, b1.reshape(1, _D), W2)
    agg2 = _agg_kernel(hs2, src3, dloc, zrow)
    out = _final(agg2, hs2, degp, b2.reshape(1, _D), Wfc, bfc.reshape(1, 1))
    return out.reshape((1,))

# --- scband reference (transcript-rebuilt; emitter-appended) ---
"""Pipeline reference for scband-gnnregressor-84825604096523 (READ-ONLY COPY).

The authoritative reference and input builder live on the scoring server;
editing this copy changes nothing except your own understanding.
"""

import jax, jax.numpy as jnp
import numpy as np

N = 10000
E = 320000
D = 128
H = 128
O = 1


def setup_inputs(seed: int = 0) -> dict:
    key = jax.random.key(seed)
    k1, k2, k3, k4, k5, k6, k7, k8 = jax.random.split(key, 8)
    x = jax.random.normal(k1, (N, D), dtype=jnp.float32)
    # int32 used in jax (x64 disabled by default); values in [0, N)
    edge_index = jax.random.randint(k2, (2, E), 0, N, dtype=jnp.int32)
    W1 = jax.random.normal(k3, (D, H), dtype=jnp.float32) * 0.05
    b1 = jnp.zeros((H,), dtype=jnp.float32)
    W2 = jax.random.normal(k4, (H, H), dtype=jnp.float32) * 0.05
    b2 = jnp.zeros((H,), dtype=jnp.float32)
    Wfc = jax.random.normal(k5, (H, O), dtype=jnp.float32) * 0.05
    bfc = jnp.zeros((O,), dtype=jnp.float32)
    return {"x": x, "edge_index": edge_index, "W1": W1, "b1": b1, "W2": W2, "b2": b2, "Wfc": Wfc, "bfc": bfc}


def _gcn_conv(x, edge_index, W, b):
    # GCNConv: out = D^{-1/2} (A + I) D^{-1/2} X W + b
    n = x.shape[0]
    src = edge_index[0]
    dst = edge_index[1]
    loop = jnp.arange(n, dtype=src.dtype)
    src = jnp.concatenate([src, loop])
    dst = jnp.concatenate([dst, loop])
    deg = jax.ops.segment_sum(jnp.ones_like(dst, dtype=x.dtype), dst, num_segments=n)
    dinv = jnp.where(deg > 0, 1.0 / jnp.sqrt(deg), 0.0)
    norm = dinv[src] * dinv[dst]
    h = x @ W
    msg = h[src] * norm[:, None]
    out = jax.ops.segment_sum(msg, dst, num_segments=n)
    return out + b


def reference(x, edge_index, W1, b1, W2, b2, Wfc, bfc):
    h = jax.nn.relu(_gcn_conv(x, edge_index, W1, b1))
    h = jax.nn.relu(_gcn_conv(h, edge_index, W2, b2))
    g = jnp.mean(h, axis=0)
    return g @ Wfc + bfc

if __name__ == "__main__":
    import jax
    _d = setup_inputs()
    print(jax.jit(kernel)(*tuple(_d.values())))

</pallas_src>

<mosaic_0001>
#map = affine_map<(d0, d1) -> (0, 0)>
#map1 = affine_map<(d0, d1) -> (0, 0, 0)>
module attributes {stable_mosaic.version = 14 : i64} {
  func.func @_agg_kernel(%arg0: i32, %arg1: i32, %arg2: memref<10240x128xf32, #tpu.memory_space<hbm>>, %arg3: memref<2560x128xi32, #tpu.memory_space<hbm>>, %arg4: memref<2x2560x128xi32, #tpu.memory_space<hbm>>, %arg5: memref<384x128xf32, #tpu.memory_space<hbm>>, %arg6: memref<10240x128xf32, #tpu.memory_space<hbm>>, %arg7: memref<40x128xi32, #tpu.memory_space<vmem>>, %arg8: memref<40x128xi32, #tpu.memory_space<vmem>>, %arg9: memref<4x128x128xf32, #tpu.memory_space<vmem>>, %arg10: memref<6144x128xf32, #tpu.memory_space<vmem_shared>>, %arg11: memref<4x!tpu.dma_semaphore, #tpu.memory_space<semaphore_mem>>, %arg12: memref<4x!tpu.dma_semaphore, #tpu.memory_space<semaphore_mem>>) attributes {dimension_semantics = [#tpu.dimension_semantics<core_parallel>, #tpu.dimension_semantics<subcore_parallel>], iteration_bounds = array<i64: 2, 16>, scalar_prefetch = 0 : i64, scratch_operands = 6 : i64, tpu.core_type = #tpu.core_type<sc_vector_subcore>, window_params = [{transform_indices = #map}, {transform_indices = #map}, {transform_indices = #map1}, {transform_indices = #map}, {transform_indices = #map}]} {
    %mul3A = arith.constant 160 : i32
    %mul3A_0 = arith.muli %arg1, %mul3A : i32
    %mul3A_1 = arith.constant 5120 : i32
    %mul3A_2 = arith.muli %arg0, %mul3A_1 : i32
    %mul3A_3 = arith.constant 384 : i32
    %mul3A_4 = arith.muli %arg1, %mul3A_3 : i32
    "tpu.region"() ({
      %run_scoped3A = tpu.sem_alloc : memref<!tpu.dma_semaphore, #tpu.memory_space<semaphore_mem>>
      %dma_start3A = arith.constant 0 : i32
      %dma_start3A_15 = tpu.memref_slice %arg10[%mul3A_4, %dma_start3A] : memref<6144x128xf32, #tpu.memory_space<vmem_shared>> -> memref<384x128xf32, #tpu.memory_space<vmem_shared>>
      tpu.enqueue_dma source(%arg5 : memref<384x128xf32, #tpu.memory_space<hbm>>) target(%dma_start3A_15 : memref<384x128xf32, #tpu.memory_space<vmem_shared>>) target_semaphore(%run_scoped3A : memref<!tpu.dma_semaphore, #tpu.memory_space<semaphore_mem>>)
      %dma_wait3A = arith.constant 0 : i32
      %dma_wait3A_16 = tpu.memref_slice %arg10[%mul3A_4, %dma_wait3A] : memref<6144x128xf32, #tpu.memory_space<vmem_shared>> -> memref<384x128xf32, #tpu.memory_space<vmem_shared>>
      tpu.wait_dma2 semaphore(%run_scoped3A : memref<!tpu.dma_semaphore, #tpu.memory_space<semaphore_mem>>) src(%arg5 : memref<384x128xf32, #tpu.memory_space<hbm>>) dst(%dma_wait3A_16 : memref<384x128xf32, #tpu.memory_space<vmem_shared>>)
      tpu.yield
    }) : () -> ()
    %barrier3A = arith.constant 0 : index
    tpu.barrier barrier_id(%barrier3A)
    %scan3A = arith.constant 0 : i32
    %scan3A_5 = arith.constant 0 : i32
    %scan3A_6 = arith.constant 4 : i32
    %scan3A_7 = arith.addi %scan3A_5, %scan3A_6 : i32
    %scan3A_8 = arith.constant 1 : i32
    scf.for %scan3A_15 = %scan3A_5 to %scan3A_7 step %scan3A_8  : i32 {
      %mul3A_16 = arith.constant 40 : i32
      %mul3A_17 = arith.muli %scan3A_15, %mul3A_16 : i32
      %add3A_18 = arith.addi %mul3A_0, %mul3A_17 : i32
      "tpu.region"() ({
        %run_scoped3A = tpu.sem_alloc : memref<!tpu.dma_semaphore, #tpu.memory_space<semaphore_mem>>
        %dma_start3A_84 = arith.constant 0 : i32
        %dma_start3A_85 = tpu.memref_slice %arg3[%add3A_18, %dma_start3A_84] : memref<2560x128xi32, #tpu.memory_space<hbm>> -> memref<40x128xi32, #tpu.memory_space<hbm>>
        %dma_start3A_86 = arith.constant 0 : i32
        %dma_start3A_87 = tpu.memref_slice %arg3[%add3A_18, %dma_start3A_86] : memref<2560x128xi32, #tpu.memory_space<hbm>> -> memref<40x128xi32, #tpu.memory_space<hbm>>
        tpu.enqueue_dma source(%dma_start3A_87 : memref<40x128xi32, #tpu.memory_space<hbm>>) target(%arg7 : memref<40x128xi32, #tpu.memory_space<vmem>>) target_semaphore(%run_scoped3A : memref<!tpu.dma_semaphore, #tpu.memory_space<semaphore_mem>>)
        %dma_wait3A = arith.constant 0 : i32
        %dma_wait3A_88 = tpu.memref_slice %arg3[%add3A_18, %dma_wait3A] : memref<2560x128xi32, #tpu.memory_space<hbm>> -> memref<40x128xi32, #tpu.memory_space<hbm>>
        %dma_wait3A_89 = arith.constant 0 : i32
        %dma_wait3A_90 = tpu.memref_slice %arg3[%add3A_18, %dma_wait3A_89] : memref<2560x128xi32, #tpu.memory_space<hbm>> -> memref<40x128xi32, #tpu.memory_space<hbm>>
        tpu.wait_dma2 semaphore(%run_scoped3A : memref<!tpu.dma_semaphore, #tpu.memory_space<semaphore_mem>>) src(%dma_wait3A_90 : memref<40x128xi32, #tpu.memory_space<hbm>>) dst(%arg7 : memref<40x128xi32, #tpu.memory_space<vmem>>)
        tpu.yield
      }) : () -> ()
      "tpu.region"() ({
        %run_scoped3A = tpu.sem_alloc : memref<!tpu.dma_semaphore, #tpu.memory_space<semaphore_mem>>
        %dma_start3A_84 = arith.constant 0 : i32
        %dma_start3A_85 = arith.constant 0 : i32
        %dma_start3A_86 = tpu.memref_slice %arg4[%arg0, %dma_start3A_84, %dma_start3A_85] : memref<2x2560x128xi32, #tpu.memory_space<hbm>> -> memref<1x2560x128xi32, #tpu.memory_space<hbm>>
        %dma_start3A_87 = tpu.memref_squeeze %dma_start3A_86 : memref<1x2560x128xi32, #tpu.memory_space<hbm>> -> memref<2560x128xi32, #tpu.memory_space<hbm>>
        %dma_start3A_88 = arith.constant 0 : i32
        %dma_start3A_89 = tpu.memref_slice %dma_start3A_87[%add3A_18, %dma_start3A_88] : memref<2560x128xi32, #tpu.memory_space<hbm>> -> memref<40x128xi32, #tpu.memory_space<hbm>>
        %dma_start3A_90 = arith.constant 0 : i32
        %dma_start3A_91 = arith.constant 0 : i32
        %dma_start3A_92 = tpu.memref_slice %arg4[%arg0, %dma_start3A_90, %dma_start3A_91] : memref<2x2560x128xi32, #tpu.memory_space<hbm>> -> memref<1x2560x128xi32, #tpu.memory_space<hbm>>
        %dma_start3A_93 = tpu.memref_squeeze %dma_start3A_92 : memref<1x2560x128xi32, #tpu.memory_space<hbm>> -> memref<2560x128xi32, #tpu.memory_space<hbm>>
        %dma_start3A_94 = arith.constant 0 : i32
        %dma_start3A_95 = tpu.memref_slice %dma_start3A_93[%add3A_18, %dma_start3A_94] : memref<2560x128xi32, #tpu.memory_space<hbm>> -> memref<40x128xi32, #tpu.memory_space<hbm>>
        tpu.enqueue_dma source(%dma_start3A_95 : memref<40x128xi32, #tpu.memory_space<hbm>>) target(%arg8 : memref<40x128xi32, #tpu.memory_space<vmem>>) target_semaphore(%run_scoped3A : memref<!tpu.dma_semaphore, #tpu.memory_space<semaphore_mem>>)
        %dma_wait3A = arith.constant 0 : i32
        %dma_wait3A_96 = arith.constant 0 : i32
        %dma_wait3A_97 = tpu.memref_slice %arg4[%arg0, %dma_wait3A, %dma_wait3A_96] : memref<2x2560x128xi32, #tpu.memory_space<hbm>> -> memref<1x2560x128xi32, #tpu.memory_space<hbm>>
        %dma_wait3A_98 = tpu.memref_squeeze %dma_wait3A_97 : memref<1x2560x128xi32, #tpu.memory_space<hbm>> -> memref<2560x128xi32, #tpu.memory_space<hbm>>
        %dma_wait3A_99 = arith.constant 0 : i32
        %dma_wait3A_100 = tpu.memref_slice %dma_wait3A_98[%add3A_18, %dma_wait3A_99] : memref<2560x128xi32, #tpu.memory_space<hbm>> -> memref<40x128xi32, #tpu.memory_space<hbm>>
        %dma_wait3A_101 = arith.constant 0 : i32
        %dma_wait3A_102 = arith.constant 0 : i32
        %dma_wait3A_103 = tpu.memref_slice %arg4[%arg0, %dma_wait3A_101, %dma_wait3A_102] : memref<2x2560x128xi32, #tpu.memory_space<hbm>> -> memref<1x2560x128xi32, #tpu.memory_space<hbm>>
        %dma_wait3A_104 = tpu.memref_squeeze %dma_wait3A_103 : memref<1x2560x128xi32, #tpu.memory_space<hbm>> -> memref<2560x128xi32, #tpu.memory_space<hbm>>
        %dma_wait3A_105 = arith.constant 0 : i32
        %dma_wait3A_106 = tpu.memref_slice %dma_wait3A_104[%add3A_18, %dma_wait3A_105] : memref<2560x128xi32, #tpu.memory_space<hbm>> -> memref<40x128xi32, #tpu.memory_space<hbm>>
        tpu.wait_dma2 semaphore(%run_scoped3A : memref<!tpu.dma_semaphore, #tpu.memory_space<semaphore_mem>>) src(%dma_wait3A_106 : memref<40x128xi32, #tpu.memory_space<hbm>>) dst(%arg8 : memref<40x128xi32, #tpu.memory_space<vmem>>)
        tpu.yield
      }) : () -> ()
      %dma_start3A = arith.constant 0 : i32
      %dma_start3A_19 = arith.constant 0 : i32
      %dma_start3A_20 = arith.constant 0 : i32
      %dma_start3A_21 = arith.constant 0 : i32
      %dma_start3A_22 = arith.constant 0 : i32
      %dma_start3A_23 = tpu.memref_slice %arg9[%dma_start3A_19, %dma_start3A_21, %dma_start3A_22] : memref<4x128x128xf32, #tpu.memory_space<vmem>> -> memref<1x128x128xf32, #tpu.memory_space<vmem>>
      %dma_start3A_24 = tpu.memref_squeeze %dma_start3A_23 : memref<1x128x128xf32, #tpu.memory_space<vmem>> -> memref<128x128xf32, #tpu.memory_space<vmem>>
      %dma_start3A_25 = arith.constant 0 : i32
      %dma_start3A_26 = tpu.memref_slice %arg7[%dma_start3A, %dma_start3A_25] : memref<40x128xi32, #tpu.memory_space<vmem>> -> memref<1x128xi32, #tpu.memory_space<vmem>>
      %dma_start3A_27 = tpu.memref_squeeze %dma_start3A_26 : memref<1x128xi32, #tpu.memory_space<vmem>> -> memref<128xi32, #tpu.memory_space<vmem>>
      %dma_start3A_28 = arith.constant 0 : i32
      %dma_start3A_29 = arith.constant 0 : i32
      %dma_start3A_30 = tpu.memref_slice %arg2[%dma_start3A_28, %dma_start3A_29] : memref<10240x128xf32, #tpu.memory_space<hbm>> -> memref<10240x128xf32, #tpu.memory_space<hbm>>
      %dma_start3A_31 = tpu.memref_slice %arg11[%dma_start3A_20] : memref<4x!tpu.dma_semaphore, #tpu.memory_space<semaphore_mem>> -> memref<1x!tpu.dma_semaphore, #tpu.memory_space<semaphore_mem>>
      %dma_start3A_32 = tpu.memref_squeeze %dma_start3A_31 : memref<1x!tpu.dma_semaphore, #tpu.memory_space<semaphore_mem>> -> memref<!tpu.dma_semaphore, #tpu.memory_space<semaphore_mem>>
      tpu.enqueue_indirect_dma source(%dma_start3A_30 : memref<10240x128xf32, #tpu.memory_space<hbm>>) target(%dma_start3A_24 : memref<128x128xf32, #tpu.memory_space<vmem>>) offsets(%dma_start3A_27 : memref<128xi32, #tpu.memory_space<vmem>>) semaphore(%dma_start3A_32 : memref<!tpu.dma_semaphore, #tpu.memory_space<semaphore_mem>>)
      %dma_start3A_33 = arith.constant 1 : i32
      %dma_start3A_34 = arith.constant 1 : i32
      %dma_start3A_35 = arith.constant 1 : i32
      %dma_start3A_36 = arith.constant 0 : i32
      %dma_start3A_37 = arith.constant 0 : i32
      %dma_start3A_38 = tpu.memref_slice %arg9[%dma_start3A_34, %dma_start3A_36, %dma_start3A_37] : memref<4x128x128xf32, #tpu.memory_space<vmem>> -> memref<1x128x128xf32, #tpu.memory_space<vmem>>
      %dma_start3A_39 = tpu.memref_squeeze %dma_start3A_38 : memref<1x128x128xf32, #tpu.memory_space<vmem>> -> memref<128x128xf32, #tpu.memory_space<vmem>>
      %dma_start3A_40 = arith.constant 0 : i32
      %dma_start3A_41 = tpu.memref_slice %arg7[%dma_start3A_33, %dma_start3A_40] : memref<40x128xi32, #tpu.memory_space<vmem>> -> memref<1x128xi32, #tpu.memory_space<vmem>>
      %dma_start3A_42 = tpu.memref_squeeze %dma_start3A_41 : memref<1x128xi32, #tpu.memory_space<vmem>> -> memref<128xi32, #tpu.memory_space<vmem>>
      %dma_start3A_43 = arith.constant 0 : i32
      %dma_start3A_44 = arith.constant 0 : i32
      %dma_start3A_45 = tpu.memref_slice %arg2[%dma_start3A_43, %dma_start3A_44] : memref<10240x128xf32, #tpu.memory_space<hbm>> -> memref<10240x128xf32, #tpu.memory_space<hbm>>
      %dma_start3A_46 = tpu.memref_slice %arg11[%dma_start3A_35] : memref<4x!tpu.dma_semaphore, #tpu.memory_space<semaphore_mem>> -> memref<1x!tpu.dma_semaphore, #tpu.memory_space<semaphore_mem>>
      %dma_start3A_47 = tpu.memref_squeeze %dma_start3A_46 : memref<1x!tpu.dma_semaphore, #tpu.memory_space<semaphore_mem>> -> memref<!tpu.dma_semaphore, #tpu.memory_space<semaphore_mem>>
      tpu.enqueue_indirect_dma source(%dma_start3A_45 : memref<10240x128xf32, #tpu.memory_space<hbm>>) target(%dma_start3A_39 : memref<128x128xf32, #tpu.memory_space<vmem>>) offsets(%dma_start3A_42 : memref<128xi32, #tpu.memory_space<vmem>>) semaphore(%dma_start3A_47 : memref<!tpu.dma_semaphore, #tpu.memory_space<semaphore_mem>>)
      %dma_start3A_48 = arith.constant 2 : i32
      %dma_start3A_49 = arith.constant 2 : i32
      %dma_start3A_50 = arith.constant 2 : i32
      %dma_start3A_51 = arith.constant 0 : i32
      %dma_start3A_52 = arith.constant 0 : i32
      %dma_start3A_53 = tpu.memref_slice %arg9[%dma_start3A_49, %dma_start3A_51, %dma_start3A_52] : memref<4x128x128xf32, #tpu.memory_space<vmem>> -> memref<1x128x128xf32, #tpu.memory_space<vmem>>
      %dma_start3A_54 = tpu.memref_squeeze %dma_start3A_53 : memref<1x128x128xf32, #tpu.memory_space<vmem>> -> memref<128x128xf32, #tpu.memory_space<vmem>>
      %dma_start3A_55 = arith.constant 0 : i32
      %dma_start3A_56 = tpu.memref_slice %arg7[%dma_start3A_48, %dma_start3A_55] : memref<40x128xi32, #tpu.memory_space<vmem>> -> memref<1x128xi32, #tpu.memory_space<vmem>>
      %dma_start3A_57 = tpu.memref_squeeze %dma_start3A_56 : memref<1x128xi32, #tpu.memory_space<vmem>> -> memref<128xi32, #tpu.memory_space<vmem>>
      %dma_start3A_58 = arith.constant 0 : i32
      %dma_start3A_59 = arith.constant 0 : i32
      %dma_start3A_60 = tpu.memref_slice %arg2[%dma_start3A_58, %dma_start3A_59] : memref<10240x128xf32, #tpu.memory_space<hbm>> -> memref<10240x128xf32, #tpu.memory_space<hbm>>
      %dma_start3A_61 = tpu.memref_slice %arg11[%dma_start3A_50] : memref<4x!tpu.dma_semaphore, #tpu.memory_space<semaphore_mem>> -> memref<1x!tpu.dma_semaphore, #tpu.memory_space<semaphore_mem>>
      %dma_start3A_62 = tpu.memref_squeeze %dma_start3A_61 : memref<1x!tpu.dma_semaphore, #tpu.memory_space<semaphore_mem>> -> memref<!tpu.dma_semaphore, #tpu.memory_space<semaphore_mem>>
      tpu.enqueue_indirect_dma source(%dma_start3A_60 : memref<10240x128xf32, #tpu.memory_space<hbm>>) target(%dma_start3A_54 : memref<128x128xf32, #tpu.memory_space<vmem>>) offsets(%dma_start3A_57 : memref<128xi32, #tpu.memory_space<vmem>>) semaphore(%dma_start3A_62 : memref<!tpu.dma_semaphore, #tpu.memory_space<semaphore_mem>>)
      %dma_start3A_63 = arith.constant 3 : i32
      %dma_start3A_64 = arith.constant 3 : i32
      %dma_start3A_65 = arith.constant 3 : i32
      %dma_start3A_66 = arith.constant 0 : i32
      %dma_start3A_67 = arith.constant 0 : i32
      %dma_start3A_68 = tpu.memref_slice %arg9[%dma_start3A_64, %dma_start3A_66, %dma_start3A_67] : memref<4x128x128xf32, #tpu.memory_space<vmem>> -> memref<1x128x128xf32, #tpu.memory_space<vmem>>
      %dma_start3A_69 = tpu.memref_squeeze %dma_start3A_68 : memref<1x128x128xf32, #tpu.memory_space<vmem>> -> memref<128x128xf32, #tpu.memory_space<vmem>>
      %dma_start3A_70 = arith.constant 0 : i32
      %dma_start3A_71 = tpu.memref_slice %arg7[%dma_start3A_63, %dma_start3A_70] : memref<40x128xi32, #tpu.memory_space<vmem>> -> memref<1x128xi32, #tpu.memory_space<vmem>>
      %dma_start3A_72 = tpu.memref_squeeze %dma_start3A_71 : memref<1x128xi32, #tpu.memory_space<vmem>> -> memref<128xi32, #tpu.memory_space<vmem>>
      %dma_start3A_73 = arith.constant 0 : i32
      %dma_start3A_74 = arith.constant 0 : i32
      %dma_start3A_75 = tpu.memref_slice %arg2[%dma_start3A_73, %dma_start3A_74] : memref<10240x128xf32, #tpu.memory_space<hbm>> -> memref<10240x128xf32, #tpu.memory_space<hbm>>
      %dma_start3A_76 = tpu.memref_slice %arg11[%dma_start3A_65] : memref<4x!tpu.dma_semaphore, #tpu.memory_space<semaphore_mem>> -> memref<1x!tpu.dma_semaphore, #tpu.memory_space<semaphore_mem>>
      %dma_start3A_77 = tpu.memref_squeeze %dma_start3A_76 : memref<1x!tpu.dma_semaphore, #tpu.memory_space<semaphore_mem>> -> memref<!tpu.dma_semaphore, #tpu.memory_space<semaphore_mem>>
      tpu.enqueue_indirect_dma source(%dma_start3A_75 : memref<10240x128xf32, #tpu.memory_space<hbm>>) target(%dma_start3A_69 : memref<128x128xf32, #tpu.memory_space<vmem>>) offsets(%dma_start3A_72 : memref<128xi32, #tpu.memory_space<vmem>>) semaphore(%dma_start3A_77 : memref<!tpu.dma_semaphore, #tpu.memory_space<semaphore_mem>>)
      %scan3A_78 = arith.constant 0 : i32
      %scan3A_79 = arith.constant 0 : i32
      %scan3A_80 = arith.constant 10 : i32
      %scan3A_81 = arith.addi %scan3A_79, %scan3A_80 : i32
      %scan3A_82 = arith.constant 1 : i32
      scf.for %scan3A_84 = %scan3A_79 to %scan3A_81 step %scan3A_82  : i32 {
        %mul3A_85 = arith.constant 4 : i32
        %mul3A_86 = arith.muli %scan3A_84, %mul3A_85 : i32
        %add3A_87 = arith.constant 0 : i32
        %add3A_88 = arith.addi %mul3A_86, %add3A_87 : i32
        %dma_wait3A = arith.constant 0 : i32
        %dma_wait3A_89 = arith.constant 0 : i32
        %dma_wait3A_90 = arith.constant 0 : i32
        %dma_wait3A_91 = arith.constant 0 : i32
        %dma_wait3A_92 = tpu.memref_slice %arg9[%dma_wait3A, %dma_wait3A_90, %dma_wait3A_91] : memref<4x128x128xf32, #tpu.memory_space<vmem>> -> memref<1x128x128xf32, #tpu.memory_space<vmem>>
        %dma_wait3A_93 = tpu.memref_squeeze %dma_wait3A_92 : memref<1x128x128xf32, #tpu.memory_space<vmem>> -> memref<128x128xf32, #tpu.memory_space<vmem>>
        %dma_wait3A_94 = arith.constant 0 : i32
        %dma_wait3A_95 = tpu.memref_slice %arg7[%add3A_88, %dma_wait3A_94] : memref<40x128xi32, #tpu.memory_space<vmem>> -> memref<1x128xi32, #tpu.memory_space<vmem>>
        %dma_wait3A_96 = tpu.memref_squeeze %dma_wait3A_95 : memref<1x128xi32, #tpu.memory_space<vmem>> -> memref<128xi32, #tpu.memory_space<vmem>>
        %dma_wait3A_97 = arith.constant 0 : i32
        %dma_wait3A_98 = arith.constant 0 : i32
        %dma_wait3A_99 = tpu.memref_slice %arg2[%dma_wait3A_97, %dma_wait3A_98] : memref<10240x128xf32, #tpu.memory_space<hbm>> -> memref<10240x128xf32, #tpu.memory_space<hbm>>
        %dma_wait3A_100 = tpu.memref_slice %arg11[%dma_wait3A_89] : memref<4x!tpu.dma_semaphore, #tpu.memory_space<semaphore_mem>> -> memref<1x!tpu.dma_semaphore, #tpu.memory_space<semaphore_mem>>
        %dma_wait3A_101 = tpu.memref_squeeze %dma_wait3A_100 : memref<1x!tpu.dma_semaphore, #tpu.memory_space<semaphore_mem>> -> memref<!tpu.dma_semaphore, #tpu.memory_space<semaphore_mem>>
        tpu.wait_indirect_dma semaphore(%dma_wait3A_101 : memref<!tpu.dma_semaphore, #tpu.memory_space<semaphore_mem>>) src(%dma_wait3A_99 : memref<10240x128xf32, #tpu.memory_space<hbm>>) dst(%dma_wait3A_93 : memref<128x128xf32, #tpu.memory_space<vmem>>)
        %dma_start3A_102 = arith.constant 0 : i32
        %dma_start3A_103 = arith.constant 0 : i32
        %dma_start3A_104 = arith.constant 0 : i32
        %dma_start3A_105 = arith.constant 0 : i32
        %dma_start3A_106 = tpu.memref_slice %arg9[%dma_start3A_102, %dma_start3A_104, %dma_start3A_105] : memref<4x128x128xf32, #tpu.memory_space<vmem>> -> memref<1x128x128xf32, #tpu.memory_space<vmem>>
        %dma_start3A_107 = tpu.memref_squeeze %dma_start3A_106 : memref<1x128x128xf32, #tpu.memory_space<vmem>> -> memref<128x128xf32, #tpu.memory_space<vmem>>
        %dma_start3A_108 = arith.constant 0 : i32
        %dma_start3A_109 = tpu.memref_slice %arg8[%add3A_88, %dma_start3A_108] : memref<40x128xi32, #tpu.memory_space<vmem>> -> memref<1x128xi32, #tpu.memory_space<vmem>>
        %dma_start3A_110 = tpu.memref_squeeze %dma_start3A_109 : memref<1x128xi32, #tpu.memory_space<vmem>> -> memref<128xi32, #tpu.memory_space<vmem>>
        %dma_start3A_111 = arith.constant 0 : i32
        %dma_start3A_112 = arith.constant 0 : i32
        %dma_start3A_113 = tpu.memref_slice %arg10[%dma_start3A_111, %dma_start3A_112] : memref<6144x128xf32, #tpu.memory_space<vmem_shared>> -> memref<6144x128xf32, #tpu.memory_space<vmem_shared>>
        %dma_start3A_114 = tpu.memref_slice %arg12[%dma_start3A_103] : memref<4x!tpu.dma_semaphore, #tpu.memory_space<semaphore_mem>> -> memref<1x!tpu.dma_semaphore, #tpu.memory_space<semaphore_mem>>
        %dma_start3A_115 = tpu.memref_squeeze %dma_start3A_114 : memref<1x!tpu.dma_semaphore, #tpu.memory_space<semaphore_mem>> -> memref<!tpu.dma_semaphore, #tpu.memory_space<semaphore_mem>>
        tpu.enqueue_indirect_dma source(%dma_start3A_107 : memref<128x128xf32, #tpu.memory_space<vmem>>) target(%dma_start3A_113 : memref<6144x128xf32, #tpu.memory_space<vmem_shared>>) offsets(%dma_start3A_110 : memref<128xi32, #tpu.memory_space<vmem>>) semaphore(%dma_start3A_115 : memref<!tpu.dma_semaphore, #tpu.memory_space<semaphore_mem>>) {add = true}
        %mul3A_116 = arith.constant 4 : i32
        %mul3A_117 = arith.muli %scan3A_84, %mul3A_116 : i32
        %add3A_118 = arith.constant 1 : i32
        %add3A_119 = arith.addi %mul3A_117, %add3A_118 : i32
        %dma_wait3A_120 = arith.constant 1 : i32
        %dma_wait3A_121 = arith.constant 1 : i32
        %dma_wait3A_122 = arith.constant 0 : i32
        %dma_wait3A_123 = arith.constant 0 : i32
        %dma_wait3A_124 = tpu.memref_slice %arg9[%dma_wait3A_120, %dma_wait3A_122, %dma_wait3A_123] : memref<4x128x128xf32, #tpu.memory_space<vmem>> -> memref<1x128x128xf32, #tpu.memory_space<vmem>>
        %dma_wait3A_125 = tpu.memref_squeeze %dma_wait3A_124 : memref<1x128x128xf32, #tpu.memory_space<vmem>> -> memref<128x128xf32, #tpu.memory_space<vmem>>
        %dma_wait3A_126 = arith.constant 0 : i32
        %dma_wait3A_127 = tpu.memref_slice %arg7[%add3A_119, %dma_wait3A_126] : memref<40x128xi32, #tpu.memory_space<vmem>> -> memref<1x128xi32, #tpu.memory_space<vmem>>
        %dma_wait3A_128 = tpu.memref_squeeze %dma_wait3A_127 : memref<1x128xi32, #tpu.memory_space<vmem>> -> memref<128xi32, #tpu.memory_space<vmem>>
        %dma_wait3A_129 = arith.constant 0 : i32
        %dma_wait3A_130 = arith.constant 0 : i32
        %dma_wait3A_131 = tpu.memref_slice %arg2[%dma_wait3A_129, %dma_wait3A_130] : memref<10240x128xf32, #tpu.memory_space<hbm>> -> memref<10240x128xf32, #tpu.memory_space<hbm>>
        %dma_wait3A_132 = tpu.memref_slice %arg11[%dma_wait3A_121] : memref<4x!tpu.dma_semaphore, #tpu.memory_space<semaphore_mem>> -> memref<1x!tpu.dma_semaphore, #tpu.memory_space<semaphore_mem>>
        %dma_wait3A_133 = tpu.memref_squeeze %dma_wait3A_132 : memref<1x!tpu.dma_semaphore, #tpu.memory_space<semaphore_mem>> -> memref<!tpu.dma_semaphore, #tpu.memory_space<semaphore_mem>>
        tpu.wait_indirect_dma semaphore(%dma_wait3A_133 : memref<!tpu.dma_semaphore, #tpu.memory_space<semaphore_mem>>) src(%dma_wait3A_131 : memref<10240x128xf32, #tpu.memory_space<hbm>>) dst(%dma_wait3A_125 : memref<128x128xf32, #tpu.memory_space<vmem>>)
        %dma_start3A_134 = arith.constant 1 : i32
        %dma_start3A_135 = arith.constant 1 : i32
        %dma_start3A_136 = arith.constant 0 : i32
        %dma_start3A_137 = arith.constant 0 : i32
        %dma_start3A_138 = tpu.memref_slice %arg9[%dma_start3A_134, %dma_start3A_136, %dma_start3A_137] : memref<4x128x128xf32, #tpu.memory_space<vmem>> -> memref<1x128x128xf32, #tpu.memory_space<vmem>>
        %dma_start3A_139 = tpu.memref_squeeze %dma_start3A_138 : memref<1x128x128xf32, #tpu.memory_space<vmem>> -> memref<128x128xf32, #tpu.memory_space<vmem>>
        %dma_start3A_140 = arith.constant 0 : i32
        %dma_start3A_141 = tpu.memref_slice %arg8[%add3A_119, %dma_start3A_140] : memref<40x128xi32, #tpu.memory_space<vmem>> -> memref<1x128xi32, #tpu.memory_space<vmem>>
        %dma_start3A_142 = tpu.memref_squeeze %dma_start3A_141 : memref<1x128xi32, #tpu.memory_space<vmem>> -> memref<128xi32, #tpu.memory_space<vmem>>
        %dma_start3A_143 = arith.constant 0 : i32
        %dma_start3A_144 = arith.constant 0 : i32
        %dma_start3A_145 = tpu.memref_slice %arg10[%dma_start3A_143, %dma_start3A_144] : memref<6144x128xf32, #tpu.memory_space<vmem_shared>> -> memref<6144x128xf32, #tpu.memory_space<vmem_shared>>
        %dma_start3A_146 = tpu.memref_slice %arg12[%dma_start3A_135] : memref<4x!tpu.dma_semaphore, #tpu.memory_space<semaphore_mem>> -> memref<1x!tpu.dma_semaphore, #tpu.memory_space<semaphore_mem>>
        %dma_start3A_147 = tpu.memref_squeeze %dma_start3A_146 : memref<1x!tpu.dma_semaphore, #tpu.memory_space<semaphore_mem>> -> memref<!tpu.dma_semaphore, #tpu.memory_space<semaphore_mem>>
        tpu.enqueue_indirect_dma source(%dma_start3A_139 : memref<128x128xf32, #tpu.memory_space<vmem>>) target(%dma_start3A_145 : memref<6144x128xf32, #tpu.memory_space<vmem_shared>>) offsets(%dma_start3A_142 : memref<128xi32, #tpu.memory_space<vmem>>) semaphore(%dma_start3A_147 : memref<!tpu.dma_semaphore, #tpu.memory_space<semaphore_mem>>) {add = true}
        %mul3A_148 = arith.constant 4 : i32
        %mul3A_149 = arith.muli %scan3A_84, %mul3A_148 : i32
        %add3A_150 = arith.constant 2 : i32
        %add3A_151 = arith.addi %mul3A_149, %add3A_150 : i32
        %dma_wait3A_152 = arith.constant 2 : i32
        %dma_wait3A_153 = arith.constant 2 : i32
        %dma_wait3A_154 = arith.constant 0 : i32
        %dma_wait3A_155 = arith.constant 0 : i32
        %dma_wait3A_156 = tpu.memref_slice %arg9[%dma_wait3A_152, %dma_wait3A_154, %dma_wait3A_155] : memref<4x128x128xf32, #tpu.memory_space<vmem>> -> memref<1x128x128xf32, #tpu.memory_space<vmem>>
        %dma_wait3A_157 = tpu.memref_squeeze %dma_wait3A_156 : memref<1x128x128xf32, #tpu.memory_space<vmem>> -> memref<128x128xf32, #tpu.memory_space<vmem>>
        %dma_wait3A_158 = arith.constant 0 : i32
        %dma_wait3A_159 = tpu.memref_slice %arg7[%add3A_151, %dma_wait3A_158] : memref<40x128xi32, #tpu.memory_space<vmem>> -> memref<1x128xi32, #tpu.memory_space<vmem>>
        %dma_wait3A_160 = tpu.memref_squeeze %dma_wait3A_159 : memref<1x128xi32, #tpu.memory_space<vmem>> -> memref<128xi32, #tpu.memory_space<vmem>>
        %dma_wait3A_161 = arith.constant 0 : i32
        %dma_wait3A_162 = arith.constant 0 : i32
        %dma_wait3A_163 = tpu.memref_slice %arg2[%dma_wait3A_161, %dma_wait3A_162] : memref<10240x128xf32, #tpu.memory_space<hbm>> -> memref<10240x128xf32, #tpu.memory_space<hbm>>
        %dma_wait3A_164 = tpu.memref_slice %arg11[%dma_wait3A_153] : memref<4x!tpu.dma_semaphore, #tpu.memory_space<semaphore_mem>> -> memref<1x!tpu.dma_semaphore, #tpu.memory_space<semaphore_mem>>
        %dma_wait3A_165 = tpu.memref_squeeze %dma_wait3A_164 : memref<1x!tpu.dma_semaphore, #tpu.memory_space<semaphore_mem>> -> memref<!tpu.dma_semaphore, #tpu.memory_space<semaphore_mem>>
        tpu.wait_indirect_dma semaphore(%dma_wait3A_165 : memref<!tpu.dma_semaphore, #tpu.memory_space<semaphore_mem>>) src(%dma_wait3A_163 : memref<10240x128xf32, #tpu.memory_space<hbm>>) dst(%dma_wait3A_157 : memref<128x128xf32, #tpu.memory_space<vmem>>)
        %dma_start3A_166 = arith.constant 2 : i32
        %dma_start3A_167 = arith.constant 2 : i32
        %dma_start3A_168 = arith.constant 0 : i32
        %dma_start3A_169 = arith.constant 0 : i32
        %dma_start3A_170 = tpu.memref_slice %arg9[%dma_start3A_166, %dma_start3A_168, %dma_start3A_169] : memref<4x128x128xf32, #tpu.memory_space<vmem>> -> memref<1x128x128xf32, #tpu.memory_space<vmem>>
        %dma_start3A_171 = tpu.memref_squeeze %dma_start3A_170 : memref<1x128x128xf32, #tpu.memory_space<vmem>> -> memref<128x128xf32, #tpu.memory_space<vmem>>
        %dma_start3A_172 = arith.constant 0 : i32
        %dma_start3A_173 = tpu.memref_slice %arg8[%add3A_151, %dma_start3A_172] : memref<40x128xi32, #tpu.memory_space<vmem>> -> memref<1x128xi32, #tpu.memory_space<vmem>>
        %dma_start3A_174 = tpu.memref_squeeze %dma_start3A_173 : memref<1x128xi32, #tpu.memory_space<vmem>> -> memref<128xi32, #tpu.memory_space<vmem>>
        %dma_start3A_175 = arith.constant 0 : i32
        %dma_start3A_176 = arith.constant 0 : i32
        %dma_start3A_177 = tpu.memref_slice %arg10[%dma_start3A_175, %dma_start3A_176] : memref<6144x128xf32, #tpu.memory_space<vmem_shared>> -> memref<6144x128xf32, #tpu.memory_space<vmem_shared>>
        %dma_start3A_178 = tpu.memref_slice %arg12[%dma_start3A_167] : memref<4x!tpu.dma_semaphore, #tpu.memory_space<semaphore_mem>> -> memref<1x!tpu.dma_semaphore, #tpu.memory_space<semaphore_mem>>
        %dma_start3A_179 = tpu.memref_squeeze %dma_start3A_178 : memref<1x!tpu.dma_semaphore, #tpu.memory_space<semaphore_mem>> -> memref<!tpu.dma_semaphore, #tpu.memory_space<semaphore_mem>>
        tpu.enqueue_indirect_dma source(%dma_start3A_171 : memref<128x128xf32, #tpu.memory_space<vmem>>) target(%dma_start3A_177 : memref<6144x128xf32, #tpu.memory_space<vmem_shared>>) offsets(%dma_start3A_174 : memref<128xi32, #tpu.memory_space<vmem>>) semaphore(%dma_start3A_179 : memref<!tpu.dma_semaphore, #tpu.memory_space<semaphore_mem>>) {add = true}
        %mul3A_180 = arith.constant 4 : i32
        %mul3A_181 = arith.muli %scan3A_84, %mul3A_180 : i32
        %add3A_182 = arith.constant 3 : i32
        %add3A_183 = arith.addi %mul3A_181, %add3A_182 : i32
        %dma_wait3A_184 = arith.constant 3 : i32
        %dma_wait3A_185 = arith.constant 3 : i32
        %dma_wait3A_186 = arith.constant 0 : i32
        %dma_wait3A_187 = arith.constant 0 : i32
        %dma_wait3A_188 = tpu.memref_slice %arg9[%dma_wait3A_184, %dma_wait3A_186, %dma_wait3A_187] : memref<4x128x128xf32, #tpu.memory_space<vmem>> -> memref<1x128x128xf32, #tpu.memory_space<vmem>>
        %dma_wait3A_189 = tpu.memref_squeeze %dma_wait3A_188 : memref<1x128x128xf32, #tpu.memory_space<vmem>> -> memref<128x128xf32, #tpu.memory_space<vmem>>
        %dma_wait3A_190 = arith.constant 0 : i32
        %dma_wait3A_191 = tpu.memref_slice %arg7[%add3A_183, %dma_wait3A_190] : memref<40x128xi32, #tpu.memory_space<vmem>> -> memref<1x128xi32, #tpu.memory_space<vmem>>
        %dma_wait3A_192 = tpu.memref_squeeze %dma_wait3A_191 : memref<1x128xi32, #tpu.memory_space<vmem>> -> memref<128xi32, #tpu.memory_space<vmem>>
        %dma_wait3A_193 = arith.constant 0 : i32
        %dma_wait3A_194 = arith.constant 0 : i32
        %dma_wait3A_195 = tpu.memref_slice %arg2[%dma_wait3A_193, %dma_wait3A_194] : memref<10240x128xf32, #tpu.memory_space<hbm>> -> memref<10240x128xf32, #tpu.memory_space<hbm>>
        %dma_wait3A_196 = tpu.memref_slice %arg11[%dma_wait3A_185] : memref<4x!tpu.dma_semaphore, #tpu.memory_space<semaphore_mem>> -> memref<1x!tpu.dma_semaphore, #tpu.memory_space<semaphore_mem>>
        %dma_wait3A_197 = tpu.memref_squeeze %dma_wait3A_196 : memref<1x!tpu.dma_semaphore, #tpu.memory_space<semaphore_mem>> -> memref<!tpu.dma_semaphore, #tpu.memory_space<semaphore_mem>>
        tpu.wait_indirect_dma semaphore(%dma_wait3A_197 : memref<!tpu.dma_semaphore, #tpu.memory_space<semaphore_mem>>) src(%dma_wait3A_195 : memref<10240x128xf32, #tpu.memory_space<hbm>>) dst(%dma_wait3A_189 : memref<128x128xf32, #tpu.memory_space<vmem>>)
        %dma_start3A_198 = arith.constant 3 : i32
        %dma_start3A_199 = arith.constant 3 : i32
        %dma_start3A_200 = arith.constant 0 : i32
        %dma_start3A_201 = arith.constant 0 : i32
        %dma_start3A_202 = tpu.memref_slice %arg9[%dma_start3A_198, %dma_start3A_200, %dma_start3A_201] : memref<4x128x128xf32, #tpu.memory_space<vmem>> -> memref<1x128x128xf32, #tpu.memory_space<vmem>>
        %dma_start3A_203 = tpu.memref_squeeze %dma_start3A_202 : memref<1x128x128xf32, #tpu.memory_space<vmem>> -> memref<128x128xf32, #tpu.memory_space<vmem>>
        %dma_start3A_204 = arith.constant 0 : i32
        %dma_start3A_205 = tpu.memref_slice %arg8[%add3A_183, %dma_start3A_204] : memref<40x128xi32, #tpu.memory_space<vmem>> -> memref<1x128xi32, #tpu.memory_space<vmem>>
        %dma_start3A_206 = tpu.memref_squeeze %dma_start3A_205 : memref<1x128xi32, #tpu.memory_space<vmem>> -> memref<128xi32, #tpu.memory_space<vmem>>
        %dma_start3A_207 = arith.constant 0 : i32
        %dma_start3A_208 = arith.constant 0 : i32
        %dma_start3A_209 = tpu.memref_slice %arg10[%dma_start3A_207, %dma_start3A_208] : memref<6144x128xf32, #tpu.memory_space<vmem_shared>> -> memref<6144x128xf32, #tpu.memory_space<vmem_shared>>
        %dma_start3A_210 = tpu.memref_slice %arg12[%dma_start3A_199] : memref<4x!tpu.dma_semaphore, #tpu.memory_space<semaphore_mem>> -> memref<1x!tpu.dma_semaphore, #tpu.memory_space<semaphore_mem>>
        %dma_start3A_211 = tpu.memref_squeeze %dma_start3A_210 : memref<1x!tpu.dma_semaphore, #tpu.memory_space<semaphore_mem>> -> memref<!tpu.dma_semaphore, #tpu.memory_space<semaphore_mem>>
        tpu.enqueue_indirect_dma source(%dma_start3A_203 : memref<128x128xf32, #tpu.memory_space<vmem>>) target(%dma_start3A_209 : memref<6144x128xf32, #tpu.memory_space<vmem_shared>>) offsets(%dma_start3A_206 : memref<128xi32, #tpu.memory_space<vmem>>) semaphore(%dma_start3A_211 : memref<!tpu.dma_semaphore, #tpu.memory_space<semaphore_mem>>) {add = true}
        %mul3A_212 = arith.constant 4 : i32
        %mul3A_213 = arith.muli %scan3A_84, %mul3A_212 : i32
        %add3A_214 = arith.constant 0 : i32
        %add3A_215 = arith.addi %mul3A_213, %add3A_214 : i32
        %dma_wait3A_216 = arith.constant 0 : i32
        %dma_wait3A_217 = arith.constant 0 : i32
        %dma_wait3A_218 = arith.constant 0 : i32
        %dma_wait3A_219 = arith.constant 0 : i32
        %dma_wait3A_220 = tpu.memref_slice %arg9[%dma_wait3A_216, %dma_wait3A_218, %dma_wait3A_219] : memref<4x128x128xf32, #tpu.memory_space<vmem>> -> memref<1x128x128xf32, #tpu.memory_space<vmem>>
        %dma_wait3A_221 = tpu.memref_squeeze %dma_wait3A_220 : memref<1x128x128xf32, #tpu.memory_space<vmem>> -> memref<128x128xf32, #tpu.memory_space<vmem>>
        %dma_wait3A_222 = arith.constant 0 : i32
        %dma_wait3A_223 = tpu.memref_slice %arg8[%add3A_215, %dma_wait3A_222] : memref<40x128xi32, #tpu.memory_space<vmem>> -> memref<1x128xi32, #tpu.memory_space<vmem>>
        %dma_wait3A_224 = tpu.memref_squeeze %dma_wait3A_223 : memref<1x128xi32, #tpu.memory_space<vmem>> -> memref<128xi32, #tpu.memory_space<vmem>>
        %dma_wait3A_225 = arith.constant 0 : i32
        %dma_wait3A_226 = arith.constant 0 : i32
        %dma_wait3A_227 = tpu.memref_slice %arg10[%dma_wait3A_225, %dma_wait3A_226] : memref<6144x128xf32, #tpu.memory_space<vmem_shared>> -> memref<6144x128xf32, #tpu.memory_space<vmem_shared>>
        %dma_wait3A_228 = tpu.memref_slice %arg12[%dma_wait3A_217] : memref<4x!tpu.dma_semaphore, #tpu.memory_space<semaphore_mem>> -> memref<1x!tpu.dma_semaphore, #tpu.memory_space<semaphore_mem>>
        %dma_wait3A_229 = tpu.memref_squeeze %dma_wait3A_228 : memref<1x!tpu.dma_semaphore, #tpu.memory_space<semaphore_mem>> -> memref<!tpu.dma_semaphore, #tpu.memory_space<semaphore_mem>>
        tpu.wait_indirect_dma semaphore(%dma_wait3A_229 : memref<!tpu.dma_semaphore, #tpu.memory_space<semaphore_mem>>) src(%dma_wait3A_221 : memref<128x128xf32, #tpu.memory_space<vmem>>) dst(%dma_wait3A_227 : memref<6144x128xf32, #tpu.memory_space<vmem_shared>>)
        %lt3A = arith.constant 9 : i32
        %lt3A_230 = arith.cmpi slt, %scan3A_84, %lt3A : i32
        %convert_element_type3A = arith.extui %lt3A_230 : i1 to i32
        %cond3A = arith.constant 0 : i32
        %cond3A_231 = arith.cmpi ne, %convert_element_type3A, %cond3A : i32
        scf.if %cond3A_231 {
          %add3A_301 = arith.constant 4 : i32
          %add3A_302 = arith.addi %add3A_215, %add3A_301 : i32
          %dma_start3A_303 = arith.constant 0 : i32
          %dma_start3A_304 = arith.constant 0 : i32
          %dma_start3A_305 = arith.constant 0 : i32
          %dma_start3A_306 = arith.constant 0 : i32
          %dma_start3A_307 = tpu.memref_slice %arg9[%dma_start3A_303, %dma_start3A_305, %dma_start3A_306] : memref<4x128x128xf32, #tpu.memory_space<vmem>> -> memref<1x128x128xf32, #tpu.memory_space<vmem>>
          %dma_start3A_308 = tpu.memref_squeeze %dma_start3A_307 : memref<1x128x128xf32, #tpu.memory_space<vmem>> -> memref<128x128xf32, #tpu.memory_space<vmem>>
          %dma_start3A_309 = arith.constant 0 : i32
          %dma_start3A_310 = tpu.memref_slice %arg7[%add3A_302, %dma_start3A_309] : memref<40x128xi32, #tpu.memory_space<vmem>> -> memref<1x128xi32, #tpu.memory_space<vmem>>
          %dma_start3A_311 = tpu.memref_squeeze %dma_start3A_310 : memref<1x128xi32, #tpu.memory_space<vmem>> -> memref<128xi32, #tpu.memory_space<vmem>>
          %dma_start3A_312 = arith.constant 0 : i32
          %dma_start3A_313 = arith.constant 0 : i32
          %dma_start3A_314 = tpu.memref_slice %arg2[%dma_start3A_312, %dma_start3A_313] : memref<10240x128xf32, #tpu.memory_space<hbm>> -> memref<10240x128xf32, #tpu.memory_space<hbm>>
          %dma_start3A_315 = tpu.memref_slice %arg11[%dma_start3A_304] : memref<4x!tpu.dma_semaphore, #tpu.memory_space<semaphore_mem>> -> memref<1x!tpu.dma_semaphore, #tpu.memory_space<semaphore_mem>>
          %dma_start3A_316 = tpu.memref_squeeze %dma_start3A_315 : memref<1x!tpu.dma_semaphore, #tpu.memory_space<semaphore_mem>> -> memref<!tpu.dma_semaphore, #tpu.memory_space<semaphore_mem>>
          tpu.enqueue_indirect_dma source(%dma_start3A_314 : memref<10240x128xf32, #tpu.memory_space<hbm>>) target(%dma_start3A_308 : memref<128x128xf32, #tpu.memory_space<vmem>>) offsets(%dma_start3A_311 : memref<128xi32, #tpu.memory_space<vmem>>) semaphore(%dma_start3A_316 : memref<!tpu.dma_semaphore, #tpu.memory_space<semaphore_mem>>)
        } else {
        }
        %mul3A_232 = arith.constant 4 : i32
        %mul3A_233 = arith.muli %scan3A_84, %mul3A_232 : i32
        %add3A_234 = arith.constant 1 : i32
        %add3A_235 = arith.addi %mul3A_233, %add3A_234 : i32
        %dma_wait3A_236 = arith.constant 1 : i32
        %dma_wait3A_237 = arith.constant 1 : i32
        %dma_wait3A_238 = arith.constant 0 : i32
        %dma_wait3A_239 = arith.constant 0 : i32
        %dma_wait3A_240 = tpu.memref_slice %arg9[%dma_wait3A_236, %dma_wait3A_238, %dma_wait3A_239] : memref<4x128x128xf32, #tpu.memory_space<vmem>> -> memref<1x128x128xf32, #tpu.memory_space<vmem>>
        %dma_wait3A_241 = tpu.memref_squeeze %dma_wait3A_240 : memref<1x128x128xf32, #tpu.memory_space<vmem>> -> memref<128x128xf32, #tpu.memory_space<vmem>>
        %dma_wait3A_242 = arith.constant 0 : i32
        %dma_wait3A_243 = tpu.memref_slice %arg8[%add3A_235, %dma_wait3A_242] : memref<40x128xi32, #tpu.memory_space<vmem>> -> memref<1x128xi32, #tpu.memory_space<vmem>>
        %dma_wait3A_244 = tpu.memref_squeeze %dma_wait3A_243 : memref<1x128xi32, #tpu.memory_space<vmem>> -> memref<128xi32, #tpu.memory_space<vmem>>
        %dma_wait3A_245 = arith.constant 0 : i32
        %dma_wait3A_246 = arith.constant 0 : i32
        %dma_wait3A_247 = tpu.memref_slice %arg10[%dma_wait3A_245, %dma_wait3A_246] : memref<6144x128xf32, #tpu.memory_space<vmem_shared>> -> memref<6144x128xf32, #tpu.memory_space<vmem_shared>>
        %dma_wait3A_248 = tpu.memref_slice %arg12[%dma_wait3A_237] : memref<4x!tpu.dma_semaphore, #tpu.memory_space<semaphore_mem>> -> memref<1x!tpu.dma_semaphore, #tpu.memory_space<semaphore_mem>>
        %dma_wait3A_249 = tpu.memref_squeeze %dma_wait3A_248 : memref<1x!tpu.dma_semaphore, #tpu.memory_space<semaphore_mem>> -> memref<!tpu.dma_semaphore, #tpu.memory_space<semaphore_mem>>
        tpu.wait_indirect_dma semaphore(%dma_wait3A_249 : memref<!tpu.dma_semaphore, #tpu.memory_space<semaphore_mem>>) src(%dma_wait3A_241 : memref<128x128xf32, #tpu.memory_space<vmem>>) dst(%dma_wait3A_247 : memref<6144x128xf32, #tpu.memory_space<vmem_shared>>)
        %lt3A_250 = arith.constant 9 : i32
        %lt3A_251 = arith.cmpi slt, %scan3A_84, %lt3A_250 : i32
        %convert_element_type3A_252 = arith.extui %lt3A_251 : i1 to i32
        %cond3A_253 = arith.constant 0 : i32
        %cond3A_254 = arith.cmpi ne, %convert_element_type3A_252, %cond3A_253 : i32
        scf.if %cond3A_254 {
          %add3A_301 = arith.constant 4 : i32
          %add3A_302 = arith.addi %add3A_235, %add3A_301 : i32
          %dma_start3A_303 = arith.constant 1 : i32
          %dma_start3A_304 = arith.constant 1 : i32
          %dma_start3A_305 = arith.constant 0 : i32
          %dma_start3A_306 = arith.constant 0 : i32
          %dma_start3A_307 = tpu.memref_slice %arg9[%dma_start3A_303, %dma_start3A_305, %dma_start3A_306] : memref<4x128x128xf32, #tpu.memory_space<vmem>> -> memref<1x128x128xf32, #tpu.memory_space<vmem>>
          %dma_start3A_308 = tpu.memref_squeeze %dma_start3A_307 : memref<1x128x128xf32, #tpu.memory_space<vmem>> -> memref<128x128xf32, #tpu.memory_space<vmem>>
          %dma_start3A_309 = arith.constant 0 : i32
          %dma_start3A_310 = tpu.memref_slice %arg7[%add3A_302, %dma_start3A_309] : memref<40x128xi32, #tpu.memory_space<vmem>> -> memref<1x128xi32, #tpu.memory_space<vmem>>
          %dma_start3A_311 = tpu.memref_squeeze %dma_start3A_310 : memref<1x128xi32, #tpu.memory_space<vmem>> -> memref<128xi32, #tpu.memory_space<vmem>>
          %dma_start3A_312 = arith.constant 0 : i32
          %dma_start3A_313 = arith.constant 0 : i32
          %dma_start3A_314 = tpu.memref_slice %arg2[%dma_start3A_312, %dma_start3A_313] : memref<10240x128xf32, #tpu.memory_space<hbm>> -> memref<10240x128xf32, #tpu.memory_space<hbm>>
          %dma_start3A_315 = tpu.memref_slice %arg11[%dma_start3A_304] : memref<4x!tpu.dma_semaphore, #tpu.memory_space<semaphore_mem>> -> memref<1x!tpu.dma_semaphore, #tpu.memory_space<semaphore_mem>>
          %dma_start3A_316 = tpu.memref_squeeze %dma_start3A_315 : memref<1x!tpu.dma_semaphore, #tpu.memory_space<semaphore_mem>> -> memref<!tpu.dma_semaphore, #tpu.memory_space<semaphore_mem>>
          tpu.enqueue_indirect_dma source(%dma_start3A_314 : memref<10240x128xf32, #tpu.memory_space<hbm>>) target(%dma_start3A_308 : memref<128x128xf32, #tpu.memory_space<vmem>>) offsets(%dma_start3A_311 : memref<128xi32, #tpu.memory_space<vmem>>) semaphore(%dma_start3A_316 : memref<!tpu.dma_semaphore, #tpu.memory_space<semaphore_mem>>)
        } else {
        }
        %mul3A_255 = arith.constant 4 : i32
        %mul3A_256 = arith.muli %scan3A_84, %mul3A_255 : i32
        %add3A_257 = arith.constant 2 : i32
        %add3A_258 = arith.addi %mul3A_256, %add3A_257 : i32
        %dma_wait3A_259 = arith.constant 2 : i32
        %dma_wait3A_260 = arith.constant 2 : i32
        %dma_wait3A_261 = arith.constant 0 : i32
        %dma_wait3A_262 = arith.constant 0 : i32
        %dma_wait3A_263 = tpu.memref_slice %arg9[%dma_wait3A_259, %dma_wait3A_261, %dma_wait3A_262] : memref<4x128x128xf32, #tpu.memory_space<vmem>> -> memref<1x128x128xf32, #tpu.memory_space<vmem>>
        %dma_wait3A_264 = tpu.memref_squeeze %dma_wait3A_263 : memref<1x128x128xf32, #tpu.memory_space<vmem>> -> memref<128x128xf32, #tpu.memory_space<vmem>>
        %dma_wait3A_265 = arith.constant 0 : i32
        %dma_wait3A_266 = tpu.memref_slice %arg8[%add3A_258, %dma_wait3A_265] : memref<40x128xi32, #tpu.memory_space<vmem>> -> memref<1x128xi32, #tpu.memory_space<vmem>>
        %dma_wait3A_267 = tpu.memref_squeeze %dma_wait3A_266 : memref<1x128xi32, #tpu.memory_space<vmem>> -> memref<128xi32, #tpu.memory_space<vmem>>
        %dma_wait3A_268 = arith.constant 0 : i32
        %dma_wait3A_269 = arith.constant 0 : i32
        %dma_wait3A_270 = tpu.memref_slice %arg10[%dma_wait3A_268, %dma_wait3A_269] : memref<6144x128xf32, #tpu.memory_space<vmem_shared>> -> memref<6144x128xf32, #tpu.memory_space<vmem_shared>>
        %dma_wait3A_271 = tpu.memref_slice %arg12[%dma_wait3A_260] : memref<4x!tpu.dma_semaphore, #tpu.memory_space<semaphore_mem>> -> memref<1x!tpu.dma_semaphore, #tpu.memory_space<semaphore_mem>>
        %dma_wait3A_272 = tpu.memref_squeeze %dma_wait3A_271 : memref<1x!tpu.dma_semaphore, #tpu.memory_space<semaphore_mem>> -> memref<!tpu.dma_semaphore, #tpu.memory_space<semaphore_mem>>
        tpu.wait_indirect_dma semaphore(%dma_wait3A_272 : memref<!tpu.dma_semaphore, #tpu.memory_space<semaphore_mem>>) src(%dma_wait3A_264 : memref<128x128xf32, #tpu.memory_space<vmem>>) dst(%dma_wait3A_270 : memref<6144x128xf32, #tpu.memory_space<vmem_shared>>)
        %lt3A_273 = arith.constant 9 : i32
        %lt3A_274 = arith.cmpi slt, %scan3A_84, %lt3A_273 : i32
        %convert_element_type3A_275 = arith.extui %lt3A_274 : i1 to i32
        %cond3A_276 = arith.constant 0 : i32
        %cond3A_277 = arith.cmpi ne, %convert_element_type3A_275, %cond3A_276 : i32
        scf.if %cond3A_277 {
          %add3A_301 = arith.constant 4 : i32
          %add3A_302 = arith.addi %add3A_258, %add3A_301 : i32
          %dma_start3A_303 = arith.constant 2 : i32
          %dma_start3A_304 = arith.constant 2 : i32
          %dma_start3A_305 = arith.constant 0 : i32
          %dma_start3A_306 = arith.constant 0 : i32
          %dma_start3A_307 = tpu.memref_slice %arg9[%dma_start3A_303, %dma_start3A_305, %dma_start3A_306] : memref<4x128x128xf32, #tpu.memory_space<vmem>> -> memref<1x128x128xf32, #tpu.memory_space<vmem>>
          %dma_start3A_308 = tpu.memref_squeeze %dma_start3A_307 : memref<1x128x128xf32, #tpu.memory_space<vmem>> -> memref<128x128xf32, #tpu.memory_space<vmem>>
          %dma_start3A_309 = arith.constant 0 : i32
          %dma_start3A_310 = tpu.memref_slice %arg7[%add3A_302, %dma_start3A_309] : memref<40x128xi32, #tpu.memory_space<vmem>> -> memref<1x128xi32, #tpu.memory_space<vmem>>
          %dma_start3A_311 = tpu.memref_squeeze %dma_start3A_310 : memref<1x128xi32, #tpu.memory_space<vmem>> -> memref<128xi32, #tpu.memory_space<vmem>>
          %dma_start3A_312 = arith.constant 0 : i32
          %dma_start3A_313 = arith.constant 0 : i32
          %dma_start3A_314 = tpu.memref_slice %arg2[%dma_start3A_312, %dma_start3A_313] : memref<10240x128xf32, #tpu.memory_space<hbm>> -> memref<10240x128xf32, #tpu.memory_space<hbm>>
          %dma_start3A_315 = tpu.memref_slice %arg11[%dma_start3A_304] : memref<4x!tpu.dma_semaphore, #tpu.memory_space<semaphore_mem>> -> memref<1x!tpu.dma_semaphore, #tpu.memory_space<semaphore_mem>>
          %dma_start3A_316 = tpu.memref_squeeze %dma_start3A_315 : memref<1x!tpu.dma_semaphore, #tpu.memory_space<semaphore_mem>> -> memref<!tpu.dma_semaphore, #tpu.memory_space<semaphore_mem>>
          tpu.enqueue_indirect_dma source(%dma_start3A_314 : memref<10240x128xf32, #tpu.memory_space<hbm>>) target(%dma_start3A_308 : memref<128x128xf32, #tpu.memory_space<vmem>>) offsets(%dma_start3A_311 : memref<128xi32, #tpu.memory_space<vmem>>) semaphore(%dma_start3A_316 : memref<!tpu.dma_semaphore, #tpu.memory_space<semaphore_mem>>)
        } else {
        }
        %mul3A_278 = arith.constant 4 : i32
        %mul3A_279 = arith.muli %scan3A_84, %mul3A_278 : i32
        %add3A_280 = arith.constant 3 : i32
        %add3A_281 = arith.addi %mul3A_279, %add3A_280 : i32
        %dma_wait3A_282 = arith.constant 3 : i32
        %dma_wait3A_283 = arith.constant 3 : i32
        %dma_wait3A_284 = arith.constant 0 : i32
        %dma_wait3A_285 = arith.constant 0 : i32
        %dma_wait3A_286 = tpu.memref_slice %arg9[%dma_wait3A_282, %dma_wait3A_284, %dma_wait3A_285] : memref<4x128x128xf32, #tpu.memory_space<vmem>> -> memref<1x128x128xf32, #tpu.memory_space<vmem>>
        %dma_wait3A_287 = tpu.memref_squeeze %dma_wait3A_286 : memref<1x128x128xf32, #tpu.memory_space<vmem>> -> memref<128x128xf32, #tpu.memory_space<vmem>>
        %dma_wait3A_288 = arith.constant 0 : i32
        %dma_wait3A_289 = tpu.memref_slice %arg8[%add3A_281, %dma_wait3A_288] : memref<40x128xi32, #tpu.memory_space<vmem>> -> memref<1x128xi32, #tpu.memory_space<vmem>>
        %dma_wait3A_290 = tpu.memref_squeeze %dma_wait3A_289 : memref<1x128xi32, #tpu.memory_space<vmem>> -> memref<128xi32, #tpu.memory_space<vmem>>
        %dma_wait3A_291 = arith.constant 0 : i32
        %dma_wait3A_292 = arith.constant 0 : i32
        %dma_wait3A_293 = tpu.memref_slice %arg10[%dma_wait3A_291, %dma_wait3A_292] : memref<6144x128xf32, #tpu.memory_space<vmem_shared>> -> memref<6144x128xf32, #tpu.memory_space<vmem_shared>>
        %dma_wait3A_294 = tpu.memref_slice %arg12[%dma_wait3A_283] : memref<4x!tpu.dma_semaphore, #tpu.memory_space<semaphore_mem>> -> memref<1x!tpu.dma_semaphore, #tpu.memory_space<semaphore_mem>>
        %dma_wait3A_295 = tpu.memref_squeeze %dma_wait3A_294 : memref<1x!tpu.dma_semaphore, #tpu.memory_space<semaphore_mem>> -> memref<!tpu.dma_semaphore, #tpu.memory_space<semaphore_mem>>
        tpu.wait_indirect_dma semaphore(%dma_wait3A_295 : memref<!tpu.dma_semaphore, #tpu.memory_space<semaphore_mem>>) src(%dma_wait3A_287 : memref<128x128xf32, #tpu.memory_space<vmem>>) dst(%dma_wait3A_293 : memref<6144x128xf32, #tpu.memory_space<vmem_shared>>)
        %lt3A_296 = arith.constant 9 : i32
        %lt3A_297 = arith.cmpi slt, %scan3A_84, %lt3A_296 : i32
        %convert_element_type3A_298 = arith.extui %lt3A_297 : i1 to i32
        %cond3A_299 = arith.constant 0 : i32
        %cond3A_300 = arith.cmpi ne, %convert_element_type3A_298, %cond3A_299 : i32
        scf.if %cond3A_300 {
          %add3A_301 = arith.constant 4 : i32
          %add3A_302 = arith.addi %add3A_281, %add3A_301 : i32
          %dma_start3A_303 = arith.constant 3 : i32
          %dma_start3A_304 = arith.constant 3 : i32
          %dma_start3A_305 = arith.constant 0 : i32
          %dma_start3A_306 = arith.constant 0 : i32
          %dma_start3A_307 = tpu.memref_slice %arg9[%dma_start3A_303, %dma_start3A_305, %dma_start3A_306] : memref<4x128x128xf32, #tpu.memory_space<vmem>> -> memref<1x128x128xf32, #tpu.memory_space<vmem>>
          %dma_start3A_308 = tpu.memref_squeeze %dma_start3A_307 : memref<1x128x128xf32, #tpu.memory_space<vmem>> -> memref<128x128xf32, #tpu.memory_space<vmem>>
          %dma_start3A_309 = arith.constant 0 : i32
          %dma_start3A_310 = tpu.memref_slice %arg7[%add3A_302, %dma_start3A_309] : memref<40x128xi32, #tpu.memory_space<vmem>> -> memref<1x128xi32, #tpu.memory_space<vmem>>
          %dma_start3A_311 = tpu.memref_squeeze %dma_start3A_310 : memref<1x128xi32, #tpu.memory_space<vmem>> -> memref<128xi32, #tpu.memory_space<vmem>>
          %dma_start3A_312 = arith.constant 0 : i32
          %dma_start3A_313 = arith.constant 0 : i32
          %dma_start3A_314 = tpu.memref_slice %arg2[%dma_start3A_312, %dma_start3A_313] : memref<10240x128xf32, #tpu.memory_space<hbm>> -> memref<10240x128xf32, #tpu.memory_space<hbm>>
          %dma_start3A_315 = tpu.memref_slice %arg11[%dma_start3A_304] : memref<4x!tpu.dma_semaphore, #tpu.memory_space<semaphore_mem>> -> memref<1x!tpu.dma_semaphore, #tpu.memory_space<semaphore_mem>>
          %dma_start3A_316 = tpu.memref_squeeze %dma_start3A_315 : memref<1x!tpu.dma_semaphore, #tpu.memory_space<semaphore_mem>> -> memref<!tpu.dma_semaphore, #tpu.memory_space<semaphore_mem>>
          tpu.enqueue_indirect_dma source(%dma_start3A_314 : memref<10240x128xf32, #tpu.memory_space<hbm>>) target(%dma_start3A_308 : memref<128x128xf32, #tpu.memory_space<vmem>>) offsets(%dma_start3A_311 : memref<128xi32, #tpu.memory_space<vmem>>) semaphore(%dma_start3A_316 : memref<!tpu.dma_semaphore, #tpu.memory_space<semaphore_mem>>)
        } else {
        }
      }
      %scan3A_83 = arith.constant 10 : i32
    }
    %scan3A_9 = arith.constant 4 : i32
    %barrier3A_10 = arith.constant 0 : index
    tpu.barrier barrier_id(%barrier3A_10)
    %mul3A_11 = arith.constant 320 : i32
    %mul3A_12 = arith.muli %arg1, %mul3A_11 : i32
    %mul3A_13 = arith.constant 320 : i32
    %mul3A_14 = arith.muli %arg1, %mul3A_13 : i32
    %add3A = arith.addi %mul3A_2, %mul3A_14 : i32
    "tpu.region"() ({
      %run_scoped3A = tpu.sem_alloc : memref<!tpu.dma_semaphore, #tpu.memory_space<semaphore_mem>>
      %dma_start3A = arith.constant 0 : i32
      %dma_start3A_15 = tpu.memref_slice %arg6[%add3A, %dma_start3A] : memref<10240x128xf32, #tpu.memory_space<hbm>> -> memref<320x128xf32, #tpu.memory_space<hbm>>
      %dma_start3A_16 = arith.constant 0 : i32
      %dma_start3A_17 = tpu.memref_slice %arg10[%mul3A_12, %dma_start3A_16] : memref<6144x128xf32, #tpu.memory_space<vmem_shared>> -> memref<320x128xf32, #tpu.memory_space<vmem_shared>>
      tpu.enqueue_dma source(%dma_start3A_17 : memref<320x128xf32, #tpu.memory_space<vmem_shared>>) target(%dma_start3A_15 : memref<320x128xf32, #tpu.memory_space<hbm>>) target_semaphore(%run_scoped3A : memref<!tpu.dma_semaphore, #tpu.memory_space<semaphore_mem>>)
      %dma_wait3A = arith.constant 0 : i32
      %dma_wait3A_18 = tpu.memref_slice %arg6[%add3A, %dma_wait3A] : memref<10240x128xf32, #tpu.memory_space<hbm>> -> memref<320x128xf32, #tpu.memory_space<hbm>>
      %dma_wait3A_19 = arith.constant 0 : i32
      %dma_wait3A_20 = tpu.memref_slice %arg10[%mul3A_12, %dma_wait3A_19] : memref<6144x128xf32, #tpu.memory_space<vmem_shared>> -> memref<320x128xf32, #tpu.memory_space<vmem_shared>>
      tpu.wait_dma2 semaphore(%run_scoped3A : memref<!tpu.dma_semaphore, #tpu.memory_space<semaphore_mem>>) src(%dma_wait3A_20 : memref<320x128xf32, #tpu.memory_space<vmem_shared>>) dst(%dma_wait3A_18 : memref<320x128xf32, #tpu.memory_space<hbm>>)
      tpu.yield
    }) : () -> ()
    return
  }
}

#map = affine_map<(d0, d1) -> (0, 0)>
#map1 = affine_map<(d0, d1) -> (0, 0, 0)>
module attributes {stable_mosaic.version = 14 : i64} {
  func.func @_deg_kernel(%arg0: i32, %arg1: i32, %arg2: memref<2560x128xi32, #tpu.memory_space<hbm>>, %arg3: memref<128x128xf32, #tpu.memory_space<hbm>>, %arg4: memref<640x128xf32, #tpu.memory_space<hbm>>, %arg5: memref<2x10240x128xf32, #tpu.memory_space<hbm>>, %arg6: memref<80x128xi32, #tpu.memory_space<vmem>>, %arg7: memref<128x128xf32, #tpu.memory_space<vmem>>, %arg8: memref<10240x128xf32, #tpu.memory_space<vmem_shared>>, %arg9: memref<4x!tpu.dma_semaphore, #tpu.memory_space<semaphore_mem>>) attributes {dimension_semantics = [#tpu.dimension_semantics<core_parallel>, #tpu.dimension_semantics<subcore_parallel>], iteration_bounds = array<i64: 2, 16>, scalar_prefetch = 0 : i64, scratch_operands = 4 : i64, tpu.core_type = #tpu.core_type<sc_vector_subcore>, window_params = [{transform_indices = #map}, {transform_indices = #map}, {transform_indices = #map}, {transform_indices = #map1}]} {
    %mul3A = arith.constant 16 : i32
    %mul3A_0 = arith.muli %arg0, %mul3A : i32
    %add3A = arith.addi %mul3A_0, %arg1 : i32
    %mul3A_1 = arith.constant 80 : i32
    %mul3A_2 = arith.muli %add3A, %mul3A_1 : i32
    %mul3A_3 = arith.constant 640 : i32
    %mul3A_4 = arith.muli %arg1, %mul3A_3 : i32
    "tpu.region"() ({
      %run_scoped3A = tpu.sem_alloc : memref<!tpu.dma_semaphore, #tpu.memory_space<semaphore_mem>>
      %dma_start3A = arith.constant 0 : i32
      %dma_start3A_11 = tpu.memref_slice %arg2[%mul3A_2, %dma_start3A] : memref<2560x128xi32, #tpu.memory_space<hbm>> -> memref<80x128xi32, #tpu.memory_space<hbm>>
      %dma_start3A_12 = arith.constant 0 : i32
      %dma_start3A_13 = tpu.memref_slice %arg2[%mul3A_2, %dma_start3A_12] : memref<2560x128xi32, #tpu.memory_space<hbm>> -> memref<80x128xi32, #tpu.memory_space<hbm>>
      tpu.enqueue_dma source(%dma_start3A_13 : memref<80x128xi32, #tpu.memory_space<hbm>>) target(%arg6 : memref<80x128xi32, #tpu.memory_space<vmem>>) target_semaphore(%run_scoped3A : memref<!tpu.dma_semaphore, #tpu.memory_space<semaphore_mem>>)
      %dma_wait3A = arith.constant 0 : i32
      %dma_wait3A_14 = tpu.memref_slice %arg2[%mul3A_2, %dma_wait3A] : memref<2560x128xi32, #tpu.memory_space<hbm>> -> memref<80x128xi32, #tpu.memory_space<hbm>>
      %dma_wait3A_15 = arith.constant 0 : i32
      %dma_wait3A_16 = tpu.memref_slice %arg2[%mul3A_2, %dma_wait3A_15] : memref<2560x128xi32, #tpu.memory_space<hbm>> -> memref<80x128xi32, #tpu.memory_space<hbm>>
      tpu.wait_dma2 semaphore(%run_scoped3A : memref<!tpu.dma_semaphore, #tpu.memory_space<semaphore_mem>>) src(%dma_wait3A_16 : memref<80x128xi32, #tpu.memory_space<hbm>>) dst(%arg6 : memref<80x128xi32, #tpu.memory_space<vmem>>)
      tpu.yield
    }) : () -> ()
    "tpu.region"() ({
      %run_scoped3A = tpu.sem_alloc : memref<!tpu.dma_semaphore, #tpu.memory_space<semaphore_mem>>
      tpu.enqueue_dma source(%arg3 : memref<128x128xf32, #tpu.memory_space<hbm>>) target(%arg7 : memref<128x128xf32, #tpu.memory_space<vmem>>) target_semaphore(%run_scoped3A : memref<!tpu.dma_semaphore, #tpu.memory_space<semaphore_mem>>)
      tpu.wait_dma2 semaphore(%run_scoped3A : memref<!tpu.dma_semaphore, #tpu.memory_space<semaphore_mem>>) src(%arg3 : memref<128x128xf32, #tpu.memory_space<hbm>>) dst(%arg7 : memref<128x128xf32, #tpu.memory_space<vmem>>)
      tpu.yield
    }) : () -> ()
    "tpu.region"() ({
      %run_scoped3A = tpu.sem_alloc : memref<!tpu.dma_semaphore, #tpu.memory_space<semaphore_mem>>
      %dma_start3A = arith.constant 0 : i32
      %dma_start3A_11 = tpu.memref_slice %arg8[%mul3A_4, %dma_start3A] : memref<10240x128xf32, #tpu.memory_space<vmem_shared>> -> memref<640x128xf32, #tpu.memory_space<vmem_shared>>
      tpu.enqueue_dma source(%arg4 : memref<640x128xf32, #tpu.memory_space<hbm>>) target(%dma_start3A_11 : memref<640x128xf32, #tpu.memory_space<vmem_shared>>) target_semaphore(%run_scoped3A : memref<!tpu.dma_semaphore, #tpu.memory_space<semaphore_mem>>)
      %dma_wait3A = arith.constant 0 : i32
      %dma_wait3A_12 = tpu.memref_slice %arg8[%mul3A_4, %dma_wait3A] : memref<10240x128xf32, #tpu.memory_space<vmem_shared>> -> memref<640x128xf32, #tpu.memory_space<vmem_shared>>
      tpu.wait_dma2 semaphore(%run_scoped3A : memref<!tpu.dma_semaphore, #tpu.memory_space<semaphore_mem>>) src(%arg4 : memref<640x128xf32, #tpu.memory_space<hbm>>) dst(%dma_wait3A_12 : memref<640x128xf32, #tpu.memory_space<vmem_shared>>)
      tpu.yield
    }) : () -> ()
    %barrier3A = arith.constant 0 : index
    tpu.barrier barrier_id(%barrier3A)
    %scan3A = arith.constant 0 : i32
    %scan3A_5 = arith.constant 0 : i32
    %scan3A_6 = arith.constant 20 : i32
    %scan3A_7 = arith.addi %scan3A_5, %scan3A_6 : i32
    %scan3A_8 = arith.constant 1 : i32
    scf.for %scan3A_11 = %scan3A_5 to %scan3A_7 step %scan3A_8  : i32 {
      %mul3A_12 = arith.constant 4 : i32
      %mul3A_13 = arith.muli %scan3A_11, %mul3A_12 : i32
      %add3A_14 = arith.constant 0 : i32
      %add3A_15 = arith.addi %mul3A_13, %add3A_14 : i32
      %dma_start3A = arith.constant 0 : i32
      %dma_start3A_16 = arith.constant 0 : i32
      %dma_start3A_17 = tpu.memref_slice %arg6[%add3A_15, %dma_start3A_16] : memref<80x128xi32, #tpu.memory_space<vmem>> -> memref<1x128xi32, #tpu.memory_space<vmem>>
      %dma_start3A_18 = tpu.memref_squeeze %dma_start3A_17 : memref<1x128xi32, #tpu.memory_space<vmem>> -> memref<128xi32, #tpu.memory_space<vmem>>
      %dma_start3A_19 = arith.constant 0 : i32
      %dma_start3A_20 = arith.constant 0 : i32
      %dma_start3A_21 = tpu.memref_slice %arg8[%dma_start3A_19, %dma_start3A_20] : memref<10240x128xf32, #tpu.memory_space<vmem_shared>> -> memref<10240x128xf32, #tpu.memory_space<vmem_shared>>
      %dma_start3A_22 = tpu.memref_slice %arg9[%dma_start3A] : memref<4x!tpu.dma_semaphore, #tpu.memory_space<semaphore_mem>> -> memref<1x!tpu.dma_semaphore, #tpu.memory_space<semaphore_mem>>
      %dma_start3A_23 = tpu.memref_squeeze %dma_start3A_22 : memref<1x!tpu.dma_semaphore, #tpu.memory_space<semaphore_mem>> -> memref<!tpu.dma_semaphore, #tpu.memory_space<semaphore_mem>>
      tpu.enqueue_indirect_dma source(%arg7 : memref<128x128xf32, #tpu.memory_space<vmem>>) target(%dma_start3A_21 : memref<10240x128xf32, #tpu.memory_space<vmem_shared>>) offsets(%dma_start3A_18 : memref<128xi32, #tpu.memory_space<vmem>>) semaphore(%dma_start3A_23 : memref<!tpu.dma_semaphore, #tpu.memory_space<semaphore_mem>>) {add = true}
      %mul3A_24 = arith.constant 4 : i32
      %mul3A_25 = arith.muli %scan3A_11, %mul3A_24 : i32
      %add3A_26 = arith.constant 1 : i32
      %add3A_27 = arith.addi %mul3A_25, %add3A_26 : i32
      %dma_start3A_28 = arith.constant 1 : i32
      %dma_start3A_29 = arith.constant 0 : i32
      %dma_start3A_30 = tpu.memref_slice %arg6[%add3A_27, %dma_start3A_29] : memref<80x128xi32, #tpu.memory_space<vmem>> -> memref<1x128xi32, #tpu.memory_space<vmem>>
      %dma_start3A_31 = tpu.memref_squeeze %dma_start3A_30 : memref<1x128xi32, #tpu.memory_space<vmem>> -> memref<128xi32, #tpu.memory_space<vmem>>
      %dma_start3A_32 = arith.constant 0 : i32
      %dma_start3A_33 = arith.constant 0 : i32
      %dma_start3A_34 = tpu.memref_slice %arg8[%dma_start3A_32, %dma_start3A_33] : memref<10240x128xf32, #tpu.memory_space<vmem_shared>> -> memref<10240x128xf32, #tpu.memory_space<vmem_shared>>
      %dma_start3A_35 = tpu.memref_slice %arg9[%dma_start3A_28] : memref<4x!tpu.dma_semaphore, #tpu.memory_space<semaphore_mem>> -> memref<1x!tpu.dma_semaphore, #tpu.memory_space<semaphore_mem>>
      %dma_start3A_36 = tpu.memref_squeeze %dma_start3A_35 : memref<1x!tpu.dma_semaphore, #tpu.memory_space<semaphore_mem>> -> memref<!tpu.dma_semaphore, #tpu.memory_space<semaphore_mem>>
      tpu.enqueue_indirect_dma source(%arg7 : memref<128x128xf32, #tpu.memory_space<vmem>>) target(%dma_start3A_34 : memref<10240x128xf32, #tpu.memory_space<vmem_shared>>) offsets(%dma_start3A_31 : memref<128xi32, #tpu.memory_space<vmem>>) semaphore(%dma_start3A_36 : memref<!tpu.dma_semaphore, #tpu.memory_space<semaphore_mem>>) {add = true}
      %mul3A_37 = arith.constant 4 : i32
      %mul3A_38 = arith.muli %scan3A_11, %mul3A_37 : i32
      %add3A_39 = arith.constant 2 : i32
      %add3A_40 = arith.addi %mul3A_38, %add3A_39 : i32
      %dma_start3A_41 = arith.constant 2 : i32
      %dma_start3A_42 = arith.constant 0 : i32
      %dma_start3A_43 = tpu.memref_slice %arg6[%add3A_40, %dma_start3A_42] : memref<80x128xi32, #tpu.memory_space<vmem>> -> memref<1x128xi32, #tpu.memory_space<vmem>>
      %dma_start3A_44 = tpu.memref_squeeze %dma_start3A_43 : memref<1x128xi32, #tpu.memory_space<vmem>> -> memref<128xi32, #tpu.memory_space<vmem>>
      %dma_start3A_45 = arith.constant 0 : i32
      %dma_start3A_46 = arith.constant 0 : i32
      %dma_start3A_47 = tpu.memref_slice %arg8[%dma_start3A_45, %dma_start3A_46] : memref<10240x128xf32, #tpu.memory_space<vmem_shared>> -> memref<10240x128xf32, #tpu.memory_space<vmem_shared>>
      %dma_start3A_48 = tpu.memref_slice %arg9[%dma_start3A_41] : memref<4x!tpu.dma_semaphore, #tpu.memory_space<semaphore_mem>> -> memref<1x!tpu.dma_semaphore, #tpu.memory_space<semaphore_mem>>
      %dma_start3A_49 = tpu.memref_squeeze %dma_start3A_48 : memref<1x!tpu.dma_semaphore, #tpu.memory_space<semaphore_mem>> -> memref<!tpu.dma_semaphore, #tpu.memory_space<semaphore_mem>>
      tpu.enqueue_indirect_dma source(%arg7 : memref<128x128xf32, #tpu.memory_space<vmem>>) target(%dma_start3A_47 : memref<10240x128xf32, #tpu.memory_space<vmem_shared>>) offsets(%dma_start3A_44 : memref<128xi32, #tpu.memory_space<vmem>>) semaphore(%dma_start3A_49 : memref<!tpu.dma_semaphore, #tpu.memory_space<semaphore_mem>>) {add = true}
      %mul3A_50 = arith.constant 4 : i32
      %mul3A_51 = arith.muli %scan3A_11, %mul3A_50 : i32
      %add3A_52 = arith.constant 3 : i32
      %add3A_53 = arith.addi %mul3A_51, %add3A_52 : i32
      %dma_start3A_54 = arith.constant 3 : i32
      %dma_start3A_55 = arith.constant 0 : i32
      %dma_start3A_56 = tpu.memref_slice %arg6[%add3A_53, %dma_start3A_55] : memref<80x128xi32, #tpu.memory_space<vmem>> -> memref<1x128xi32, #tpu.memory_space<vmem>>
      %dma_start3A_57 = tpu.memref_squeeze %dma_start3A_56 : memref<1x128xi32, #tpu.memory_space<vmem>> -> memref<128xi32, #tpu.memory_space<vmem>>
      %dma_start3A_58 = arith.constant 0 : i32
      %dma_start3A_59 = arith.constant 0 : i32
      %dma_start3A_60 = tpu.memref_slice %arg8[%dma_start3A_58, %dma_start3A_59] : memref<10240x128xf32, #tpu.memory_space<vmem_shared>> -> memref<10240x128xf32, #tpu.memory_space<vmem_shared>>
      %dma_start3A_61 = tpu.memref_slice %arg9[%dma_start3A_54] : memref<4x!tpu.dma_semaphore, #tpu.memory_space<semaphore_mem>> -> memref<1x!tpu.dma_semaphore, #tpu.memory_space<semaphore_mem>>
      %dma_start3A_62 = tpu.memref_squeeze %dma_start3A_61 : memref<1x!tpu.dma_semaphore, #tpu.memory_space<semaphore_mem>> -> memref<!tpu.dma_semaphore, #tpu.memory_space<semaphore_mem>>
      tpu.enqueue_indirect_dma source(%arg7 : memref<128x128xf32, #tpu.memory_space<vmem>>) target(%dma_start3A_60 : memref<10240x128xf32, #tpu.memory_space<vmem_shared>>) offsets(%dma_start3A_57 : memref<128xi32, #tpu.memory_space<vmem>>) semaphore(%dma_start3A_62 : memref<!tpu.dma_semaphore, #tpu.memory_space<semaphore_mem>>) {add = true}
      %mul3A_63 = arith.constant 4 : i32
      %mul3A_64 = arith.muli %scan3A_11, %mul3A_63 : i32
      %add3A_65 = arith.constant 0 : i32
      %add3A_66 = arith.addi %mul3A_64, %add3A_65 : i32
      %dma_wait3A = arith.constant 0 : i32
      %dma_wait3A_67 = arith.constant 0 : i32
      %dma_wait3A_68 = tpu.memref_slice %arg6[%add3A_66, %dma_wait3A_67] : memref<80x128xi32, #tpu.memory_space<vmem>> -> memref<1x128xi32, #tpu.memory_space<vmem>>
      %dma_wait3A_69 = tpu.memref_squeeze %dma_wait3A_68 : memref<1x128xi32, #tpu.memory_space<vmem>> -> memref<128xi32, #tpu.memory_space<vmem>>
      %dma_wait3A_70 = arith.constant 0 : i32
      %dma_wait3A_71 = arith.constant 0 : i32
      %dma_wait3A_72 = tpu.memref_slice %arg8[%dma_wait3A_70, %dma_wait3A_71] : memref<10240x128xf32, #tpu.memory_space<vmem_shared>> -> memref<10240x128xf32, #tpu.memory_space<vmem_shared>>
      %dma_wait3A_73 = tpu.memref_slice %arg9[%dma_wait3A] : memref<4x!tpu.dma_semaphore, #tpu.memory_space<semaphore_mem>> -> memref<1x!tpu.dma_semaphore, #tpu.memory_space<semaphore_mem>>
      %dma_wait3A_74 = tpu.memref_squeeze %dma_wait3A_73 : memref<1x!tpu.dma_semaphore, #tpu.memory_space<semaphore_mem>> -> memref<!tpu.dma_semaphore, #tpu.memory_space<semaphore_mem>>
      tpu.wait_indirect_dma semaphore(%dma_wait3A_74 : memref<!tpu.dma_semaphore, #tpu.memory_space<semaphore_mem>>) src(%arg7 : memref<128x128xf32, #tpu.memory_space<vmem>>) dst(%dma_wait3A_72 : memref<10240x128xf32, #tpu.memory_space<vmem_shared>>)
      %mul3A_75 = arith.constant 4 : i32
      %mul3A_76 = arith.muli %scan3A_11, %mul3A_75 : i32
      %add3A_77 = arith.constant 1 : i32
      %add3A_78 = arith.addi %mul3A_76, %add3A_77 : i32
      %dma_wait3A_79 = arith.constant 1 : i32
      %dma_wait3A_80 = arith.constant 0 : i32
      %dma_wait3A_81 = tpu.memref_slice %arg6[%add3A_78, %dma_wait3A_80] : memref<80x128xi32, #tpu.memory_space<vmem>> -> memref<1x128xi32, #tpu.memory_space<vmem>>
      %dma_wait3A_82 = tpu.memref_squeeze %dma_wait3A_81 : memref<1x128xi32, #tpu.memory_space<vmem>> -> memref<128xi32, #tpu.memory_space<vmem>>
      %dma_wait3A_83 = arith.constant 0 : i32
      %dma_wait3A_84 = arith.constant 0 : i32
      %dma_wait3A_85 = tpu.memref_slice %arg8[%dma_wait3A_83, %dma_wait3A_84] : memref<10240x128xf32, #tpu.memory_space<vmem_shared>> -> memref<10240x128xf32, #tpu.memory_space<vmem_shared>>
      %dma_wait3A_86 = tpu.memref_slice %arg9[%dma_wait3A_79] : memref<4x!tpu.dma_semaphore, #tpu.memory_space<semaphore_mem>> -> memref<1x!tpu.dma_semaphore, #tpu.memory_space<semaphore_mem>>
      %dma_wait3A_87 = tpu.memref_squeeze %dma_wait3A_86 : memref<1x!tpu.dma_semaphore, #tpu.memory_space<semaphore_mem>> -> memref<!tpu.dma_semaphore, #tpu.memory_space<semaphore_mem>>
      tpu.wait_indirect_dma semaphore(%dma_wait3A_87 : memref<!tpu.dma_semaphore, #tpu.memory_space<semaphore_mem>>) src(%arg7 : memref<128x128xf32, #tpu.memory_space<vmem>>) dst(%dma_wait3A_85 : memref<10240x128xf32, #tpu.memory_space<vmem_shared>>)
      %mul3A_88 = arith.constant 4 : i32
      %mul3A_89 = arith.muli %scan3A_11, %mul3A_88 : i32
      %add3A_90 = arith.constant 2 : i32
      %add3A_91 = arith.addi %mul3A_89, %add3A_90 : i32
      %dma_wait3A_92 = arith.constant 2 : i32
      %dma_wait3A_93 = arith.constant 0 : i32
      %dma_wait3A_94 = tpu.memref_slice %arg6[%add3A_91, %dma_wait3A_93] : memref<80x128xi32, #tpu.memory_space<vmem>> -> memref<1x128xi32, #tpu.memory_space<vmem>>
      %dma_wait3A_95 = tpu.memref_squeeze %dma_wait3A_94 : memref<1x128xi32, #tpu.memory_space<vmem>> -> memref<128xi32, #tpu.memory_space<vmem>>
      %dma_wait3A_96 = arith.constant 0 : i32
      %dma_wait3A_97 = arith.constant 0 : i32
      %dma_wait3A_98 = tpu.memref_slice %arg8[%dma_wait3A_96, %dma_wait3A_97] : memref<10240x128xf32, #tpu.memory_space<vmem_shared>> -> memref<10240x128xf32, #tpu.memory_space<vmem_shared>>
      %dma_wait3A_99 = tpu.memref_slice %arg9[%dma_wait3A_92] : memref<4x!tpu.dma_semaphore, #tpu.memory_space<semaphore_mem>> -> memref<1x!tpu.dma_semaphore, #tpu.memory_space<semaphore_mem>>
      %dma_wait3A_100 = tpu.memref_squeeze %dma_wait3A_99 : memref<1x!tpu.dma_semaphore, #tpu.memory_space<semaphore_mem>> -> memref<!tpu.dma_semaphore, #tpu.memory_space<semaphore_mem>>
      tpu.wait_indirect_dma semaphore(%dma_wait3A_100 : memref<!tpu.dma_semaphore, #tpu.memory_space<semaphore_mem>>) src(%arg7 : memref<128x128xf32, #tpu.memory_space<vmem>>) dst(%dma_wait3A_98 : memref<10240x128xf32, #tpu.memory_space<vmem_shared>>)
      %mul3A_101 = arith.constant 4 : i32
      %mul3A_102 = arith.muli %scan3A_11, %mul3A_101 : i32
      %add3A_103 = arith.constant 3 : i32
      %add3A_104 = arith.addi %mul3A_102, %add3A_103 : i32
      %dma_wait3A_105 = arith.constant 3 : i32
      %dma_wait3A_106 = arith.constant 0 : i32
      %dma_wait3A_107 = tpu.memref_slice %arg6[%add3A_104, %dma_wait3A_106] : memref<80x128xi32, #tpu.memory_space<vmem>> -> memref<1x128xi32, #tpu.memory_space<vmem>>
      %dma_wait3A_108 = tpu.memref_squeeze %dma_wait3A_107 : memref<1x128xi32, #tpu.memory_space<vmem>> -> memref<128xi32, #tpu.memory_space<vmem>>
      %dma_wait3A_109 = arith.constant 0 : i32
      %dma_wait3A_110 = arith.constant 0 : i32
      %dma_wait3A_111 = tpu.memref_slice %arg8[%dma_wait3A_109, %dma_wait3A_110] : memref<10240x128xf32, #tpu.memory_space<vmem_shared>> -> memref<10240x128xf32, #tpu.memory_space<vmem_shared>>
      %dma_wait3A_112 = tpu.memref_slice %arg9[%dma_wait3A_105] : memref<4x!tpu.dma_semaphore, #tpu.memory_space<semaphore_mem>> -> memref<1x!tpu.dma_semaphore, #tpu.memory_space<semaphore_mem>>
      %dma_wait3A_113 = tpu.memref_squeeze %dma_wait3A_112 : memref<1x!tpu.dma_semaphore, #tpu.memory_space<semaphore_mem>> -> memref<!tpu.dma_semaphore, #tpu.memory_space<semaphore_mem>>
      tpu.wait_indirect_dma semaphore(%dma_wait3A_113 : memref<!tpu.dma_semaphore, #tpu.memory_space<semaphore_mem>>) src(%arg7 : memref<128x128xf32, #tpu.memory_space<vmem>>) dst(%dma_wait3A_111 : memref<10240x128xf32, #tpu.memory_space<vmem_shared>>)
    }
    %scan3A_9 = arith.constant 20 : i32
    %barrier3A_10 = arith.constant 0 : index
    tpu.barrier barrier_id(%barrier3A_10)
    "tpu.region"() ({
      %run_scoped3A = tpu.sem_alloc : memref<!tpu.dma_semaphore, #tpu.memory_space<semaphore_mem>>
      %dma_start3A = arith.constant 0 : i32
      %dma_start3A_11 = arith.constant 0 : i32
      %dma_start3A_12 = tpu.memref_slice %arg5[%arg0, %dma_start3A, %dma_start3A_11] : memref<2x10240x128xf32, #tpu.memory_space<hbm>> -> memref<1x10240x128xf32, #tpu.memory_space<hbm>>
      %dma_start3A_13 = tpu.memref_squeeze %dma_start3A_12 : memref<1x10240x128xf32, #tpu.memory_space<hbm>> -> memref<10240x128xf32, #tpu.memory_space<hbm>>
      %dma_start3A_14 = arith.constant 0 : i32
      %dma_start3A_15 = tpu.memref_slice %dma_start3A_13[%mul3A_4, %dma_start3A_14] : memref<10240x128xf32, #tpu.memory_space<hbm>> -> memref<640x128xf32, #tpu.memory_space<hbm>>
      %dma_start3A_16 = arith.constant 0 : i32
      %dma_start3A_17 = tpu.memref_slice %arg8[%mul3A_4, %dma_start3A_16] : memref<10240x128xf32, #tpu.memory_space<vmem_shared>> -> memref<640x128xf32, #tpu.memory_space<vmem_shared>>
      tpu.enqueue_dma source(%dma_start3A_17 : memref<640x128xf32, #tpu.memory_space<vmem_shared>>) target(%dma_start3A_15 : memref<640x128xf32, #tpu.memory_space<hbm>>) target_semaphore(%run_scoped3A : memref<!tpu.dma_semaphore, #tpu.memory_space<semaphore_mem>>)
      %dma_wait3A = arith.constant 0 : i32
      %dma_wait3A_18 = arith.constant 0 : i32
      %dma_wait3A_19 = tpu.memref_slice %arg5[%arg0, %dma_wait3A, %dma_wait3A_18] : memref<2x10240x128xf32, #tpu.memory_space<hbm>> -> memref<1x10240x128xf32, #tpu.memory_space<hbm>>
      %dma_wait3A_20 = tpu.memref_squeeze %dma_wait3A_19 : memref<1x10240x128xf32, #tpu.memory_space<hbm>> -> memref<10240x128xf32, #tpu.memory_space<hbm>>
      %dma_wait3A_21 = arith.constant 0 : i32
      %dma_wait3A_22 = tpu.memref_slice %dma_wait3A_20[%mul3A_4, %dma_wait3A_21] : memref<10240x128xf32, #tpu.memory_space<hbm>> -> memref<640x128xf32, #tpu.memory_space<hbm>>
      %dma_wait3A_23 = arith.constant 0 : i32
      %dma_wait3A_24 = tpu.memref_slice %arg8[%mul3A_4, %dma_wait3A_23] : memref<10240x128xf32, #tpu.memory_space<vmem_shared>> -> memref<640x128xf32, #tpu.memory_space<vmem_shared>>
      tpu.wait_dma2 semaphore(%run_scoped3A : memref<!tpu.dma_semaphore, #tpu.memory_space<semaphore_mem>>) src(%dma_wait3A_24 : memref<640x128xf32, #tpu.memory_space<vmem_shared>>) dst(%dma_wait3A_22 : memref<640x128xf32, #tpu.memory_space<hbm>>)
      tpu.yield
    }) : () -> ()
    return
  }
}

#map = affine_map<(d0, d1) -> (0, 0)>
#map1 = affine_map<(d0, d1) -> (0, 0, 0)>
module attributes {stable_mosaic.version = 14 : i64} {
  func.func @_agg_kernel(%arg0: i32, %arg1: i32, %arg2: memref<10240x128xf32, #tpu.memory_space<hbm>>, %arg3: memref<2560x128xi32, #tpu.memory_space<hbm>>, %arg4: memref<2x2560x128xi32, #tpu.memory_space<hbm>>, %arg5: memref<384x128xf32, #tpu.memory_space<hbm>>, %arg6: memref<10240x128xf32, #tpu.memory_space<hbm>>, %arg7: memref<40x128xi32, #tpu.memory_space<vmem>>, %arg8: memref<40x128xi32, #tpu.memory_space<vmem>>, %arg9: memref<4x128x128xf32, #tpu.memory_space<vmem>>, %arg10: memref<6144x128xf32, #tpu.memory_space<vmem_shared>>, %arg11: memref<4x!tpu.dma_semaphore, #tpu.memory_space<semaphore_mem>>, %arg12: memref<4x!tpu.dma_semaphore, #tpu.memory_space<semaphore_mem>>) attributes {dimension_semantics = [#tpu.dimension_semantics<core_parallel>, #tpu.dimension_semantics<subcore_parallel>], iteration_bounds = array<i64: 2, 16>, scalar_prefetch = 0 : i64, scratch_operands = 6 : i64, tpu.core_type = #tpu.core_type<sc_vector_subcore>, window_params = [{transform_indices = #map}, {transform_indices = #map}, {transform_indices = #map1}, {transform_indices = #map}, {transform_indices = #map}]} {
    %mul3A = arith.constant 160 : i32
    %mul3A_0 = arith.muli %arg1, %mul3A : i32
    %mul3A_1 = arith.constant 5120 : i32
    %mul3A_2 = arith.muli %arg0, %mul3A_1 : i32
    %mul3A_3 = arith.constant 384 : i32
    %mul3A_4 = arith.muli %arg1, %mul3A_3 : i32
    "tpu.region"() ({
      %run_scoped3A = tpu.sem_alloc : memref<!tpu.dma_semaphore, #tpu.memory_space<semaphore_mem>>
      %dma_start3A = arith.constant 0 : i32
      %dma_start3A_15 = tpu.memref_slice %arg10[%mul3A_4, %dma_start3A] : memref<6144x128xf32, #tpu.memory_space<vmem_shared>> -> memref<384x128xf32, #tpu.memory_space<vmem_shared>>
      tpu.enqueue_dma source(%arg5 : memref<384x128xf32, #tpu.memory_space<hbm>>) target(%dma_start3A_15 : memref<384x128xf32, #tpu.memory_space<vmem_shared>>) target_semaphore(%run_scoped3A : memref<!tpu.dma_semaphore, #tpu.memory_space<semaphore_mem>>)
      %dma_wait3A = arith.constant 0 : i32
      %dma_wait3A_16 = tpu.memref_slice %arg10[%mul3A_4, %dma_wait3A] : memref<6144x128xf32, #tpu.memory_space<vmem_shared>> -> memref<384x128xf32, #tpu.memory_space<vmem_shared>>
      tpu.wait_dma2 semaphore(%run_scoped3A : memref<!tpu.dma_semaphore, #tpu.memory_space<semaphore_mem>>) src(%arg5 : memref<384x128xf32, #tpu.memory_space<hbm>>) dst(%dma_wait3A_16 : memref<384x128xf32, #tpu.memory_space<vmem_shared>>)
      tpu.yield
    }) : () -> ()
    %barrier3A = arith.constant 0 : index
    tpu.barrier barrier_id(%barrier3A)
    %scan3A = arith.constant 0 : i32
    %scan3A_5 = arith.constant 0 : i32
    %scan3A_6 = arith.constant 4 : i32
    %scan3A_7 = arith.addi %scan3A_5, %scan3A_6 : i32
    %scan3A_8 = arith.constant 1 : i32
    scf.for %scan3A_15 = %scan3A_5 to %scan3A_7 step %scan3A_8  : i32 {
      %mul3A_16 = arith.constant 40 : i32
      %mul3A_17 = arith.muli %scan3A_15, %mul3A_16 : i32
      %add3A_18 = arith.addi %mul3A_0, %mul3A_17 : i32
      "tpu.region"() ({
        %run_scoped3A = tpu.sem_alloc : memref<!tpu.dma_semaphore, #tpu.memory_space<semaphore_mem>>
        %dma_start3A_84 = arith.constant 0 : i32
        %dma_start3A_85 = tpu.memref_slice %arg3[%add3A_18, %dma_start3A_84] : memref<2560x128xi32, #tpu.memory_space<hbm>> -> memref<40x128xi32, #tpu.memory_space<hbm>>
        %dma_start3A_86 = arith.constant 0 : i32
        %dma_start3A_87 = tpu.memref_slice %arg3[%add3A_18, %dma_start3A_86] : memref<2560x128xi32, #tpu.memory_space<hbm>> -> memref<40x128xi32, #tpu.memory_space<hbm>>
        tpu.enqueue_dma source(%dma_start3A_87 : memref<40x128xi32, #tpu.memory_space<hbm>>) target(%arg7 : memref<40x128xi32, #tpu.memory_space<vmem>>) target_semaphore(%run_scoped3A : memref<!tpu.dma_semaphore, #tpu.memory_space<semaphore_mem>>)
        %dma_wait3A = arith.constant 0 : i32
        %dma_wait3A_88 = tpu.memref_slice %arg3[%add3A_18, %dma_wait3A] : memref<2560x128xi32, #tpu.memory_space<hbm>> -> memref<40x128xi32, #tpu.memory_space<hbm>>
        %dma_wait3A_89 = arith.constant 0 : i32
        %dma_wait3A_90 = tpu.memref_slice %arg3[%add3A_18, %dma_wait3A_89] : memref<2560x128xi32, #tpu.memory_space<hbm>> -> memref<40x128xi32, #tpu.memory_space<hbm>>
        tpu.wait_dma2 semaphore(%run_scoped3A : memref<!tpu.dma_semaphore, #tpu.memory_space<semaphore_mem>>) src(%dma_wait3A_90 : memref<40x128xi32, #tpu.memory_space<hbm>>) dst(%arg7 : memref<40x128xi32, #tpu.memory_space<vmem>>)
        tpu.yield
      }) : () -> ()
      "tpu.region"() ({
        %run_scoped3A = tpu.sem_alloc : memref<!tpu.dma_semaphore, #tpu.memory_space<semaphore_mem>>
        %dma_start3A_84 = arith.constant 0 : i32
        %dma_start3A_85 = arith.constant 0 : i32
        %dma_start3A_86 = tpu.memref_slice %arg4[%arg0, %dma_start3A_84, %dma_start3A_85] : memref<2x2560x128xi32, #tpu.memory_space<hbm>> -> memref<1x2560x128xi32, #tpu.memory_space<hbm>>
        %dma_start3A_87 = tpu.memref_squeeze %dma_start3A_86 : memref<1x2560x128xi32, #tpu.memory_space<hbm>> -> memref<2560x128xi32, #tpu.memory_space<hbm>>
        %dma_start3A_88 = arith.constant 0 : i32
        %dma_start3A_89 = tpu.memref_slice %dma_start3A_87[%add3A_18, %dma_start3A_88] : memref<2560x128xi32, #tpu.memory_space<hbm>> -> memref<40x128xi32, #tpu.memory_space<hbm>>
        %dma_start3A_90 = arith.constant 0 : i32
        %dma_start3A_91 = arith.constant 0 : i32
        %dma_start3A_92 = tpu.memref_slice %arg4[%arg0, %dma_start3A_90, %dma_start3A_91] : memref<2x2560x128xi32, #tpu.memory_space<hbm>> -> memref<1x2560x128xi32, #tpu.memory_space<hbm>>
        %dma_start3A_93 = tpu.memref_squeeze %dma_start3A_92 : memref<1x2560x128xi32, #tpu.memory_space<hbm>> -> memref<2560x128xi32, #tpu.memory_space<hbm>>
        %dma_start3A_94 = arith.constant 0 : i32
        %dma_start3A_95 = tpu.memref_slice %dma_start3A_93[%add3A_18, %dma_start3A_94] : memref<2560x128xi32, #tpu.memory_space<hbm>> -> memref<40x128xi32, #tpu.memory_space<hbm>>
        tpu.enqueue_dma source(%dma_start3A_95 : memref<40x128xi32, #tpu.memory_space<hbm>>) target(%arg8 : memref<40x128xi32, #tpu.memory_space<vmem>>) target_semaphore(%run_scoped3A : memref<!tpu.dma_semaphore, #tpu.memory_space<semaphore_mem>>)
        %dma_wait3A = arith.constant 0 : i32
        %dma_wait3A_96 = arith.constant 0 : i32
        %dma_wait3A_97 = tpu.memref_slice %arg4[%arg0, %dma_wait3A, %dma_wait3A_96] : memref<2x2560x128xi32, #tpu.memory_space<hbm>> -> memref<1x2560x128xi32, #tpu.memory_space<hbm>>
        %dma_wait3A_98 = tpu.memref_squeeze %dma_wait3A_97 : memref<1x2560x128xi32, #tpu.memory_space<hbm>> -> memref<2560x128xi32, #tpu.memory_space<hbm>>
        %dma_wait3A_99 = arith.constant 0 : i32
        %dma_wait3A_100 = tpu.memref_slice %dma_wait3A_98[%add3A_18, %dma_wait3A_99] : memref<2560x128xi32, #tpu.memory_space<hbm>> -> memref<40x128xi32, #tpu.memory_space<hbm>>
        %dma_wait3A_101 = arith.constant 0 : i32
        %dma_wait3A_102 = arith.constant 0 : i32
        %dma_wait3A_103 = tpu.memref_slice %arg4[%arg0, %dma_wait3A_101, %dma_wait3A_102] : memref<2x2560x128xi32, #tpu.memory_space<hbm>> -> memref<1x2560x128xi32, #tpu.memory_space<hbm>>
        %dma_wait3A_104 = tpu.memref_squeeze %dma_wait3A_103 : memref<1x2560x128xi32, #tpu.memory_space<hbm>> -> memref<2560x128xi32, #tpu.memory_space<hbm>>
        %dma_wait3A_105 = arith.constant 0 : i32
        %dma_wait3A_106 = tpu.memref_slice %dma_wait3A_104[%add3A_18, %dma_wait3A_105] : memref<2560x128xi32, #tpu.memory_space<hbm>> -> memref<40x128xi32, #tpu.memory_space<hbm>>
        tpu.wait_dma2 semaphore(%run_scoped3A : memref<!tpu.dma_semaphore, #tpu.memory_space<semaphore_mem>>) src(%dma_wait3A_106 : memref<40x128xi32, #tpu.memory_space<hbm>>) dst(%arg8 : memref<40x128xi32, #tpu.memory_space<vmem>>)
        tpu.yield
      }) : () -> ()
      %dma_start3A = arith.constant 0 : i32
      %dma_start3A_19 = arith.constant 0 : i32
      %dma_start3A_20 = arith.constant 0 : i32
      %dma_start3A_21 = arith.constant 0 : i32
      %dma_start3A_22 = arith.constant 0 : i32
      %dma_start3A_23 = tpu.memref_slice %arg9[%dma_start3A_19, %dma_start3A_21, %dma_start3A_22] : memref<4x128x128xf32, #tpu.memory_space<vmem>> -> memref<1x128x128xf32, #tpu.memory_space<vmem>>
      %dma_start3A_24 = tpu.memref_squeeze %dma_start3A_23 : memref<1x128x128xf32, #tpu.memory_space<vmem>> -> memref<128x128xf32, #tpu.memory_space<vmem>>
      %dma_start3A_25 = arith.constant 0 : i32
      %dma_start3A_26 = tpu.memref_slice %arg7[%dma_start3A, %dma_start3A_25] : memref<40x128xi32, #tpu.memory_space<vmem>> -> memref<1x128xi32, #tpu.memory_space<vmem>>
      %dma_start3A_27 = tpu.memref_squeeze %dma_start3A_26 : memref<1x128xi32, #tpu.memory_space<vmem>> -> memref<128xi32, #tpu.memory_space<vmem>>
      %dma_start3A_28 = arith.constant 0 : i32
      %dma_start3A_29 = arith.constant 0 : i32
      %dma_start3A_30 = tpu.memref_slice %arg2[%dma_start3A_28, %dma_start3A_29] : memref<10240x128xf32, #tpu.memory_space<hbm>> -> memref<10240x128xf32, #tpu.memory_space<hbm>>
      %dma_start3A_31 = tpu.memref_slice %arg11[%dma_start3A_20] : memref<4x!tpu.dma_semaphore, #tpu.memory_space<semaphore_mem>> -> memref<1x!tpu.dma_semaphore, #tpu.memory_space<semaphore_mem>>
      %dma_start3A_32 = tpu.memref_squeeze %dma_start3A_31 : memref<1x!tpu.dma_semaphore, #tpu.memory_space<semaphore_mem>> -> memref<!tpu.dma_semaphore, #tpu.memory_space<semaphore_mem>>
      tpu.enqueue_indirect_dma source(%dma_start3A_30 : memref<10240x128xf32, #tpu.memory_space<hbm>>) target(%dma_start3A_24 : memref<128x128xf32, #tpu.memory_space<vmem>>) offsets(%dma_start3A_27 : memref<128xi32, #tpu.memory_space<vmem>>) semaphore(%dma_start3A_32 : memref<!tpu.dma_semaphore, #tpu.memory_space<semaphore_mem>>)
      %dma_start3A_33 = arith.constant 1 : i32
      %dma_start3A_34 = arith.constant 1 : i32
      %dma_start3A_35 = arith.constant 1 : i32
      %dma_start3A_36 = arith.constant 0 : i32
      %dma_start3A_37 = arith.constant 0 : i32
      %dma_start3A_38 = tpu.memref_slice %arg9[%dma_start3A_34, %dma_start3A_36, %dma_start3A_37] : memref<4x128x128xf32, #tpu.memory_space<vmem>> -> memref<1x128x128xf32, #tpu.memory_space<vmem>>
      %dma_start3A_39 = tpu.memref_squeeze %dma_start3A_38 : memref<1x128x128xf32, #tpu.memory_space<vmem>> -> memref<128x128xf32, #tpu.memory_space<vmem>>
      %dma_start3A_40 = arith.constant 0 : i32
      %dma_start3A_41 = tpu.memref_slice %arg7[%dma_start3A_33, %dma_start3A_40] : memref<40x128xi32, #tpu.memory_space<vmem>> -> memref<1x128xi32, #tpu.memory_space<vmem>>
      %dma_start3A_42 = tpu.memref_squeeze %dma_start3A_41 : memref<1x128xi32, #tpu.memory_space<vmem>> -> memref<128xi32, #tpu.memory_space<vmem>>
      %dma_start3A_43 = arith.constant 0 : i32
      %dma_start3A_44 = arith.constant 0 : i32
      %dma_start3A_45 = tpu.memref_slice %arg2[%dma_start3A_43, %dma_start3A_44] : memref<10240x128xf32, #tpu.memory_space<hbm>> -> memref<10240x128xf32, #tpu.memory_space<hbm>>
      %dma_start3A_46 = tpu.memref_slice %arg11[%dma_start3A_35] : memref<4x!tpu.dma_semaphore, #tpu.memory_space<semaphore_mem>> -> memref<1x!tpu.dma_semaphore, #tpu.memory_space<semaphore_mem>>
      %dma_start3A_47 = tpu.memref_squeeze %dma_start3A_46 : memref<1x!tpu.dma_semaphore, #tpu.memory_space<semaphore_mem>> -> memref<!tpu.dma_semaphore, #tpu.memory_space<semaphore_mem>>
      tpu.enqueue_indirect_dma source(%dma_start3A_45 : memref<10240x128xf32, #tpu.memory_space<hbm>>) target(%dma_start3A_39 : memref<128x128xf32, #tpu.memory_space<vmem>>) offsets(%dma_start3A_42 : memref<128xi32, #tpu.memory_space<vmem>>) semaphore(%dma_start3A_47 : memref<!tpu.dma_semaphore, #tpu.memory_space<semaphore_mem>>)
      %dma_start3A_48 = arith.constant 2 : i32
      %dma_start3A_49 = arith.constant 2 : i32
      %dma_start3A_50 = arith.constant 2 : i32
      %dma_start3A_51 = arith.constant 0 : i32
      %dma_start3A_52 = arith.constant 0 : i32
      %dma_start3A_53 = tpu.memref_slice %arg9[%dma_start3A_49, %dma_start3A_51, %dma_start3A_52] : memref<4x128x128xf32, #tpu.memory_space<vmem>> -> memref<1x128x128xf32, #tpu.memory_space<vmem>>
      %dma_start3A_54 = tpu.memref_squeeze %dma_start3A_53 : memref<1x128x128xf32, #tpu.memory_space<vmem>> -> memref<128x128xf32, #tpu.memory_space<vmem>>
      %dma_start3A_55 = arith.constant 0 : i32
      %dma_start3A_56 = tpu.memref_slice %arg7[%dma_start3A_48, %dma_start3A_55] : memref<40x128xi32, #tpu.memory_space<vmem>> -> memref<1x128xi32, #tpu.memory_space<vmem>>
      %dma_start3A_57 = tpu.memref_squeeze %dma_start3A_56 : memref<1x128xi32, #tpu.memory_space<vmem>> -> memref<128xi32, #tpu.memory_space<vmem>>
      %dma_start3A_58 = arith.constant 0 : i32
      %dma_start3A_59 = arith.constant 0 : i32
      %dma_start3A_60 = tpu.memref_slice %arg2[%dma_start3A_58, %dma_start3A_59] : memref<10240x128xf32, #tpu.memory_space<hbm>> -> memref<10240x128xf32, #tpu.memory_space<hbm>>
      %dma_start3A_61 = tpu.memref_slice %arg11[%dma_start3A_50] : memref<4x!tpu.dma_semaphore, #tpu.memory_space<semaphore_mem>> -> memref<1x!tpu.dma_semaphore, #tpu.memory_space<semaphore_mem>>
      %dma_start3A_62 = tpu.memref_squeeze %dma_start3A_61 : memref<1x!tpu.dma_semaphore, #tpu.memory_space<semaphore_mem>> -> memref<!tpu.dma_semaphore, #tpu.memory_space<semaphore_mem>>
      tpu.enqueue_indirect_dma source(%dma_start3A_60 : memref<10240x128xf32, #tpu.memory_space<hbm>>) target(%dma_start3A_54 : memref<128x128xf32, #tpu.memory_space<vmem>>) offsets(%dma_start3A_57 : memref<128xi32, #tpu.memory_space<vmem>>) semaphore(%dma_start3A_62 : memref<!tpu.dma_semaphore, #tpu.memory_space<semaphore_mem>>)
      %dma_start3A_63 = arith.constant 3 : i32
      %dma_start3A_64 = arith.constant 3 : i32
      %dma_start3A_65 = arith.constant 3 : i32
      %dma_start3A_66 = arith.constant 0 : i32
      %dma_start3A_67 = arith.constant 0 : i32
      %dma_start3A_68 = tpu.memref_slice %arg9[%dma_start3A_64, %dma_start3A_66, %dma_start3A_67] : memref<4x128x128xf32, #tpu.memory_space<vmem>> -> memref<1x128x128xf32, #tpu.memory_space<vmem>>
      %dma_start3A_69 = tpu.memref_squeeze %dma_start3A_68 : memref<1x128x128xf32, #tpu.memory_space<vmem>> -> memref<128x128xf32, #tpu.memory_space<vmem>>
      %dma_start3A_70 = arith.constant 0 : i32
      %dma_start3A_71 = tpu.memref_slice %arg7[%dma_start3A_63, %dma_start3A_70] : memref<40x128xi32, #tpu.memory_space<vmem>> -> memref<1x128xi32, #tpu.memory_space<vmem>>
      %dma_start3A_72 = tpu.memref_squeeze %dma_start3A_71 : memref<1x128xi32, #tpu.memory_space<vmem>> -> memref<128xi32, #tpu.memory_space<vmem>>
      %dma_start3A_73 = arith.constant 0 : i32
      %dma_start3A_74 = arith.constant 0 : i32
      %dma_start3A_75 = tpu.memref_slice %arg2[%dma_start3A_73, %dma_start3A_74] : memref<10240x128xf32, #tpu.memory_space<hbm>> -> memref<10240x128xf32, #tpu.memory_space<hbm>>
      %dma_start3A_76 = tpu.memref_slice %arg11[%dma_start3A_65] : memref<4x!tpu.dma_semaphore, #tpu.memory_space<semaphore_mem>> -> memref<1x!tpu.dma_semaphore, #tpu.memory_space<semaphore_mem>>
      %dma_start3A_77 = tpu.memref_squeeze %dma_start3A_76 : memref<1x!tpu.dma_semaphore, #tpu.memory_space<semaphore_mem>> -> memref<!tpu.dma_semaphore, #tpu.memory_space<semaphore_mem>>
      tpu.enqueue_indirect_dma source(%dma_start3A_75 : memref<10240x128xf32, #tpu.memory_space<hbm>>) target(%dma_start3A_69 : memref<128x128xf32, #tpu.memory_space<vmem>>) offsets(%dma_start3A_72 : memref<128xi32, #tpu.memory_space<vmem>>) semaphore(%dma_start3A_77 : memref<!tpu.dma_semaphore, #tpu.memory_space<semaphore_mem>>)
      %scan3A_78 = arith.constant 0 : i32
      %scan3A_79 = arith.constant 0 : i32
      %scan3A_80 = arith.constant 10 : i32
      %scan3A_81 = arith.addi %scan3A_79, %scan3A_80 : i32
      %scan3A_82 = arith.constant 1 : i32
      scf.for %scan3A_84 = %scan3A_79 to %scan3A_81 step %scan3A_82  : i32 {
        %mul3A_85 = arith.constant 4 : i32
        %mul3A_86 = arith.muli %scan3A_84, %mul3A_85 : i32
        %add3A_87 = arith.constant 0 : i32
        %add3A_88 = arith.addi %mul3A_86, %add3A_87 : i32
        %dma_wait3A = arith.constant 0 : i32
        %dma_wait3A_89 = arith.constant 0 : i32
        %dma_wait3A_90 = arith.constant 0 : i32
        %dma_wait3A_91 = arith.constant 0 : i32
        %dma_wait3A_92 = tpu.memref_slice %arg9[%dma_wait3A, %dma_wait3A_90, %dma_wait3A_91] : memref<4x128x128xf32, #tpu.memory_space<vmem>> -> memref<1x128x128xf32, #tpu.memory_space<vmem>>
        %dma_wait3A_93 = tpu.memref_squeeze %dma_wait3A_92 : memref<1x128x128xf32, #tpu.memory_space<vmem>> -> memref<128x128xf32, #tpu.memory_space<vmem>>
        %dma_wait3A_94 = arith.constant 0 : i32
        %dma_wait3A_95 = tpu.memref_slice %arg7[%add3A_88, %dma_wait3A_94] : memref<40x128xi32, #tpu.memory_space<vmem>> -> memref<1x128xi32, #tpu.memory_space<vmem>>
        %dma_wait3A_96 = tpu.memref_squeeze %dma_wait3A_95 : memref<1x128xi32, #tpu.memory_space<vmem>> -> memref<128xi32, #tpu.memory_space<vmem>>
        %dma_wait3A_97 = arith.constant 0 : i32
        %dma_wait3A_98 = arith.constant 0 : i32
        %dma_wait3A_99 = tpu.memref_slice %arg2[%dma_wait3A_97, %dma_wait3A_98] : memref<10240x128xf32, #tpu.memory_space<hbm>> -> memref<10240x128xf32, #tpu.memory_space<hbm>>
        %dma_wait3A_100 = tpu.memref_slice %arg11[%dma_wait3A_89] : memref<4x!tpu.dma_semaphore, #tpu.memory_space<semaphore_mem>> -> memref<1x!tpu.dma_semaphore, #tpu.memory_space<semaphore_mem>>
        %dma_wait3A_101 = tpu.memref_squeeze %dma_wait3A_100 : memref<1x!tpu.dma_semaphore, #tpu.memory_space<semaphore_mem>> -> memref<!tpu.dma_semaphore, #tpu.memory_space<semaphore_mem>>
        tpu.wait_indirect_dma semaphore(%dma_wait3A_101 : memref<!tpu.dma_semaphore, #tpu.memory_space<semaphore_mem>>) src(%dma_wait3A_99 : memref<10240x128xf32, #tpu.memory_space<hbm>>) dst(%dma_wait3A_93 : memref<128x128xf32, #tpu.memory_space<vmem>>)
        %dma_start3A_102 = arith.constant 0 : i32
        %dma_start3A_103 = arith.constant 0 : i32
        %dma_start3A_104 = arith.constant 0 : i32
        %dma_start3A_105 = arith.constant 0 : i32
        %dma_start3A_106 = tpu.memref_slice %arg9[%dma_start3A_102, %dma_start3A_104, %dma_start3A_105] : memref<4x128x128xf32, #tpu.memory_space<vmem>> -> memref<1x128x128xf32, #tpu.memory_space<vmem>>
        %dma_start3A_107 = tpu.memref_squeeze %dma_start3A_106 : memref<1x128x128xf32, #tpu.memory_space<vmem>> -> memref<128x128xf32, #tpu.memory_space<vmem>>
        %dma_start3A_108 = arith.constant 0 : i32
        %dma_start3A_109 = tpu.memref_slice %arg8[%add3A_88, %dma_start3A_108] : memref<40x128xi32, #tpu.memory_space<vmem>> -> memref<1x128xi32, #tpu.memory_space<vmem>>
        %dma_start3A_110 = tpu.memref_squeeze %dma_start3A_109 : memref<1x128xi32, #tpu.memory_space<vmem>> -> memref<128xi32, #tpu.memory_space<vmem>>
        %dma_start3A_111 = arith.constant 0 : i32
        %dma_start3A_112 = arith.constant 0 : i32
        %dma_start3A_113 = tpu.memref_slice %arg10[%dma_start3A_111, %dma_start3A_112] : memref<6144x128xf32, #tpu.memory_space<vmem_shared>> -> memref<6144x128xf32, #tpu.memory_space<vmem_shared>>
        %dma_start3A_114 = tpu.memref_slice %arg12[%dma_start3A_103] : memref<4x!tpu.dma_semaphore, #tpu.memory_space<semaphore_mem>> -> memref<1x!tpu.dma_semaphore, #tpu.memory_space<semaphore_mem>>
        %dma_start3A_115 = tpu.memref_squeeze %dma_start3A_114 : memref<1x!tpu.dma_semaphore, #tpu.memory_space<semaphore_mem>> -> memref<!tpu.dma_semaphore, #tpu.memory_space<semaphore_mem>>
        tpu.enqueue_indirect_dma source(%dma_start3A_107 : memref<128x128xf32, #tpu.memory_space<vmem>>) target(%dma_start3A_113 : memref<6144x128xf32, #tpu.memory_space<vmem_shared>>) offsets(%dma_start3A_110 : memref<128xi32, #tpu.memory_space<vmem>>) semaphore(%dma_start3A_115 : memref<!tpu.dma_semaphore, #tpu.memory_space<semaphore_mem>>) {add = true}
        %mul3A_116 = arith.constant 4 : i32
        %mul3A_117 = arith.muli %scan3A_84, %mul3A_116 : i32
        %add3A_118 = arith.constant 1 : i32
        %add3A_119 = arith.addi %mul3A_117, %add3A_118 : i32
        %dma_wait3A_120 = arith.constant 1 : i32
        %dma_wait3A_121 = arith.constant 1 : i32
        %dma_wait3A_122 = arith.constant 0 : i32
        %dma_wait3A_123 = arith.constant 0 : i32
        %dma_wait3A_124 = tpu.memref_slice %arg9[%dma_wait3A_120, %dma_wait3A_122, %dma_wait3A_123] : memref<4x128x128xf32, #tpu.memory_space<vmem>> -> memref<1x128x128xf32, #tpu.memory_space<vmem>>
        %dma_wait3A_125 = tpu.memref_squeeze %dma_wait3A_124 : memref<1x128x128xf32, #tpu.memory_space<vmem>> -> memref<128x128xf32, #tpu.memory_space<vmem>>
        %dma_wait3A_126 = arith.constant 0 : i32
        %dma_wait3A_127 = tpu.memref_slice %arg7[%add3A_119, %dma_wait3A_126] : memref<40x128xi32, #tpu.memory_space<vmem>> -> memref<1x128xi32, #tpu.memory_space<vmem>>
        %dma_wait3A_128 = tpu.memref_squeeze %dma_wait3A_127 : memref<1x128xi32, #tpu.memory_space<vmem>> -> memref<128xi32, #tpu.memory_space<vmem>>
        %dma_wait3A_129 = arith.constant 0 : i32
        %dma_wait3A_130 = arith.constant 0 : i32
        %dma_wait3A_131 = tpu.memref_slice %arg2[%dma_wait3A_129, %dma_wait3A_130] : memref<10240x128xf32, #tpu.memory_space<hbm>> -> memref<10240x128xf32, #tpu.memory_space<hbm>>
        %dma_wait3A_132 = tpu.memref_slice %arg11[%dma_wait3A_121] : memref<4x!tpu.dma_semaphore, #tpu.memory_space<semaphore_mem>> -> memref<1x!tpu.dma_semaphore, #tpu.memory_space<semaphore_mem>>
        %dma_wait3A_133 = tpu.memref_squeeze %dma_wait3A_132 : memref<1x!tpu.dma_semaphore, #tpu.memory_space<semaphore_mem>> -> memref<!tpu.dma_semaphore, #tpu.memory_space<semaphore_mem>>
        tpu.wait_indirect_dma semaphore(%dma_wait3A_133 : memref<!tpu.dma_semaphore, #tpu.memory_space<semaphore_mem>>) src(%dma_wait3A_131 : memref<10240x128xf32, #tpu.memory_space<hbm>>) dst(%dma_wait3A_125 : memref<128x128xf32, #tpu.memory_space<vmem>>)
        %dma_start3A_134 = arith.constant 1 : i32
        %dma_start3A_135 = arith.constant 1 : i32
        %dma_start3A_136 = arith.constant 0 : i32
        %dma_start3A_137 = arith.constant 0 : i32
        %dma_start3A_138 = tpu.memref_slice %arg9[%dma_start3A_134, %dma_start3A_136, %dma_start3A_137] : memref<4x128x128xf32, #tpu.memory_space<vmem>> -> memref<1x128x128xf32, #tpu.memory_space<vmem>>
        %dma_start3A_139 = tpu.memref_squeeze %dma_start3A_138 : memref<1x128x128xf32, #tpu.memory_space<vmem>> -> memref<128x128xf32, #tpu.memory_space<vmem>>
        %dma_start3A_140 = arith.constant 0 : i32
        %dma_start3A_141 = tpu.memref_slice %arg8[%add3A_119, %dma_start3A_140] : memref<40x128xi32, #tpu.memory_space<vmem>> -> memref<1x128xi32, #tpu.memory_space<vmem>>
        %dma_start3A_142 = tpu.memref_squeeze %dma_start3A_141 : memref<1x128xi32, #tpu.memory_space<vmem>> -> memref<128xi32, #tpu.memory_space<vmem>>
        %dma_start3A_143 = arith.constant 0 : i32
        %dma_start3A_144 = arith.constant 0 : i32
        %dma_start3A_145 = tpu.memref_slice %arg10[%dma_start3A_143, %dma_start3A_144] : memref<6144x128xf32, #tpu.memory_space<vmem_shared>> -> memref<6144x128xf32, #tpu.memory_space<vmem_shared>>
        %dma_start3A_146 = tpu.memref_slice %arg12[%dma_start3A_135] : memref<4x!tpu.dma_semaphore, #tpu.memory_space<semaphore_mem>> -> memref<1x!tpu.dma_semaphore, #tpu.memory_space<semaphore_mem>>
        %dma_start3A_147 = tpu.memref_squeeze %dma_start3A_146 : memref<1x!tpu.dma_semaphore, #tpu.memory_space<semaphore_mem>> -> memref<!tpu.dma_semaphore, #tpu.memory_space<semaphore_mem>>
        tpu.enqueue_indirect_dma source(%dma_start3A_139 : memref<128x128xf32, #tpu.memory_space<vmem>>) target(%dma_start3A_145 : memref<6144x128xf32, #tpu.memory_space<vmem_shared>>) offsets(%dma_start3A_142 : memref<128xi32, #tpu.memory_space<vmem>>) semaphore(%dma_start3A_147 : memref<!tpu.dma_semaphore, #tpu.memory_space<semaphore_mem>>) {add = true}
        %mul3A_148 = arith.constant 4 : i32
        %mul3A_149 = arith.muli %scan3A_84, %mul3A_148 : i32
        %add3A_150 = arith.constant 2 : i32
        %add3A_151 = arith.addi %mul3A_149, %add3A_150 : i32
        %dma_wait3A_152 = arith.constant 2 : i32
        %dma_wait3A_153 = arith.constant 2 : i32
        %dma_wait3A_154 = arith.constant 0 : i32
        %dma_wait3A_155 = arith.constant 0 : i32
        %dma_wait3A_156 = tpu.memref_slice %arg9[%dma_wait3A_152, %dma_wait3A_154, %dma_wait3A_155] : memref<4x128x128xf32, #tpu.memory_space<vmem>> -> memref<1x128x128xf32, #tpu.memory_space<vmem>>
        %dma_wait3A_157 = tpu.memref_squeeze %dma_wait3A_156 : memref<1x128x128xf32, #tpu.memory_space<vmem>> -> memref<128x128xf32, #tpu.memory_space<vmem>>
        %dma_wait3A_158 = arith.constant 0 : i32
        %dma_wait3A_159 = tpu.memref_slice %arg7[%add3A_151, %dma_wait3A_158] : memref<40x128xi32, #tpu.memory_space<vmem>> -> memref<1x128xi32, #tpu.memory_space<vmem>>
        %dma_wait3A_160 = tpu.memref_squeeze %dma_wait3A_159 : memref<1x128xi32, #tpu.memory_space<vmem>> -> memref<128xi32, #tpu.memory_space<vmem>>
        %dma_wait3A_161 = arith.constant 0 : i32
        %dma_wait3A_162 = arith.constant 0 : i32
        %dma_wait3A_163 = tpu.memref_slice %arg2[%dma_wait3A_161, %dma_wait3A_162] : memref<10240x128xf32, #tpu.memory_space<hbm>> -> memref<10240x128xf32, #tpu.memory_space<hbm>>
        %dma_wait3A_164 = tpu.memref_slice %arg11[%dma_wait3A_153] : memref<4x!tpu.dma_semaphore, #tpu.memory_space<semaphore_mem>> -> memref<1x!tpu.dma_semaphore, #tpu.memory_space<semaphore_mem>>
        %dma_wait3A_165 = tpu.memref_squeeze %dma_wait3A_164 : memref<1x!tpu.dma_semaphore, #tpu.memory_space<semaphore_mem>> -> memref<!tpu.dma_semaphore, #tpu.memory_space<semaphore_mem>>
        tpu.wait_indirect_dma semaphore(%dma_wait3A_165 : memref<!tpu.dma_semaphore, #tpu.memory_space<semaphore_mem>>) src(%dma_wait3A_163 : memref<10240x128xf32, #tpu.memory_space<hbm>>) dst(%dma_wait3A_157 : memref<128x128xf32, #tpu.memory_space<vmem>>)
        %dma_start3A_166 = arith.constant 2 : i32
        %dma_start3A_167 = arith.constant 2 : i32
        %dma_start3A_168 = arith.constant 0 : i32
        %dma_start3A_169 = arith.constant 0 : i32
        %dma_start3A_170 = tpu.memref_slice %arg9[%dma_start3A_166, %dma_start3A_168, %dma_start3A_169] : memref<4x128x128xf32, #tpu.memory_space<vmem>> -> memref<1x128x128xf32, #tpu.memory_space<vmem>>
        %dma_start3A_171 = tpu.memref_squeeze %dma_start3A_170 : memref<1x128x128xf32, #tpu.memory_space<vmem>> -> memref<128x128xf32, #tpu.memory_space<vmem>>
        %dma_start3A_172 = arith.constant 0 : i32
        %dma_start3A_173 = tpu.memref_slice %arg8[%add3A_151, %dma_start3A_172] : memref<40x128xi32, #tpu.memory_space<vmem>> -> memref<1x128xi32, #tpu.memory_space<vmem>>
        %dma_start3A_174 = tpu.memref_squeeze %dma_start3A_173 : memref<1x128xi32, #tpu.memory_space<vmem>> -> memref<128xi32, #tpu.memory_space<vmem>>
        %dma_start3A_175 = arith.constant 0 : i32
        %dma_start3A_176 = arith.constant 0 : i32
        %dma_start3A_177 = tpu.memref_slice %arg10[%dma_start3A_175, %dma_start3A_176] : memref<6144x128xf32, #tpu.memory_space<vmem_shared>> -> memref<6144x128xf32, #tpu.memory_space<vmem_shared>>
        %dma_start3A_178 = tpu.memref_slice %arg12[%dma_start3A_167] : memref<4x!tpu.dma_semaphore, #tpu.memory_space<semaphore_mem>> -> memref<1x!tpu.dma_semaphore, #tpu.memory_space<semaphore_mem>>
        %dma_start3A_179 = tpu.memref_squeeze %dma_start3A_178 : memref<1x!tpu.dma_semaphore, #tpu.memory_space<semaphore_mem>> -> memref<!tpu.dma_semaphore, #tpu.memory_space<semaphore_mem>>
        tpu.enqueue_indirect_dma source(%dma_start3A_171 : memref<128x128xf32, #tpu.memory_space<vmem>>) target(%dma_start3A_177 : memref<6144x128xf32, #tpu.memory_space<vmem_shared>>) offsets(%dma_start3A_174 : memref<128xi32, #tpu.memory_space<vmem>>) semaphore(%dma_start3A_179 : memref<!tpu.dma_semaphore, #tpu.memory_space<semaphore_mem>>) {add = true}
        %mul3A_180 = arith.constant 4 : i32
        %mul3A_181 = arith.muli %scan3A_84, %mul3A_180 : i32
        %add3A_182 = arith.constant 3 : i32
        %add3A_183 = arith.addi %mul3A_181, %add3A_182 : i32
        %dma_wait3A_184 = arith.constant 3 : i32
        %dma_wait3A_185 = arith.constant 3 : i32
        %dma_wait3A_186 = arith.constant 0 : i32
        %dma_wait3A_187 = arith.constant 0 : i32
        %dma_wait3A_188 = tpu.memref_slice %arg9[%dma_wait3A_184, %dma_wait3A_186, %dma_wait3A_187] : memref<4x128x128xf32, #tpu.memory_space<vmem>> -> memref<1x128x128xf32, #tpu.memory_space<vmem>>
        %dma_wait3A_189 = tpu.memref_squeeze %dma_wait3A_188 : memref<1x128x128xf32, #tpu.memory_space<vmem>> -> memref<128x128xf32, #tpu.memory_space<vmem>>
        %dma_wait3A_190 = arith.constant 0 : i32
        %dma_wait3A_191 = tpu.memref_slice %arg7[%add3A_183, %dma_wait3A_190] : memref<40x128xi32, #tpu.memory_space<vmem>> -> memref<1x128xi32, #tpu.memory_space<vmem>>
        %dma_wait3A_192 = tpu.memref_squeeze %dma_wait3A_191 : memref<1x128xi32, #tpu.memory_space<vmem>> -> memref<128xi32, #tpu.memory_space<vmem>>
        %dma_wait3A_193 = arith.constant 0 : i32
        %dma_wait3A_194 = arith.constant 0 : i32
        %dma_wait3A_195 = tpu.memref_slice %arg2[%dma_wait3A_193, %dma_wait3A_194] : memref<10240x128xf32, #tpu.memory_space<hbm>> -> memref<10240x128xf32, #tpu.memory_space<hbm>>
        %dma_wait3A_196 = tpu.memref_slice %arg11[%dma_wait3A_185] : memref<4x!tpu.dma_semaphore, #tpu.memory_space<semaphore_mem>> -> memref<1x!tpu.dma_semaphore, #tpu.memory_space<semaphore_mem>>
        %dma_wait3A_197 = tpu.memref_squeeze %dma_wait3A_196 : memref<1x!tpu.dma_semaphore, #tpu.memory_space<semaphore_mem>> -> memref<!tpu.dma_semaphore, #tpu.memory_space<semaphore_mem>>
        tpu.wait_indirect_dma semaphore(%dma_wait3A_197 : memref<!tpu.dma_semaphore, #tpu.memory_space<semaphore_mem>>) src(%dma_wait3A_195 : memref<10240x128xf32, #tpu.memory_space<hbm>>) dst(%dma_wait3A_189 : memref<128x128xf32, #tpu.memory_space<vmem>>)
        %dma_start3A_198 = arith.constant 3 : i32
        %dma_start3A_199 = arith.constant 3 : i32
        %dma_start3A_200 = arith.constant 0 : i32
        %dma_start3A_201 = arith.constant 0 : i32
        %dma_start3A_202 = tpu.memref_slice %arg9[%dma_start3A_198, %dma_start3A_200, %dma_start3A_201] : memref<4x128x128xf32, #tpu.memory_space<vmem>> -> memref<1x128x128xf32, #tpu.memory_space<vmem>>
        %dma_start3A_203 = tpu.memref_squeeze %dma_start3A_202 : memref<1x128x128xf32, #tpu.memory_space<vmem>> -> memref<128x128xf32, #tpu.memory_space<vmem>>
        %dma_start3A_204 = arith.constant 0 : i32
        %dma_start3A_205 = tpu.memref_slice %arg8[%add3A_183, %dma_start3A_204] : memref<40x128xi32, #tpu.memory_space<vmem>> -> memref<1x128xi32, #tpu.memory_space<vmem>>
        %dma_start3A_206 = tpu.memref_squeeze %dma_start3A_205 : memref<1x128xi32, #tpu.memory_space<vmem>> -> memref<128xi32, #tpu.memory_space<vmem>>
        %dma_start3A_207 = arith.constant 0 : i32
        %dma_start3A_208 = arith.constant 0 : i32
        %dma_start3A_209 = tpu.memref_slice %arg10[%dma_start3A_207, %dma_start3A_208] : memref<6144x128xf32, #tpu.memory_space<vmem_shared>> -> memref<6144x128xf32, #tpu.memory_space<vmem_shared>>
        %dma_start3A_210 = tpu.memref_slice %arg12[%dma_start3A_199] : memref<4x!tpu.dma_semaphore, #tpu.memory_space<semaphore_mem>> -> memref<1x!tpu.dma_semaphore, #tpu.memory_space<semaphore_mem>>
        %dma_start3A_211 = tpu.memref_squeeze %dma_start3A_210 : memref<1x!tpu.dma_semaphore, #tpu.memory_space<semaphore_mem>> -> memref<!tpu.dma_semaphore, #tpu.memory_space<semaphore_mem>>
        tpu.enqueue_indirect_dma source(%dma_start3A_203 : memref<128x128xf32, #tpu.memory_space<vmem>>) target(%dma_start3A_209 : memref<6144x128xf32, #tpu.memory_space<vmem_shared>>) offsets(%dma_start3A_206 : memref<128xi32, #tpu.memory_space<vmem>>) semaphore(%dma_start3A_211 : memref<!tpu.dma_semaphore, #tpu.memory_space<semaphore_mem>>) {add = true}
        %mul3A_212 = arith.constant 4 : i32
        %mul3A_213 = arith.muli %scan3A_84, %mul3A_212 : i32
        %add3A_214 = arith.constant 0 : i32
        %add3A_215 = arith.addi %mul3A_213, %add3A_214 : i32
        %dma_wait3A_216 = arith.constant 0 : i32
        %dma_wait3A_217 = arith.constant 0 : i32
        %dma_wait3A_218 = arith.constant 0 : i32
        %dma_wait3A_219 = arith.constant 0 : i32
        %dma_wait3A_220 = tpu.memref_slice %arg9[%dma_wait3A_216, %dma_wait3A_218, %dma_wait3A_219] : memref<4x128x128xf32, #tpu.memory_space<vmem>> -> memref<1x128x128xf32, #tpu.memory_space<vmem>>
        %dma_wait3A_221 = tpu.memref_squeeze %dma_wait3A_220 : memref<1x128x128xf32, #tpu.memory_space<vmem>> -> memref<128x128xf32, #tpu.memory_space<vmem>>
        %dma_wait3A_222 = arith.constant 0 : i32
        %dma_wait3A_223 = tpu.memref_slice %arg8[%add3A_215, %dma_wait3A_222] : memref<40x128xi32, #tpu.memory_space<vmem>> -> memref<1x128xi32, #tpu.memory_space<vmem>>
        %dma_wait3A_224 = tpu.memref_squeeze %dma_wait3A_223 : memref<1x128xi32, #tpu.memory_space<vmem>> -> memref<128xi32, #tpu.memory_space<vmem>>
        %dma_wait3A_225 = arith.constant 0 : i32
        %dma_wait3A_226 = arith.constant 0 : i32
        %dma_wait3A_227 = tpu.memref_slice %arg10[%dma_wait3A_225, %dma_wait3A_226] : memref<6144x128xf32, #tpu.memory_space<vmem_shared>> -> memref<6144x128xf32, #tpu.memory_space<vmem_shared>>
        %dma_wait3A_228 = tpu.memref_slice %arg12[%dma_wait3A_217] : memref<4x!tpu.dma_semaphore, #tpu.memory_space<semaphore_mem>> -> memref<1x!tpu.dma_semaphore, #tpu.memory_space<semaphore_mem>>
        %dma_wait3A_229 = tpu.memref_squeeze %dma_wait3A_228 : memref<1x!tpu.dma_semaphore, #tpu.memory_space<semaphore_mem>> -> memref<!tpu.dma_semaphore, #tpu.memory_space<semaphore_mem>>
        tpu.wait_indirect_dma semaphore(%dma_wait3A_229 : memref<!tpu.dma_semaphore, #tpu.memory_space<semaphore_mem>>) src(%dma_wait3A_221 : memref<128x128xf32, #tpu.memory_space<vmem>>) dst(%dma_wait3A_227 : memref<6144x128xf32, #tpu.memory_space<vmem_shared>>)
        %lt3A = arith.constant 9 : i32
        %lt3A_230 = arith.cmpi slt, %scan3A_84, %lt3A : i32
        %convert_element_type3A = arith.extui %lt3A_230 : i1 to i32
        %cond3A = arith.constant 0 : i32
        %cond3A_231 = arith.cmpi ne, %convert_element_type3A, %cond3A : i32
        scf.if %cond3A_231 {
          %add3A_301 = arith.constant 4 : i32
          %add3A_302 = arith.addi %add3A_215, %add3A_301 : i32
          %dma_start3A_303 = arith.constant 0 : i32
          %dma_start3A_304 = arith.constant 0 : i32
          %dma_start3A_305 = arith.constant 0 : i32
          %dma_start3A_306 = arith.constant 0 : i32
          %dma_start3A_307 = tpu.memref_slice %arg9[%dma_start3A_303, %dma_start3A_305, %dma_start3A_306] : memref<4x128x128xf32, #tpu.memory_space<vmem>> -> memref<1x128x128xf32, #tpu.memory_space<vmem>>
          %dma_start3A_308 = tpu.memref_squeeze %dma_start3A_307 : memref<1x128x128xf32, #tpu.memory_space<vmem>> -> memref<128x128xf32, #tpu.memory_space<vmem>>
          %dma_start3A_309 = arith.constant 0 : i32
          %dma_start3A_310 = tpu.memref_slice %arg7[%add3A_302, %dma_start3A_309] : memref<40x128xi32, #tpu.memory_space<vmem>> -> memref<1x128xi32, #tpu.memory_space<vmem>>
          %dma_start3A_311 = tpu.memref_squeeze %dma_start3A_310 : memref<1x128xi32, #tpu.memory_space<vmem>> -> memref<128xi32, #tpu.memory_space<vmem>>
          %dma_start3A_312 = arith.constant 0 : i32
          %dma_start3A_313 = arith.constant 0 : i32
          %dma_start3A_314 = tpu.memref_slice %arg2[%dma_start3A_312, %dma_start3A_313] : memref<10240x128xf32, #tpu.memory_space<hbm>> -> memref<10240x128xf32, #tpu.memory_space<hbm>>
          %dma_start3A_315 = tpu.memref_slice %arg11[%dma_start3A_304] : memref<4x!tpu.dma_semaphore, #tpu.memory_space<semaphore_mem>> -> memref<1x!tpu.dma_semaphore, #tpu.memory_space<semaphore_mem>>
          %dma_start3A_316 = tpu.memref_squeeze %dma_start3A_315 : memref<1x!tpu.dma_semaphore, #tpu.memory_space<semaphore_mem>> -> memref<!tpu.dma_semaphore, #tpu.memory_space<semaphore_mem>>
          tpu.enqueue_indirect_dma source(%dma_start3A_314 : memref<10240x128xf32, #tpu.memory_space<hbm>>) target(%dma_start3A_308 : memref<128x128xf32, #tpu.memory_space<vmem>>) offsets(%dma_start3A_311 : memref<128xi32, #tpu.memory_space<vmem>>) semaphore(%dma_start3A_316 : memref<!tpu.dma_semaphore, #tpu.memory_space<semaphore_mem>>)
        } else {
        }
        %mul3A_232 = arith.constant 4 : i32
        %mul3A_233 = arith.muli %scan3A_84, %mul3A_232 : i32
        %add3A_234 = arith.constant 1 : i32
        %add3A_235 = arith.addi %mul3A_233, %add3A_234 : i32
        %dma_wait3A_236 = arith.constant 1 : i32
        %dma_wait3A_237 = arith.constant 1 : i32
        %dma_wait3A_238 = arith.constant 0 : i32
        %dma_wait3A_239 = arith.constant 0 : i32
        %dma_wait3A_240 = tpu.memref_slice %arg9[%dma_wait3A_236, %dma_wait3A_238, %dma_wait3A_239] : memref<4x128x128xf32, #tpu.memory_space<vmem>> -> memref<1x128x128xf32, #tpu.memory_space<vmem>>
        %dma_wait3A_241 = tpu.memref_squeeze %dma_wait3A_240 : memref<1x128x128xf32, #tpu.memory_space<vmem>> -> memref<128x128xf32, #tpu.memory_space<vmem>>
        %dma_wait3A_242 = arith.constant 0 : i32
        %dma_wait3A_243 = tpu.memref_slice %arg8[%add3A_235, %dma_wait3A_242] : memref<40x128xi32, #tpu.memory_space<vmem>> -> memref<1x128xi32, #tpu.memory_space<vmem>>
        %dma_wait3A_244 = tpu.memref_squeeze %dma_wait3A_243 : memref<1x128xi32, #tpu.memory_space<vmem>> -> memref<128xi32, #tpu.memory_space<vmem>>
        %dma_wait3A_245 = arith.constant 0 : i32
        %dma_wait3A_246 = arith.constant 0 : i32
        %dma_wait3A_247 = tpu.memref_slice %arg10[%dma_wait3A_245, %dma_wait3A_246] : memref<6144x128xf32, #tpu.memory_space<vmem_shared>> -> memref<6144x128xf32, #tpu.memory_space<vmem_shared>>
        %dma_wait3A_248 = tpu.memref_slice %arg12[%dma_wait3A_237] : memref<4x!tpu.dma_semaphore, #tpu.memory_space<semaphore_mem>> -> memref<1x!tpu.dma_semaphore, #tpu.memory_space<semaphore_mem>>
        %dma_wait3A_249 = tpu.memref_squeeze %dma_wait3A_248 : memref<1x!tpu.dma_semaphore, #tpu.memory_space<semaphore_mem>> -> memref<!tpu.dma_semaphore, #tpu.memory_space<semaphore_mem>>
        tpu.wait_indirect_dma semaphore(%dma_wait3A_249 : memref<!tpu.dma_semaphore, #tpu.memory_space<semaphore_mem>>) src(%dma_wait3A_241 : memref<128x128xf32, #tpu.memory_space<vmem>>) dst(%dma_wait3A_247 : memref<6144x128xf32, #tpu.memory_space<vmem_shared>>)
        %lt3A_250 = arith.constant 9 : i32
        %lt3A_251 = arith.cmpi slt, %scan3A_84, %lt3A_250 : i32
        %convert_element_type3A_252 = arith.extui %lt3A_251 : i1 to i32
        %cond3A_253 = arith.constant 0 : i32
        %cond3A_254 = arith.cmpi ne, %convert_element_type3A_252, %cond3A_253 : i32
        scf.if %cond3A_254 {
          %add3A_301 = arith.constant 4 : i32
          %add3A_302 = arith.addi %add3A_235, %add3A_301 : i32
          %dma_start3A_303 = arith.constant 1 : i32
          %dma_start3A_304 = arith.constant 1 : i32
          %dma_start3A_305 = arith.constant 0 : i32
          %dma_start3A_306 = arith.constant 0 : i32
          %dma_start3A_307 = tpu.memref_slice %arg9[%dma_start3A_303, %dma_start3A_305, %dma_start3A_306] : memref<4x128x128xf32, #tpu.memory_space<vmem>> -> memref<1x128x128xf32, #tpu.memory_space<vmem>>
          %dma_start3A_308 = tpu.memref_squeeze %dma_start3A_307 : memref<1x128x128xf32, #tpu.memory_space<vmem>> -> memref<128x128xf32, #tpu.memory_space<vmem>>
          %dma_start3A_309 = arith.constant 0 : i32
          %dma_start3A_310 = tpu.memref_slice %arg7[%add3A_302, %dma_start3A_309] : memref<40x128xi32, #tpu.memory_space<vmem>> -> memref<1x128xi32, #tpu.memory_space<vmem>>
          %dma_start3A_311 = tpu.memref_squeeze %dma_start3A_310 : memref<1x128xi32, #tpu.memory_space<vmem>> -> memref<128xi32, #tpu.memory_space<vmem>>
          %dma_start3A_312 = arith.constant 0 : i32
          %dma_start3A_313 = arith.constant 0 : i32
          %dma_start3A_314 = tpu.memref_slice %arg2[%dma_start3A_312, %dma_start3A_313] : memref<10240x128xf32, #tpu.memory_space<hbm>> -> memref<10240x128xf32, #tpu.memory_space<hbm>>
          %dma_start3A_315 = tpu.memref_slice %arg11[%dma_start3A_304] : memref<4x!tpu.dma_semaphore, #tpu.memory_space<semaphore_mem>> -> memref<1x!tpu.dma_semaphore, #tpu.memory_space<semaphore_mem>>
          %dma_start3A_316 = tpu.memref_squeeze %dma_start3A_315 : memref<1x!tpu.dma_semaphore, #tpu.memory_space<semaphore_mem>> -> memref<!tpu.dma_semaphore, #tpu.memory_space<semaphore_mem>>
          tpu.enqueue_indirect_dma source(%dma_start3A_314 : memref<10240x128xf32, #tpu.memory_space<hbm>>) target(%dma_start3A_308 : memref<128x128xf32, #tpu.memory_space<vmem>>) offsets(%dma_start3A_311 : memref<128xi32, #tpu.memory_space<vmem>>) semaphore(%dma_start3A_316 : memref<!tpu.dma_semaphore, #tpu.memory_space<semaphore_mem>>)
        } else {
        }
        %mul3A_255 = arith.constant 4 : i32
        %mul3A_256 = arith.muli %scan3A_84, %mul3A_255 : i32
        %add3A_257 = arith.constant 2 : i32
        %add3A_258 = arith.addi %mul3A_256, %add3A_257 : i32
        %dma_wait3A_259 = arith.constant 2 : i32
        %dma_wait3A_260 = arith.constant 2 : i32
        %dma_wait3A_261 = arith.constant 0 : i32
        %dma_wait3A_262 = arith.constant 0 : i32
        %dma_wait3A_263 = tpu.memref_slice %arg9[%dma_wait3A_259, %dma_wait3A_261, %dma_wait3A_262] : memref<4x128x128xf32, #tpu.memory_space<vmem>> -> memref<1x128x128xf32, #tpu.memory_space<vmem>>
        %dma_wait3A_264 = tpu.memref_squeeze %dma_wait3A_263 : memref<1x128x128xf32, #tpu.memory_space<vmem>> -> memref<128x128xf32, #tpu.memory_space<vmem>>
        %dma_wait3A_265 = arith.constant 0 : i32
        %dma_wait3A_266 = tpu.memref_slice %arg8[%add3A_258, %dma_wait3A_265] : memref<40x128xi32, #tpu.memory_space<vmem>> -> memref<1x128xi32, #tpu.memory_space<vmem>>
        %dma_wait3A_267 = tpu.memref_squeeze %dma_wait3A_266 : memref<1x128xi32, #tpu.memory_space<vmem>> -> memref<128xi32, #tpu.memory_space<vmem>>
        %dma_wait3A_268 = arith.constant 0 : i32
        %dma_wait3A_269 = arith.constant 0 : i32
        %dma_wait3A_270 = tpu.memref_slice %arg10[%dma_wait3A_268, %dma_wait3A_269] : memref<6144x128xf32, #tpu.memory_space<vmem_shared>> -> memref<6144x128xf32, #tpu.memory_space<vmem_shared>>
        %dma_wait3A_271 = tpu.memref_slice %arg12[%dma_wait3A_260] : memref<4x!tpu.dma_semaphore, #tpu.memory_space<semaphore_mem>> -> memref<1x!tpu.dma_semaphore, #tpu.memory_space<semaphore_mem>>
        %dma_wait3A_272 = tpu.memref_squeeze %dma_wait3A_271 : memref<1x!tpu.dma_semaphore, #tpu.memory_space<semaphore_mem>> -> memref<!tpu.dma_semaphore, #tpu.memory_space<semaphore_mem>>
        tpu.wait_indirect_dma semaphore(%dma_wait3A_272 : memref<!tpu.dma_semaphore, #tpu.memory_space<semaphore_mem>>) src(%dma_wait3A_264 : memref<128x128xf32, #tpu.memory_space<vmem>>) dst(%dma_wait3A_270 : memref<6144x128xf32, #tpu.memory_space<vmem_shared>>)
        %lt3A_273 = arith.constant 9 : i32
        %lt3A_274 = arith.cmpi slt, %scan3A_84, %lt3A_273 : i32
        %convert_element_type3A_275 = arith.extui %lt3A_274 : i1 to i32
        %cond3A_276 = arith.constant 0 : i32
        %cond3A_277 = arith.cmpi ne, %convert_element_type3A_275, %cond3A_276 : i32
        scf.if %cond3A_277 {
          %add3A_301 = arith.constant 4 : i32
          %add3A_302 = arith.addi %add3A_258, %add3A_301 : i32
          %dma_start3A_303 = arith.constant 2 : i32
          %dma_start3A_304 = arith.constant 2 : i32
          %dma_start3A_305 = arith.constant 0 : i32
          %dma_start3A_306 = arith.constant 0 : i32
          %dma_start3A_307 = tpu.memref_slice %arg9[%dma_start3A_303, %dma_start3A_305, %dma_start3A_306] : memref<4x128x128xf32, #tpu.memory_space<vmem>> -> memref<1x128x128xf32, #tpu.memory_space<vmem>>
          %dma_start3A_308 = tpu.memref_squeeze %dma_start3A_307 : memref<1x128x128xf32, #tpu.memory_space<vmem>> -> memref<128x128xf32, #tpu.memory_space<vmem>>
          %dma_start3A_309 = arith.constant 0 : i32
          %dma_start3A_310 = tpu.memref_slice %arg7[%add3A_302, %dma_start3A_309] : memref<40x128xi32, #tpu.memory_space<vmem>> -> memref<1x128xi32, #tpu.memory_space<vmem>>
          %dma_start3A_311 = tpu.memref_squeeze %dma_start3A_310 : memref<1x128xi32, #tpu.memory_space<vmem>> -> memref<128xi32, #tpu.memory_space<vmem>>
          %dma_start3A_312 = arith.constant 0 : i32
          %dma_start3A_313 = arith.constant 0 : i32
          %dma_start3A_314 = tpu.memref_slice %arg2[%dma_start3A_312, %dma_start3A_313] : memref<10240x128xf32, #tpu.memory_space<hbm>> -> memref<10240x128xf32, #tpu.memory_space<hbm>>
          %dma_start3A_315 = tpu.memref_slice %arg11[%dma_start3A_304] : memref<4x!tpu.dma_semaphore, #tpu.memory_space<semaphore_mem>> -> memref<1x!tpu.dma_semaphore, #tpu.memory_space<semaphore_mem>>
          %dma_start3A_316 = tpu.memref_squeeze %dma_start3A_315 : memref<1x!tpu.dma_semaphore, #tpu.memory_space<semaphore_mem>> -> memref<!tpu.dma_semaphore, #tpu.memory_space<semaphore_mem>>
          tpu.enqueue_indirect_dma source(%dma_start3A_314 : memref<10240x128xf32, #tpu.memory_space<hbm>>) target(%dma_start3A_308 : memref<128x128xf32, #tpu.memory_space<vmem>>) offsets(%dma_start3A_311 : memref<128xi32, #tpu.memory_space<vmem>>) semaphore(%dma_start3A_316 : memref<!tpu.dma_semaphore, #tpu.memory_space<semaphore_mem>>)
        } else {
        }
        %mul3A_278 = arith.constant 4 : i32
        %mul3A_279 = arith.muli %scan3A_84, %mul3A_278 : i32
        %add3A_280 = arith.constant 3 : i32
        %add3A_281 = arith.addi %mul3A_279, %add3A_280 : i32
        %dma_wait3A_282 = arith.constant 3 : i32
        %dma_wait3A_283 = arith.constant 3 : i32
        %dma_wait3A_284 = arith.constant 0 : i32
        %dma_wait3A_285 = arith.constant 0 : i32
        %dma_wait3A_286 = tpu.memref_slice %arg9[%dma_wait3A_282, %dma_wait3A_284, %dma_wait3A_285] : memref<4x128x128xf32, #tpu.memory_space<vmem>> -> memref<1x128x128xf32, #tpu.memory_space<vmem>>
        %dma_wait3A_287 = tpu.memref_squeeze %dma_wait3A_286 : memref<1x128x128xf32, #tpu.memory_space<vmem>> -> memref<128x128xf32, #tpu.memory_space<vmem>>
        %dma_wait3A_288 = arith.constant 0 : i32
        %dma_wait3A_289 = tpu.memref_slice %arg8[%add3A_281, %dma_wait3A_288] : memref<40x128xi32, #tpu.memory_space<vmem>> -> memref<1x128xi32, #tpu.memory_space<vmem>>
        %dma_wait3A_290 = tpu.memref_squeeze %dma_wait3A_289 : memref<1x128xi32, #tpu.memory_space<vmem>> -> memref<128xi32, #tpu.memory_space<vmem>>
        %dma_wait3A_291 = arith.constant 0 : i32
        %dma_wait3A_292 = arith.constant 0 : i32
        %dma_wait3A_293 = tpu.memref_slice %arg10[%dma_wait3A_291, %dma_wait3A_292] : memref<6144x128xf32, #tpu.memory_space<vmem_shared>> -> memref<6144x128xf32, #tpu.memory_space<vmem_shared>>
        %dma_wait3A_294 = tpu.memref_slice %arg12[%dma_wait3A_283] : memref<4x!tpu.dma_semaphore, #tpu.memory_space<semaphore_mem>> -> memref<1x!tpu.dma_semaphore, #tpu.memory_space<semaphore_mem>>
        %dma_wait3A_295 = tpu.memref_squeeze %dma_wait3A_294 : memref<1x!tpu.dma_semaphore, #tpu.memory_space<semaphore_mem>> -> memref<!tpu.dma_semaphore, #tpu.memory_space<semaphore_mem>>
        tpu.wait_indirect_dma semaphore(%dma_wait3A_295 : memref<!tpu.dma_semaphore, #tpu.memory_space<semaphore_mem>>) src(%dma_wait3A_287 : memref<128x128xf32, #tpu.memory_space<vmem>>) dst(%dma_wait3A_293 : memref<6144x128xf32, #tpu.memory_space<vmem_shared>>)
        %lt3A_296 = arith.constant 9 : i32
        %lt3A_297 = arith.cmpi slt, %scan3A_84, %lt3A_296 : i32
        %convert_element_type3A_298 = arith.extui %lt3A_297 : i1 to i32
        %cond3A_299 = arith.constant 0 : i32
        %cond3A_300 = arith.cmpi ne, %convert_element_type3A_298, %cond3A_299 : i32
        scf.if %cond3A_300 {
          %add3A_301 = arith.constant 4 : i32
          %add3A_302 = arith.addi %add3A_281, %add3A_301 : i32
          %dma_start3A_303 = arith.constant 3 : i32
          %dma_start3A_304 = arith.constant 3 : i32
          %dma_start3A_305 = arith.constant 0 : i32
          %dma_start3A_306 = arith.constant 0 : i32
          %dma_start3A_307 = tpu.memref_slice %arg9[%dma_start3A_303, %dma_start3A_305, %dma_start3A_306] : memref<4x128x128xf32, #tpu.memory_space<vmem>> -> memref<1x128x128xf32, #tpu.memory_space<vmem>>
          %dma_start3A_308 = tpu.memref_squeeze %dma_start3A_307 : memref<1x128x128xf32, #tpu.memory_space<vmem>> -> memref<128x128xf32, #tpu.memory_space<vmem>>
          %dma_start3A_309 = arith.constant 0 : i32
          %dma_start3A_310 = tpu.memref_slice %arg7[%add3A_302, %dma_start3A_309] : memref<40x128xi32, #tpu.memory_space<vmem>> -> memref<1x128xi32, #tpu.memory_space<vmem>>
          %dma_start3A_311 = tpu.memref_squeeze %dma_start3A_310 : memref<1x128xi32, #tpu.memory_space<vmem>> -> memref<128xi32, #tpu.memory_space<vmem>>
          %dma_start3A_312 = arith.constant 0 : i32
          %dma_start3A_313 = arith.constant 0 : i32
          %dma_start3A_314 = tpu.memref_slice %arg2[%dma_start3A_312, %dma_start3A_313] : memref<10240x128xf32, #tpu.memory_space<hbm>> -> memref<10240x128xf32, #tpu.memory_space<hbm>>
          %dma_start3A_315 = tpu.memref_slice %arg11[%dma_start3A_304] : memref<4x!tpu.dma_semaphore, #tpu.memory_space<semaphore_mem>> -> memref<1x!tpu.dma_semaphore, #tpu.memory_space<semaphore_mem>>
          %dma_start3A_316 = tpu.memref_squeeze %dma_start3A_315 : memref<1x!tpu.dma_semaphore, #tpu.memory_space<semaphore_mem>> -> memref<!tpu.dma_semaphore, #tpu.memory_space<semaphore_mem>>
          tpu.enqueue_indirect_dma source(%dma_start3A_314 : memref<10240x128xf32, #tpu.memory_space<hbm>>) target(%dma_start3A_308 : memref<128x128xf32, #tpu.memory_space<vmem>>) offsets(%dma_start3A_311 : memref<128xi32, #tpu.memory_space<vmem>>) semaphore(%dma_start3A_316 : memref<!tpu.dma_semaphore, #tpu.memory_space<semaphore_mem>>)
        } else {
        }
      }
      %scan3A_83 = arith.constant 10 : i32
    }
    %scan3A_9 = arith.constant 4 : i32
    %barrier3A_10 = arith.constant 0 : index
    tpu.barrier barrier_id(%barrier3A_10)
    %mul3A_11 = arith.constant 320 : i32
    %mul3A_12 = arith.muli %arg1, %mul3A_11 : i32
    %mul3A_13 = arith.constant 320 : i32
    %mul3A_14 = arith.muli %arg1, %mul3A_13 : i32
    %add3A = arith.addi %mul3A_2, %mul3A_14 : i32
    "tpu.region"() ({
      %run_scoped3A = tpu.sem_alloc : memref<!tpu.dma_semaphore, #tpu.memory_space<semaphore_mem>>
      %dma_start3A = arith.constant 0 : i32
      %dma_start3A_15 = tpu.memref_slice %arg6[%add3A, %dma_start3A] : memref<10240x128xf32, #tpu.memory_space<hbm>> -> memref<320x128xf32, #tpu.memory_space<hbm>>
      %dma_start3A_16 = arith.constant 0 : i32
      %dma_start3A_17 = tpu.memref_slice %arg10[%mul3A_12, %dma_start3A_16] : memref<6144x128xf32, #tpu.memory_space<vmem_shared>> -> memref<320x128xf32, #tpu.memory_space<vmem_shared>>
      tpu.enqueue_dma source(%dma_start3A_17 : memref<320x128xf32, #tpu.memory_space<vmem_shared>>) target(%dma_start3A_15 : memref<320x128xf32, #tpu.memory_space<hbm>>) target_semaphore(%run_scoped3A : memref<!tpu.dma_semaphore, #tpu.memory_space<semaphore_mem>>)
      %dma_wait3A = arith.constant 0 : i32
      %dma_wait3A_18 = tpu.memref_slice %arg6[%add3A, %dma_wait3A] : memref<10240x128xf32, #tpu.memory_space<hbm>> -> memref<320x128xf32, #tpu.memory_space<hbm>>
      %dma_wait3A_19 = arith.constant 0 : i32
      %dma_wait3A_20 = tpu.memref_slice %arg10[%mul3A_12, %dma_wait3A_19] : memref<6144x128xf32, #tpu.memory_space<vmem_shared>> -> memref<320x128xf32, #tpu.memory_space<vmem_shared>>
      tpu.wait_dma2 semaphore(%run_scoped3A : memref<!tpu.dma_semaphore, #tpu.memory_space<semaphore_mem>>) src(%dma_wait3A_20 : memref<320x128xf32, #tpu.memory_space<vmem_shared>>) dst(%dma_wait3A_18 : memref<320x128xf32, #tpu.memory_space<hbm>>)
      tpu.yield
    }) : () -> ()
    return
  }
}

module attributes {stable_mosaic.version = 14 : i64} {
  func.func @_prep_body(%arg0: i32, %arg1: memref<1024x128xf32, #tpu.memory_space<vmem>>, %arg2: memref<128x128xf32, #tpu.memory_space<vmem>>, %arg3: memref<2x1024x1xf32, #tpu.memory_space<vmem>>, %arg4: memref<1024x128xf32, #tpu.memory_space<vmem>>) attributes {dimension_semantics = [#tpu.dimension_semantics<arbitrary>], iteration_bounds = array<i64: 10>, scalar_prefetch = 0 : i64, scratch_operands = 0 : i64, tpu.core_type = #tpu.core_type<tc>, window_params = [{transform_indices = @transform_0, window_bounds = array<i64: 1024, 128>}, {pipeline_mode = #tpu.pipeline_mode<synchronous>, transform_indices = @transform_1, window_bounds = array<i64: 128, 128>}, {transform_indices = @transform_2, window_bounds = array<i64: 2, 1024, 1>}, {transform_indices = @transform_3, window_bounds = array<i64: 1024, 128>}]} {
    %get3A = arith.constant 0 : index
    %get3A_0 = arith.constant 0 : index
    %get3A_1 = arith.constant 0 : index
    %get3A_2 = vector.load %arg3[%get3A, %get3A_0, %get3A_1] : memref<2x1024x1xf32, #tpu.memory_space<vmem>>, vector<1x1024x1xf32>
    %get3A_3 = vector.shape_cast %get3A_2 : vector<1x1024x1xf32> to vector<1024x1xf32>
    %get3A_4 = arith.constant 1 : index
    %get3A_5 = arith.constant 0 : index
    %get3A_6 = arith.constant 0 : index
    %get3A_7 = vector.load %arg3[%get3A_4, %get3A_5, %get3A_6] : memref<2x1024x1xf32, #tpu.memory_space<vmem>>, vector<1x1024x1xf32>
    %get3A_8 = vector.shape_cast %get3A_7 : vector<1x1024x1xf32> to vector<1024x1xf32>
    %add3A = arith.addf %get3A_3, %get3A_8 : vector<1024x1xf32>
    %add3A_9 = arith.constant 1.000000e+00 : f32
    %add3A_10 = vector.broadcast %add3A_9 : f32 to vector<1024x1xf32>
    %add3A_11 = arith.addf %add3A, %add3A_10 : vector<1024x1xf32>
    %rsqrt3A = math.rsqrt %add3A_11 : vector<1024x1xf32>
    %get3A_12 = arith.constant 0 : index
    %get3A_13 = arith.constant 0 : index
    %get3A_14 = vector.load %arg1[%get3A_12, %get3A_13] : memref<1024x128xf32, #tpu.memory_space<vmem>>, vector<1024x128xf32>
    %get3A_15 = arith.constant 0 : index
    %get3A_16 = arith.constant 0 : index
    %get3A_17 = vector.load %arg2[%get3A_15, %get3A_16] : memref<128x128xf32, #tpu.memory_space<vmem>>, vector<128x128xf32>
    %dot_general3A = arith.constant dense<0.000000e+00> : vector<1024x128xf32>
    %dot_general3A_18 = tpu.matmul %get3A_14, %get3A_17, %dot_general3A {dimension_numbers = #tpu.dot_dimension_numbers<[1], [0], [0], [1], [0, 0, 1, 1], [], []>, transpose_lhs_hint = false} : vector<1024x128xf32>, vector<128x128xf32>, vector<1024x128xf32> -> vector<1024x128xf32>
    %mul3A = vector.broadcast %rsqrt3A : vector<1024x1xf32> to vector<1024x128xf32>
    %mul3A_19 = arith.mulf %dot_general3A_18, %mul3A : vector<1024x128xf32>
    %swap3A = arith.constant 0 : index
    %swap3A_20 = arith.constant 0 : index
    %swap3A_21 = vector.load %arg4[%swap3A, %swap3A_20] : memref<1024x128xf32, #tpu.memory_space<vmem>>, vector<1024x128xf32>
    tpu.vector_store %arg4[%swap3A, %swap3A_20], %mul3A_19 {strides = array<i32>} : memref<1024x128xf32, #tpu.memory_space<vmem>>, vector<1024x128xf32>,
    return
  }
  func.func @transform_0(%arg0: i32) -> (i32, i32) {
    %c0_i32 = arith.constant 0 : i32
    %c0_i32_0 = arith.constant 0 : i32
    return %arg0, %c0_i32 : i32, i32
  }
  func.func @transform_1(%arg0: i32) -> (i32, i32) {
    %c0_i32 = arith.constant 0 : i32
    %c0_i32_0 = arith.constant 0 : i32
    %c0_i32_1 = arith.constant 0 : i32
    return %c0_i32, %c0_i32_0 : i32, i32
  }
  func.func @transform_2(%arg0: i32) -> (i32, i32, i32) {
    %c0_i32 = arith.constant 0 : i32
    %c0_i32_0 = arith.constant 0 : i32
    %c0_i32_1 = arith.constant 0 : i32
    return %c0_i32, %arg0, %c0_i32_0 : i32, i32, i32
  }
  func.func @transform_3(%arg0: i32) -> (i32, i32) {
    %c0_i32 = arith.constant 0 : i32
    %c0_i32_0 = arith.constant 0 : i32
    return %arg0, %c0_i32 : i32, i32
  }
}

module attributes {stable_mosaic.version = 14 : i64} {
  func.func @_layer_body(%arg0: i32, %arg1: memref<1024x128xf32, #tpu.memory_space<vmem>>, %arg2: memref<1024x128xf32, #tpu.memory_space<vmem>>, %arg3: memref<2x1024x1xf32, #tpu.memory_space<vmem>>, %arg4: memref<1x128xf32, #tpu.memory_space<vmem>>, %arg5: memref<128x128xf32, #tpu.memory_space<vmem>>, %arg6: memref<1024x128xf32, #tpu.memory_space<vmem>>) attributes {dimension_semantics = [#tpu.dimension_semantics<arbitrary>], iteration_bounds = array<i64: 10>, scalar_prefetch = 0 : i64, scratch_operands = 0 : i64, tpu.core_type = #tpu.core_type<tc>, window_params = [{transform_indices = @transform_0, window_bounds = array<i64: 1024, 128>}, {transform_indices = @transform_1, window_bounds = array<i64: 1024, 128>}, {transform_indices = @transform_2, window_bounds = array<i64: 2, 1024, 1>}, {pipeline_mode = #tpu.pipeline_mode<synchronous>, transform_indices = @transform_3, window_bounds = array<i64: 1, 128>}, {pipeline_mode = #tpu.pipeline_mode<synchronous>, transform_indices = @transform_4, window_bounds = array<i64: 128, 128>}, {transform_indices = @transform_5, window_bounds = array<i64: 1024, 128>}]} {
    %get3A = arith.constant 0 : index
    %get3A_0 = arith.constant 0 : index
    %get3A_1 = arith.constant 0 : index
    %get3A_2 = vector.load %arg3[%get3A, %get3A_0, %get3A_1] : memref<2x1024x1xf32, #tpu.memory_space<vmem>>, vector<1x1024x1xf32>
    %get3A_3 = vector.shape_cast %get3A_2 : vector<1x1024x1xf32> to vector<1024x1xf32>
    %get3A_4 = arith.constant 1 : index
    %get3A_5 = arith.constant 0 : index
    %get3A_6 = arith.constant 0 : index
    %get3A_7 = vector.load %arg3[%get3A_4, %get3A_5, %get3A_6] : memref<2x1024x1xf32, #tpu.memory_space<vmem>>, vector<1x1024x1xf32>
    %get3A_8 = vector.shape_cast %get3A_7 : vector<1x1024x1xf32> to vector<1024x1xf32>
    %add3A = arith.addf %get3A_3, %get3A_8 : vector<1024x1xf32>
    %add3A_9 = arith.constant 1.000000e+00 : f32
    %add3A_10 = vector.broadcast %add3A_9 : f32 to vector<1024x1xf32>
    %add3A_11 = arith.addf %add3A, %add3A_10 : vector<1024x1xf32>
    %rsqrt3A = math.rsqrt %add3A_11 : vector<1024x1xf32>
    %get3A_12 = arith.constant 0 : index
    %get3A_13 = arith.constant 0 : index
    %get3A_14 = vector.load %arg1[%get3A_12, %get3A_13] : memref<1024x128xf32, #tpu.memory_space<vmem>>, vector<1024x128xf32>
    %get3A_15 = arith.constant 0 : index
    %get3A_16 = arith.constant 0 : index
    %get3A_17 = vector.load %arg2[%get3A_15, %get3A_16] : memref<1024x128xf32, #tpu.memory_space<vmem>>, vector<1024x128xf32>
    %add3A_18 = arith.addf %get3A_14, %get3A_17 : vector<1024x128xf32>
    %mul3A = vector.broadcast %rsqrt3A : vector<1024x1xf32> to vector<1024x128xf32>
    %mul3A_19 = arith.mulf %add3A_18, %mul3A : vector<1024x128xf32>
    %get3A_20 = arith.constant 0 : index
    %get3A_21 = arith.constant 0 : index
    %get3A_22 = vector.load %arg4[%get3A_20, %get3A_21] : memref<1x128xf32, #tpu.memory_space<vmem>>, vector<1x128xf32>
    %add3A_23 = vector.broadcast %get3A_22 : vector<1x128xf32> to vector<1024x128xf32>
    %add3A_24 = arith.addf %mul3A_19, %add3A_23 : vector<1024x128xf32>
    %max3A = arith.constant 0.000000e+00 : f32
    %max3A_25 = vector.broadcast %max3A : f32 to vector<1024x128xf32>
    %max3A_26 = arith.maximumf %add3A_24, %max3A_25 : vector<1024x128xf32>
    %get3A_27 = arith.constant 0 : index
    %get3A_28 = arith.constant 0 : index
    %get3A_29 = vector.load %arg5[%get3A_27, %get3A_28] : memref<128x128xf32, #tpu.memory_space<vmem>>, vector<128x128xf32>
    %dot_general3A = arith.constant dense<0.000000e+00> : vector<1024x128xf32>
    %dot_general3A_30 = tpu.matmul %max3A_26, %get3A_29, %dot_general3A {dimension_numbers = #tpu.dot_dimension_numbers<[1], [0], [0], [1], [0, 0, 1, 1], [], []>, transpose_lhs_hint = false} : vector<1024x128xf32>, vector<128x128xf32>, vector<1024x128xf32> -> vector<1024x128xf32>
    %mul3A_31 = vector.broadcast %rsqrt3A : vector<1024x1xf32> to vector<1024x128xf32>
    %mul3A_32 = arith.mulf %dot_general3A_30, %mul3A_31 : vector<1024x128xf32>
    %swap3A = arith.constant 0 : index
    %swap3A_33 = arith.constant 0 : index
    %swap3A_34 = vector.load %arg6[%swap3A, %swap3A_33] : memref<1024x128xf32, #tpu.memory_space<vmem>>, vector<1024x128xf32>
    tpu.vector_store %arg6[%swap3A, %swap3A_33], %mul3A_32 {strides = array<i32>} : memref<1024x128xf32, #tpu.memory_space<vmem>>, vector<1024x128xf32>,
    return
  }
  func.func @transform_0(%arg0: i32) -> (i32, i32) {
    %c0_i32 = arith.constant 0 : i32
    %c0_i32_0 = arith.constant 0 : i32
    return %arg0, %c0_i32 : i32, i32
  }
  func.func @transform_1(%arg0: i32) -> (i32, i32) {
    %c0_i32 = arith.constant 0 : i32
    %c0_i32_0 = arith.constant 0 : i32
    return %arg0, %c0_i32 : i32, i32
  }
  func.func @transform_2(%arg0: i32) -> (i32, i32, i32) {
    %c0_i32 = arith.constant 0 : i32
    %c0_i32_0 = arith.constant 0 : i32
    %c0_i32_1 = arith.constant 0 : i32
    return %c0_i32, %arg0, %c0_i32_0 : i32, i32, i32
  }
  func.func @transform_3(%arg0: i32) -> (i32, i32) {
    %c0_i32 = arith.constant 0 : i32
    %c0_i32_0 = arith.constant 0 : i32
    %c0_i32_1 = arith.constant 0 : i32
    return %c0_i32, %c0_i32_0 : i32, i32
  }
  func.func @transform_4(%arg0: i32) -> (i32, i32) {
    %c0_i32 = arith.constant 0 : i32
    %c0_i32_0 = arith.constant 0 : i32
    %c0_i32_1 = arith.constant 0 : i32
    return %c0_i32, %c0_i32_0 : i32, i32
  }
  func.func @transform_5(%arg0: i32) -> (i32, i32) {
    %c0_i32 = arith.constant 0 : i32
    %c0_i32_0 = arith.constant 0 : i32
    return %arg0, %c0_i32 : i32, i32
  }
}

module attributes {stable_mosaic.version = 14 : i64} {
  func.func @_final_body(%arg0: i32, %arg1: memref<1024x128xf32, #tpu.memory_space<vmem>>, %arg2: memref<1024x128xf32, #tpu.memory_space<vmem>>, %arg3: memref<2x1024x1xf32, #tpu.memory_space<vmem>>, %arg4: memref<1x128xf32, #tpu.memory_space<vmem>>, %arg5: memref<128x1xf32, #tpu.memory_space<vmem>>, %arg6: memref<1x1xf32, #tpu.memory_space<vmem>>, %arg7: memref<1x1xf32, #tpu.memory_space<vmem>>, %arg8: memref<1x128xf32, #tpu.memory_space<vmem>>) attributes {dimension_semantics = [#tpu.dimension_semantics<arbitrary>], iteration_bounds = array<i64: 10>, scalar_prefetch = 0 : i64, scratch_operands = 1 : i64, tpu.core_type = #tpu.core_type<tc>, window_params = [{transform_indices = @transform_0, window_bounds = array<i64: 1024, 128>}, {transform_indices = @transform_1, window_bounds = array<i64: 1024, 128>}, {transform_indices = @transform_2, window_bounds = array<i64: 2, 1024, 1>}, {pipeline_mode = #tpu.pipeline_mode<synchronous>, transform_indices = @transform_3, window_bounds = array<i64: 1, 128>}, {pipeline_mode = #tpu.pipeline_mode<synchronous>, transform_indices = @transform_4, window_bounds = array<i64: 128, 1>}, {pipeline_mode = #tpu.pipeline_mode<synchronous>, transform_indices = @transform_5, window_bounds = array<i64: 1, 1>}, {pipeline_mode = #tpu.pipeline_mode<synchronous>, transform_indices = @transform_6, window_bounds = array<i64: 1, 1>}]} {
    %get3A = arith.constant 0 : index
    %get3A_0 = arith.constant 0 : index
    %get3A_1 = arith.constant 0 : index
    %get3A_2 = vector.load %arg3[%get3A, %get3A_0, %get3A_1] : memref<2x1024x1xf32, #tpu.memory_space<vmem>>, vector<1x1024x1xf32>
    %get3A_3 = vector.shape_cast %get3A_2 : vector<1x1024x1xf32> to vector<1024x1xf32>
    %get3A_4 = arith.constant 1 : index
    %get3A_5 = arith.constant 0 : index
    %get3A_6 = arith.constant 0 : index
    %get3A_7 = vector.load %arg3[%get3A_4, %get3A_5, %get3A_6] : memref<2x1024x1xf32, #tpu.memory_space<vmem>>, vector<1x1024x1xf32>
    %get3A_8 = vector.shape_cast %get3A_7 : vector<1x1024x1xf32> to vector<1024x1xf32>
    %add3A = arith.addf %get3A_3, %get3A_8 : vector<1024x1xf32>
    %add3A_9 = arith.constant 1.000000e+00 : f32
    %add3A_10 = vector.broadcast %add3A_9 : f32 to vector<1024x1xf32>
    %add3A_11 = arith.addf %add3A, %add3A_10 : vector<1024x1xf32>
    %rsqrt3A = math.rsqrt %add3A_11 : vector<1024x1xf32>
    %get3A_12 = arith.constant 0 : index
    %get3A_13 = arith.constant 0 : index
    %get3A_14 = vector.load %arg1[%get3A_12, %get3A_13] : memref<1024x128xf32, #tpu.memory_space<vmem>>, vector<1024x128xf32>
    %get3A_15 = arith.constant 0 : index
    %get3A_16 = arith.constant 0 : index
    %get3A_17 = vector.load %arg2[%get3A_15, %get3A_16] : memref<1024x128xf32, #tpu.memory_space<vmem>>, vector<1024x128xf32>
    %add3A_18 = arith.addf %get3A_14, %get3A_17 : vector<1024x128xf32>
    %mul3A = vector.broadcast %rsqrt3A : vector<1024x1xf32> to vector<1024x128xf32>
    %mul3A_19 = arith.mulf %add3A_18, %mul3A : vector<1024x128xf32>
    %get3A_20 = arith.constant 0 : index
    %get3A_21 = arith.constant 0 : index
    %get3A_22 = vector.load %arg4[%get3A_20, %get3A_21] : memref<1x128xf32, #tpu.memory_space<vmem>>, vector<1x128xf32>
    %add3A_23 = vector.broadcast %get3A_22 : vector<1x128xf32> to vector<1024x128xf32>
    %add3A_24 = arith.addf %mul3A_19, %add3A_23 : vector<1024x128xf32>
    %max3A = arith.constant 0.000000e+00 : f32
    %max3A_25 = vector.broadcast %max3A : f32 to vector<1024x128xf32>
    %max3A_26 = arith.maximumf %add3A_24, %max3A_25 : vector<1024x128xf32>
    %mul3A_27 = arith.constant 1024 : i32
    %mul3A_28 = arith.muli %arg0, %mul3A_27 : i32
    %iota3A = tpu.iota {dimensions = array<i32: 0>} : vector<1024x1xi32>
    %add3A_29 = vector.broadcast %mul3A_28 : i32 to vector<1024x1xi32>
    %add3A_30 = arith.addi %add3A_29, %iota3A : vector<1024x1xi32>
    %lt3A = arith.constant 10000 : i32
    %lt3A_31 = vector.broadcast %lt3A : i32 to vector<1024x1xi32>
    %lt3A_32 = arith.cmpi slt, %add3A_30, %lt3A_31 : vector<1024x1xi32>
    %jit3A = arith.constant 0.000000e+00 : f32
    %broadcast_in_dim3A = vector.shape_cast %lt3A_32 : vector<1024x1xi1> to vector<1024x1xi1>
    %broadcast_in_dim3A_33 = vector.broadcast %broadcast_in_dim3A : vector<1024x1xi1> to vector<1024x128xi1>
    %broadcast_in_dim3A_34 = vector.broadcast %jit3A : f32 to vector<1024x128xf32>
    %select_n3A = arith.select %broadcast_in_dim3A_33, %max3A_26, %broadcast_in_dim3A_34 : vector<1024x128xi1>, vector<1024x128xf32>
    %eq3A = arith.constant 0 : i32
    %eq3A_35 = arith.cmpi eq, %arg0, %eq3A : i32
    %convert_element_type3A = arith.extui %eq3A_35 : i1 to i32
    %cond3A = arith.constant 0 : i32
    %cond3A_36 = arith.cmpi ne, %convert_element_type3A, %cond3A : i32
    scf.if %cond3A_36 {
      %broadcast_in_dim3A_50 = arith.constant 0.000000e+00 : f32
      %broadcast_in_dim3A_51 = vector.broadcast %broadcast_in_dim3A_50 : f32 to vector<1x128xf32>
      %swap3A_52 = arith.constant 0 : index
      %swap3A_53 = arith.constant 0 : index
      %swap3A_54 = vector.load %arg8[%swap3A_52, %swap3A_53] : memref<1x128xf32, #tpu.memory_space<vmem>>, vector<1x128xf32>
      tpu.vector_store %arg8[%swap3A_52, %swap3A_53], %broadcast_in_dim3A_51 {strides = array<i32>} : memref<1x128xf32, #tpu.memory_space<vmem>>, vector<1x128xf32>,
    } else {
    }
    %get3A_37 = arith.constant 0 : index
    %get3A_38 = arith.constant 0 : index
    %get3A_39 = vector.load %arg8[%get3A_37, %get3A_38] : memref<1x128xf32, #tpu.memory_space<vmem>>, vector<1x128xf32>
    %reduce_sum3A = arith.constant dense<0.000000e+00> : vector<128xf32>
    %reduce_sum3A_40 = vector.multi_reduction <add>, %select_n3A, %reduce_sum3A [0] : vector<1024x128xf32> to vector<128xf32>
    %broadcast_in_dim3A_41 = vector.shape_cast %reduce_sum3A_40 : vector<128xf32> to vector<1x128xf32>
    %add3A_42 = arith.addf %get3A_39, %broadcast_in_dim3A_41 : vector<1x128xf32>
    %swap3A = arith.constant 0 : index
    %swap3A_43 = arith.constant 0 : index
    %swap3A_44 = vector.load %arg8[%swap3A, %swap3A_43] : memref<1x128xf32, #tpu.memory_space<vmem>>, vector<1x128xf32>
    tpu.vector_store %arg8[%swap3A, %swap3A_43], %add3A_42 {strides = array<i32>} : memref<1x128xf32, #tpu.memory_space<vmem>>, vector<1x128xf32>,
    %eq3A_45 = arith.constant 9 : i32
    %eq3A_46 = arith.cmpi eq, %arg0, %eq3A_45 : i32
    %convert_element_type3A_47 = arith.extui %eq3A_46 : i1 to i32
    %cond3A_48 = arith.constant 0 : i32
    %cond3A_49 = arith.cmpi ne, %convert_element_type3A_47, %cond3A_48 : i32
    scf.if %cond3A_49 {
      %get3A_50 = arith.constant 0 : index
      %get3A_51 = arith.constant 0 : index
      %get3A_52 = vector.load %arg8[%get3A_50, %get3A_51] : memref<1x128xf32, #tpu.memory_space<vmem>>, vector<1x128xf32>
      %mul3A_53 = arith.constant 9.99999974E-5 : f32
      %mul3A_54 = vector.broadcast %mul3A_53 : f32 to vector<1x128xf32>
      %mul3A_55 = arith.mulf %get3A_52, %mul3A_54 : vector<1x128xf32>
      %get3A_56 = arith.constant 0 : index
      %get3A_57 = arith.constant 0 : index
      %get3A_58 = vector.load %arg5[%get3A_56, %get3A_57] : memref<128x1xf32, #tpu.memory_space<vmem>>, vector<128x1xf32>
      %dot_general3A = arith.constant dense<0.000000e+00> : vector<1x1xf32>
      %dot_general3A_59 = tpu.matmul %mul3A_55, %get3A_58, %dot_general3A {dimension_numbers = #tpu.dot_dimension_numbers<[1], [0], [0], [1], [0, 0, 1, 1], [], []>, transpose_lhs_hint = false} : vector<1x128xf32>, vector<128x1xf32>, vector<1x1xf32> -> vector<1x1xf32>
      %get3A_60 = arith.constant 0 : index
      %get3A_61 = arith.constant 0 : index
      %get3A_62 = vector.load %arg6[%get3A_60, %get3A_61] : memref<1x1xf32, #tpu.memory_space<vmem>>, vector<1x1xf32>
      %add3A_63 = arith.addf %dot_general3A_59, %get3A_62 : vector<1x1xf32>
      %swap3A_64 = arith.constant 0 : index
      %swap3A_65 = arith.constant 0 : index
      %swap3A_66 = vector.load %arg7[%swap3A_64, %swap3A_65] : memref<1x1xf32, #tpu.memory_space<vmem>>, vector<1x1xf32>
      tpu.vector_store %arg7[%swap3A_64, %swap3A_65], %add3A_63 {strides = array<i32>} : memref<1x1xf32, #tpu.memory_space<vmem>>, vector<1x1xf32>,
    } else {
    }
    return
  }
  func.func @transform_0(%arg0: i32) -> (i32, i32) {
    %c0_i32 = arith.constant 0 : i32
    %c0_i32_0 = arith.constant 0 : i32
    return %arg0, %c0_i32 : i32, i32
  }
  func.func @transform_1(%arg0: i32) -> (i32, i32) {
    %c0_i32 = arith.constant 0 : i32
    %c0_i32_0 = arith.constant 0 : i32
    return %arg0, %c0_i32 : i32, i32
  }
  func.func @transform_2(%arg0: i32) -> (i32, i32, i32) {
    %c0_i32 = arith.constant 0 : i32
    %c0_i32_0 = arith.constant 0 : i32
    %c0_i32_1 = arith.constant 0 : i32
    return %c0_i32, %arg0, %c0_i32_0 : i32, i32, i32
  }
  func.func @transform_3(%arg0: i32) -> (i32, i32) {
    %c0_i32 = arith.constant 0 : i32
    %c0_i32_0 = arith.constant 0 : i32
    %c0_i32_1 = arith.constant 0 : i32
    return %c0_i32, %c0_i32_0 : i32, i32
  }
  func.func @transform_4(%arg0: i32) -> (i32, i32) {
    %c0_i32 = arith.constant 0 : i32
    %c0_i32_0 = arith.constant 0 : i32
    %c0_i32_1 = arith.constant 0 : i32
    return %c0_i32, %c0_i32_0 : i32, i32
  }
  func.func @transform_5(%arg0: i32) -> (i32, i32) {
    %c0_i32 = arith.constant 0 : i32
    %c0_i32_0 = arith.constant 0 : i32
    %c0_i32_1 = arith.constant 0 : i32
    return %c0_i32, %c0_i32_0 : i32, i32
  }
  func.func @transform_6(%arg0: i32) -> (i32, i32) {
    %c0_i32 = arith.constant 0 : i32
    %c0_i32_0 = arith.constant 0 : i32
    %c0_i32_1 = arith.constant 0 : i32
    return %c0_i32, %c0_i32_0 : i32, i32
  }
}

</mosaic_0001>

<sc_bundles>
// kernel: kernel.11.cloned.1.call-start
scs
__scs_entry_jumppad:
0x0: {  	(pc) =	sbr.rel $0x88, $3  }
0x1: {  	(tag) =	ssettag $0x0;
	lr =	simm.s32 $0x1  }
0x2: {  	[smem:$0x3F99] =	sst lr;
	_ =	strace $0xD0000000  }
0x3: {  	_ = 	snop  }
0x4: {  	_ = 	snop  }
0x5: {  	_ = 	snop  }
0x6: {  	_ = 	snop  }
0x7: {  	_ = 	snop  }
__scs_overlays_trampoline_lowered:
0x8: {  	[smem:$0x3FA8] =	sst s0  }
0x9: {  	[smem:$0x3FA9] =	sst s1  }
0xa: {  	[smem:$0x3FAA] =	sst s2  }
0xb: {  	[smem:$0x3FAB] =	sst s3  }
0xc: {  	[smem:$0x3FAC] =	sst s4  }
0xd: {  	[smem:$0x3FAD] =	sst s5  }
0xe: {  	[smem:$0x3FAE] =	sst s6  }
0xf: {  	[smem:$0x3FAF] =	sst s7  }
0x10: {  	[smem:$0x3FB0] =	sst s8  }
0x11: {  	[smem:$0x3FB1] =	sst s9;
	s0 =	simm.s32 @!p0 $0x0  }
0x12: {  	s1 =	sld [smem:$0x3F97];
	s0 =	simm.s32 @p0 $0x1  }
0x13: {  	[smem:$0x3FB2] =	sst s0;
	s0 =	simm.s32 @!p1 $0x0  }
0x14: {  	s2 =	sld [smem:$0x3F96];
	s0 =	simm.s32 @p1 $0x1  }
0x15: {  	[smem:$0x3FB3] =	sst s0;
	s0 =	simm.s32 @!p2 $0x0  }
0x16: {  	s3 =	sld [smem:$0x3FDB];
	s0 =	simm.s32 @p2 $0x1  }
0x17: {  	s4 =	simm.s32 $0x1BF5;
	[smem:$0x3FB5] =	sst s0  }
0x18: {  	s0 =	sld [smem:$0x3F98];
	_ =	swait.ge [sflag:s4], $0x0  }
0x19: {  	s7 =	sld [smem:$0x3F99]  }
0x1a: {  	s8 =	sadd.s32 $0xFFFFE003, lr  }
0x1b: {  	s9 =	sadd.s32 $0xFFFFFEF7, lr;
	s5 =	simm.s32 $0xFFFFFFFF;
	p2 =	slt.u32 s8, $0xFFFFF086  }
0x1c: {  	p1 =	slt.u32 s9, $0xF7A;
	s5 =	simm.s32 @!p2 $0x0  }
0x1d: {  	s5 =	simm.s32 @p1 $0x1;
	p0 =	seq.s32 s7, s2  }
0x1e: {  	s7 =	smul.u32 @!p0 $0xF7A, s2;
	p2 =	seq.s32 @!p0 s5, $0x0  }
0x1f: {  	s9 =	smul.u32 $0xF7A, s1;
	s8 =	simm.s32 @!p0 $0x1BF5;
	p2 =	por !p2, p0  }
0x20: {  	[sflag:s8] =	ssyncset.s32 @!p0 $0xFFFFF086;
	s6 =	sadd.s32 @!p0 s3, s7;
	s7 =	simm.s32 @!p0 $0x108  }
0x21: {  	s3 =	sadd.s32 s3, s9;
	s6 =	sadd.s32 @!p0 $0x88, s6;
	s7 =	simm.s32 @p2 $0x1082  }
0x22: {  	[simem:s7], [sflag:s8] =	dma.local @!p0 [hbm:s6], $0xF7A  }
0x23: {  	s9 =	sor.u32 $0xD0000000, s2;
	s6 =	simm.s32 $0x108;
	_ =	swait.ge @!p0 [sflag:s8], $0x0  }
0x24: {  	s3 =	sadd.s32 $0x88, s3;
	s6 =	simm.s32 @!p1 $0x1082;
	[sflag:s4] =	ssyncset.s32 $0xFFFFF086  }
0x25: {  	[simem:s6], [sflag:s4] =	dma.local [hbm:s3], $0xF7A  }
0x26: {  	[smem:$0x3F99] =	sst s1;
	(tag) =	ssettag s2;
	_ =	strace s9  }
0x27: {  	s1 =	sld [smem:$0x3FA9]  }
0x28: {  	s2 =	sld [smem:$0x3FAA]  }
0x29: {  	s4 =	sld [smem:$0x3FAC]  }
0x2a: {  	p0 =	seq.s32 s5, $0x0;
	s5 =	sld [smem:$0x3FAD]  }
0x2b: {  	s6 =	sld [smem:$0x3FAE]  }
0x2c: {  	s7 =	sld [smem:$0x3FAF]  }
0x2d: {  	s3 =	simm.s32 $0x108;
	s8 =	sld [smem:$0x3FB0]  }
0x2e: {  	s3 =	simm.s32 @!p0 $0x1082;
	s9 =	sld [smem:$0x3FB1]  }
0x2f: {  	lr =	sadd.s32 s0, s3;
	s0 =	sld [smem:$0x3FA8]  }
0x30: {  	s3 =	sld [smem:$0x3FAB]  }
0x31: {  	[smem:$0x3FB4] =	sst s10  }
0x32: {  	s10 =	sld [smem:$0x3FB2];
	_ =	sdelay $0x3  }
0x33: {  	p0 =	seq.s32 s10, $0x1;
	s10 =	sld [smem:$0x3FB4];
	_ =	sdelay $0x3  }
0x34: {  	[smem:$0x3FB4] =	sst s10  }
0x35: {  	s10 =	sld [smem:$0x3FB3];
	_ =	sdelay $0x3  }
0x36: {  	p1 =	seq.s32 s10, $0x1;
	s10 =	sld [smem:$0x3FB4];
	_ =	sdelay $0x3  }
0x37: {  	[smem:$0x3FB4] =	sst s10  }
0x38: {  	s10 =	sld [smem:$0x3FB5]  }
0x39: {  	_ = 	snop;
	(pc) =	sbr.ind lr, $3  }
0x3a: {  	_ = 	snop  }
0x3b: {  	_ = 	snop  }
0x3c: {  	p2 =	seq.s32 s10, $0x1;
	s10 =	sld [smem:$0x3FB4]  }
0x3d: {  	_ =	shalt  }
0x3e: {  	_ =	shalt  }
0x3f: {  	_ =	shalt  }
0x40: {  	_ =	shalt  }
0x41: {  	_ =	shalt  }
0x42: {  	_ =	shalt  }
0x43: {  	_ =	shalt  }
0x44: {  	_ =	shalt  }
0x45: {  	_ =	shalt  }
0x46: {  	_ =	shalt  }
0x47: {  	_ =	shalt  }
0x48: {  	_ =	shalt  }
0x49: {  	_ =	shalt  }
0x4a: {  	_ =	shalt  }
0x4b: {  	_ =	shalt  }
0x4c: {  	_ =	shalt  }
0x4d: {  	_ =	shalt  }
0x4e: {  	_ =	shalt  }
0x4f: {  	_ =	shalt  }
0x50: {  	_ =	shalt  }
0x51: {  	_ =	shalt  }
0x52: {  	_ =	shalt  }
0x53: {  	_ =	shalt  }
0x54: {  	_ =	shalt  }
0x55: {  	_ =	shalt  }
0x56: {  	_ =	shalt  }
0x57: {  	_ =	shalt  }
0x58: {  	_ =	shalt  }
0x59: {  	_ =	shalt  }
0x5a: {  	_ =	shalt  }
0x5b: {  	_ =	shalt  }
0x5c: {  	_ =	shalt  }
0x5d: {  	_ =	shalt  }
0x5e: {  	_ =	shalt  }
0x5f: {  	_ =	shalt  }
0x60: {  	_ =	shalt  }
0x61: {  	_ =	shalt  }
0x62: {  	_ =	shalt  }
0x63: {  	_ =	shalt  }
0x64: {  	_ =	shalt  }
0x65: {  	_ =	shalt  }
0x66: {  	_ =	shalt  }
0x67: {  	_ =	shalt  }
0x68: {  	_ =	shalt  }
0x69: {  	_ =	shalt  }
0x6a: {  	_ =	shalt  }
0x6b: {  	_ =	shalt  }
0x6c: {  	_ =	shalt  }
0x6d: {  	_ =	shalt  }
0x6e: {  	_ =	shalt  }
0x6f: {  	_ =	shalt  }
0x70: {  	_ =	shalt  }
0x71: {  	_ =	shalt  }
0x72: {  	_ =	shalt  }
0x73: {  	_ =	shalt  }
0x74: {  	_ =	shalt  }
0x75: {  	_ =	shalt  }
0x76: {  	_ =	shalt  }
0x77: {  	_ =	shalt  }
0x78: {  	_ =	shalt  }
0x79: {  	_ =	shalt  }
0x7a: {  	_ =	shalt  }
0x7b: {  	_ =	shalt  }
0x7c: {  	_ =	shalt  }
0x7d: {  	_ =	shalt  }
0x7e: {  	_ =	shalt  }
0x7f: {  	_ =	shalt  }
0x80: {  	_ =	shalt  }
0x81: {  	_ =	shalt  }
0x82: {  	_ =	shalt  }
0x83: {  	_ =	shalt  }
0x84: {  	_ =	shalt  }
0x85: {  	_ =	shalt  }
0x86: {  	_ =	shalt  }
0x87: {  	_ =	shalt  }
.Lfunc_end0:
.L_simem_size_0:
called_computation.1_lowered:
.L_overlay_start_0:
0x88: {  	s2 =	sld [smem:$0x3FD9]  }
0x89: {  	s3 =	sld [smem:$0x3FFE];
	_ =	sdelay $0x1  }
0x8a: {  	s1 =	srdreg.scid  }
0x8b: {  	s0 =	sand.u32 $0x1, s1  }
0x8c: {  	s16 =	sshll.u32 s0, $0xA;
	s2 =	sadd.s32 s3, s2  }
0x8d: {  	s2 =	sadd.s32 s2, s16  }
0x8e: {  	[smem:$0x3FC0] =	sst s2  }
0x8f: {  	_ = 	snop  }
0x90: {  	(tm) =	ssettm $0x1  }
0x91: {  	s17 =	sld [smem:$0x3FFB];
	_ =	sdelay $0x3  }
0x92: {  	_ =	strace s17  }
0x93: {  	s2 =	sld [smem:$0x3FFC];
	_ =	sdelay $0x3  }
0x94: {  	_ =	strace s2  }
0x95: {  	s2 =	sld [smem:$0x3FFD];
	_ =	sdelay $0x3  }
0x96: {  	_ =	strace s2  }
0x97: {  	_ =	strace $0x8FFFFFFF  }
0x98: {  	s18 =	sld [smem:$0x3FDB];
	_ =	sdelay $0x1  }
0x99: {  	s19 =	simm.s32 $_scs_section_size  }
0x9a: {  	s4 =	simm.s32 $_size__tile_overlayer_lowered;
	s5 =	simm.s32 $_tile_overlayer_lowered  }
0x9b: {  	s22 =	simm.s32 $0x1BFF;
	s21 =	sshll.u32 s5, $0x1;
	s2 =	sadd.s32 s19, s18  }
0x9c: {  	s6 =	simm.s32 $0x0;
	s20 =	sshll.u32 s4, $0x1;
	s4 =	sadd.s32 s21, s2  }
0x9d: {  	[timem:s6], [sflag:s22] =	dma.local [hbm:s4], s20  }
0x9e: {  	_ =	swait.ge [sflag:s22], s20  }
0x9f: {  	s3 =	ssub.s32 $0x0, s20;
	[sflag:s22] =	ssyncset.done $0x0  }
0xa0: {  	[sflag:s22] =	ssyncadd.s32 s3;
	_ =	sdelay $0x1  }
0xa1: {  	s23 =	simm.s32 $0x1B8B  }
0xa2: {  	_ =	swait.ge [sflag:s23], $0x1  }
0xa3: {  	[sflag:s23] =	ssyncset.done $0x0  }
0xa4: {  	s25 =	simm.s32 $0x1B8E;
	s24 =	sld [smem:$0x3FFE];
	[sflag:s23] =	ssyncadd.s32 $0xFFFFFFFF  }
0xa5: {  	s26 =	simm.s32 $execute0_lowered;
	[smem:$0x3FD2] =	sst s25  }
0xa6: {  	s4 =	sshll.u32 s26, $0x1;
	_ =	strace $0x80000049;
	[dreg:$0x1] =	wrdreg $0xFFFFFFFF  }
0xa7: {  	s28 =	simm.s32 $_size_execute0_lowered;
	s2 =	sadd.s32 s2, s4;
	[dreg:$0x0] =	wrdreg $0x0  }
0xa8: {  	s4 =	sshll.u32 s28, $0x1;
	[dreg:$0x2] =	wrdreg s2  }
0xa9: {  	[dreg:$0x3] =	wrdreg s4  }
0xaa: {  	[dreg:$0x4] =	wrdreg $0xC0  }
0xab: {  	_ =	task [dreg:s6], $0x5FFFF  }
0xac: {  	[dreg:$0x1] =	wrdreg $0xFFFFFFFF  }
0xad: {  	[dreg:$0x0] =	wrdreg $0x60  }
0xae: {  	[dreg:$0x2] =	wrdreg s24  }
0xaf: {  	[dreg:$0x3] =	wrdreg $0x128000  }
0xb0: {  	[dreg:$0x4] =	wrdreg $0x9  }
0xb1: {  	_ =	task.clear_ibuf [dreg:s6], $0x5FFFF;
	_ =	strace $0x90000049  }
0xb2: {  	s29 =	simm.s32 $0x9;
	_ =	strace $0x8000004B  }
0xb3: {  	_ =	swait.ge [sflag:s29], $0x1  }
0xb4: {  	[sflag:s29] =	ssyncadd.s32 $0xFFFFFFFF  }
0xb5: {  	_ =	strace $0x9000004B  }
0xb6: {  	_ =	sfence  }
0xb7: {  	s30 =	sld [smem:$0x0];
	_ =	sdelay $0x2  }
0xb8: {  	s31 =	sshll.u32 s1, $0xD;
	s1 =	sshrl.u32 s1, $0x2  }
0xb9: {  	s3 =	sand.u32 $0x4000, s31;
	s1 =	sadd.s32 s1, s30  }
0xba: {  	s0 =	sor.u32 s3, s0;
	s1 =	sshll.u32 s1, $0x11  }
0xbb: {  	s0 =	sor.u32 s1, s0  }
0xbc: {  	s0 =	sadd.s32 $0x8F2B, s0  }
0xbd: {  	[sflag:s0] =	ssyncadd.remote.s32 $0x1  }
0xbe: {  	_ =	sfence.sel $0xFFFF  }
0xbf: {  	[dreg:$0x0] =	wrdreg $0xFFFFFFFF;
	(pc) =	sbr.abs _section_cstart, $3  }
0xc0: {  	[dreg:$0x1] =	wrdreg $0xFFFFFFFF  }
0xc1: {  	_ =	task.clear_ibuf [dreg:s6], $0x2FFFF;
	_ =	strace $0x9FFFFFFF  }
0xc2: {  	(tm) =	ssettm $0x7FFFFFFF  }
0xc3: {  	_ =	shalt  }
tec
execute0_lowered:
.L_overlay_start_1:
0x0: {  	(tag) =	ssettag $0x1  }
0x1: {  	s0 =	rddreg [dreg:$0x0]  }
0x2: {  	s1 =	rddreg [dreg:$0x1];
	s3 =	srdreg.scid;
	s2 =	simm.s32 $0x0  }
0x3: {  	s11 =	stileid.u32;
	s13 =	simm.s32 $0x9;
	s14 =	simm.s32 $0x1400  }
0x4: {  	s15 =	simm.s32 $0x80;
	s16 =	simm.s32 $0x2800;
	s17 =	simm.s32 $0x6800  }
0x5: {  	s18 =	simm.s32 $0x100;
	s19 =	simm.s32 $0xA800;
	s20 =	simm.s32 $0x180  }
0x6: {  	s21 =	simm.s32 $0xE800;
	s22 =	simm.s32 $0x1;
	s28 =	simm.s32 $0x5  }
0x7: {  	s29 =	simm.s32 $0x6;
	s30 =	simm.s32 $0x7;
	s8 =	smul.u32 $0x1400, s11  }
0x8: {  	s31 =	simm.s32 $0x8;
	s3 =	sand.u32 $0x1, s3;
	s24 =	smul.u32 $0x30000, s11  }
0x9: {  	[smem:$0x7FF] =	sst s2;
	s4 =	sadd.s32 $0x7EA00, s0;
	s10 =	smul.u32 $0x28000, s11  }
0xa: {  	s5 =	sadd.s32 $0xDA00, s0;
	s9 =	sadd.s32 $0x17A00, s0;
	s6 =	smul.u32 $0xA000, s3  }
0xb: {  	s26 =	sshll.u32 s11, $0x6;
	_ =	strace $0x8000004A;
	s7 =	smul.u32 $0x14000, s3  }
0xc: {  	[dreg:$0x3] =	wrdreg s9;
	s3 =	ssub.s32 $0x2, s3;
	s12 =	sor.u32 $0x1C09, s26  }
0xd: {  	s23 =	sshrl.u32 s3, $0x1;
	s25 =	sshrl.u32 s24, $0x2;
	s10 =	sshrl.u32 s10, $0x2  }
0xe: {  	[dreg:$0x4] =	wrdreg s12;
	s6 =	sadd.s32 s6, s0;
	s7 =	sadd.s32 s8, s7  }
0xf: {  	s3 =	ssub.s32 s3, s23;
	s8 =	sadd.s32 s25, s1;
	s10 =	sadd.s32 s10, s1  }
0x10: {  	s23 =	simm.s32 $0x2;
	s0 =	sadd.s32 s7, s0;
	s7 =	smul.u32 $0xA0, s11  }
0x11: {  	s9 =	sadd.s32 $0x6AA00, s6;
	s24 =	smax.u32 s3, $0x1;
	s25 =	sshrl.u32 s8, $0x3  }
0x12: {  	s26 =	sshrl.u32 s10, $0x3;
	s3 =	simm.s32 $0x2680;
	[dreg:$0x6] =	wrdreg s24  }
0x13: {  	s6 =	simm.s32 $0x2700;
	s10 =	simm.s32 $0x2780;
	[dreg:$0x7] =	wrdreg s25  }
0x14: {  	s0 =	sadd.s32 $0xA6A00, s0;
	s24 =	simm.s32 $0x3;
	[dreg:$0x8] =	wrdreg s26  }
0x15: {  	s26 =	simm.s32 $0x4;
	[dreg:$0x5] =	wrdreg s0;
	s0 =	simm.s32 $0x2600  }
.LBB2_1:
0x16: {  	s8 =	rddreg [dreg:$0x3]  }
0x17: {  	s11 =	rddreg [dreg:$0x7]  }
0x18: {  	[spmem:s11], [sflag:s12] =	dma.local [hbm:s8], $0x1800  }
0x19: {  	_ =	swait.ge [sflag:s13], $0x1800  }
0x1a: {  	[sflag:s13] =	ssyncset.done $0x0  }
0x1b: {  	[sflag:s13] =	ssyncadd.s32 $0xFFFFE800  }
0x1c: {  	s11 =	simm.s32 $0x0;
	[bflag:$0x0] =	sbarrier.arrive $0xFFFF  }
.LBB2_2:
0x1d: {  	s12 =	smul.u32 $0x28, s11;
	_ =	sdelay $0x1  }
0x1e: {  	s12 =	sadd.s32 s7, s12  }
0x1f: {  	s12 =	sshll.u32 s12, $0x4  }
0x20: {  	s8 =	simm.s32 $0x0;
	s25 =	sadd.s32 s5, s12  }
0x21: {  	[tilespmem:s8], [sflag:$0x9] =	stream.linear.gather [hbm4b:s25+s8], $0x1400, $0x38;
	[tilespmem:$0x1E800] =	vst v63  }
0x22: {  	_ =	swait.ge [sflag:s13], $0x1400  }
0x23: {  	[sflag:s13] =	ssyncset.done $0x0  }
0x24: {  	s12 =	sadd.s32 s12, s9;
	[sflag:s13] =	ssyncadd.s32 $0xFFFFEC00  }
0x25: {  	[tilespmem:s14], [sflag:$0x9] =	stream.linear.gather [hbm4b:s12+s8], $0x1400, $0x38;
	[tilespmem:$0x1E800] =	vst v63  }
0x26: {  	_ =	swait.ge [sflag:s13], $0x1400  }
0x27: {  	[sflag:s13] =	ssyncset.done $0x0  }
0x28: {  	[sflag:s13] =	ssyncadd.s32 $0xFFFFEC00  }
0x29: {  	[tilespmem:s16], [sflag:$0x1] =	stream.indirect.gather [hbm4b:s4+s15], $0x80, s8, s15, $0xb8;
	[tilespmem:$0x1E800] =	vst v63  }
0x2a: {  	_ = 	snop  }
0x2b: {  	[tilespmem:s17], [sflag:$0x2] =	stream.indirect.gather [hbm4b:s4+s15], $0x80, s15, s15, $0xb8;
	[tilespmem:$0x1E800] =	vst v63  }
0x2c: {  	_ = 	snop  }
0x2d: {  	[tilespmem:s19], [sflag:$0x3] =	stream.indirect.gather [hbm4b:s4+s15], $0x80, s18, s15, $0xb8;
	[tilespmem:$0x1E800] =	vst v63  }
0x2e: {  	_ = 	snop  }
0x2f: {  	[tilespmem:s21], [sflag:$0x4] =	stream.indirect.gather [hbm4b:s4+s15], $0x80, s20, s15, $0xb8;
	[tilespmem:$0x1E800] =	vst v63  }
0x30: {  	_ =	swait.ge [sflag:s22], $0x4000  }
0x31: {  	[sflag:s22] =	ssyncset.done $0x0  }
0x32: {  	s25 =	simm.s32 $0x1400;
	[sflag:s22] =	ssyncadd.s32 $0xFFFFC000  }
0x33: {  	[spmem:s1] =	stream.indirect.scatter.add.f32 [tilespmem:s16], [sflag:$0x5], $0x80, s25, s15, $0xb8;
	[tilespmem:$0x1E800] =	vst v63  }
0x34: {  	_ =	swait.ge [sflag:s23], $0x4000  }
0x35: {  	[sflag:s23] =	ssyncset.done $0x0  }
0x36: {  	s12 =	simm.s32 $0x1480;
	[sflag:s23] =	ssyncadd.s32 $0xFFFFC000  }
0x37: {  	[spmem:s1] =	stream.indirect.scatter.add.f32 [tilespmem:s17], [sflag:$0x6], $0x80, s12, s15, $0xb8;
	[tilespmem:$0x1E800] =	vst v63  }
0x38: {  	_ =	swait.ge [sflag:s24], $0x4000  }
0x39: {  	[sflag:s24] =	ssyncset.done $0x0  }
0x3a: {  	s25 =	simm.s32 $0x1500;
	[sflag:s24] =	ssyncadd.s32 $0xFFFFC000  }
0x3b: {  	[spmem:s1] =	stream.indirect.scatter.add.f32 [tilespmem:s19], [sflag:$0x7], $0x80, s25, s15, $0xb8;
	[tilespmem:$0x1E800] =	vst v63  }
0x3c: {  	_ =	swait.ge [sflag:s26], $0x4000  }
0x3d: {  	[sflag:s26] =	ssyncset.done $0x0  }
0x3e: {  	s12 =	simm.s32 $0x1580;
	[sflag:s26] =	ssyncadd.s32 $0xFFFFC000  }
0x3f: {  	[spmem:s1] =	stream.indirect.scatter.add.f32 [tilespmem:s21], [sflag:$0x8], $0x80, s12, s15, $0xb8;
	[tilespmem:$0x1E800] =	vst v63  }
0x40: {  	_ =	swait.ge [sflag:s28], $0x4000  }
0x41: {  	[sflag:s28] =	ssyncset.done $0x0  }
0x42: {  	s25 =	simm.s32 $0x200;
	[sflag:s28] =	ssyncadd.s32 $0xFFFFC000  }
0x43: {  	[tilespmem:s16], [sflag:$0x1] =	stream.indirect.gather [hbm4b:s4+s15], $0x80, s25, s15, $0xb8;
	[tilespmem:$0x1E800] =	vst v63  }
0x44: {  	_ =	swait.ge [sflag:s29], $0x4000  }
0x45: {  	[sflag:s29] =	ssyncset.done $0x0  }
0x46: {  	s12 =	simm.s32 $0x280;
	[sflag:s29] =	ssyncadd.s32 $0xFFFFC000  }
0x47: {  	[tilespmem:s17], [sflag:$0x2] =	stream.indirect.gather [hbm4b:s4+s15], $0x80, s12, s15, $0xb8;
	[tilespmem:$0x1E800] =	vst v63  }
0x48: {  	_ =	swait.ge [sflag:s30], $0x4000  }
0x49: {  	[sflag:s30] =	ssyncset.done $0x0  }
0x4a: {  	s25 =	simm.s32 $0x300;
	[sflag:s30] =	ssyncadd.s32 $0xFFFFC000  }
0x4b: {  	[tilespmem:s19], [sflag:$0x3] =	stream.indirect.gather [hbm4b:s4+s15], $0x80, s25, s15, $0xb8;
	[tilespmem:$0x1E800] =	vst v63  }
0x4c: {  	_ =	swait.ge [sflag:s31], $0x4000  }
0x4d: {  	[sflag:s31] =	ssyncset.done $0x0  }
0x4e: {  	s12 =	simm.s32 $0x800;
	s25 =	simm.s32 $0x380;
	[sflag:s31] =	ssyncadd.s32 $0xFFFFC000  }
.LBB2_3:
0x4f: {  	[tilespmem:s21], [sflag:$0x4] =	stream.indirect.gather [hbm4b:s4+s15], $0x80, s25, s15, $0xb8;
	[tilespmem:$0x1E800] =	vst v63  }
0x50: {  	s8 =	smov.u32 s12  }
0x51: {  	p0 =	sne.s32 s12, $0x4000;
	s12 =	sadd.s32 $0x800, s12;
	_ =	swait.ge [sflag:s22], $0x4000  }
0x52: {  	s25 =	sshra.s32 s8, $0x2;
	[sflag:s22] =	ssyncset.done $0x0  }
0x53: {  	s8 =	sadd.s32 $0x1400, s25;
	[sflag:s22] =	ssyncadd.s32 $0xFFFFC000  }
0x54: {  	[spmem:s1] =	stream.indirect.scatter.add.f32 [tilespmem:s16], [sflag:$0x5], $0x80, s8, s15, $0xb8;
	[tilespmem:$0x1E800] =	vst v63  }
0x55: {  	_ =	swait.ge [sflag:s23], $0x4000  }
0x56: {  	[sflag:s23] =	ssyncset.done $0x0  }
0x57: {  	s8 =	sadd.s32 $0x1480, s25;
	[sflag:s23] =	ssyncadd.s32 $0xFFFFC000  }
0x58: {  	[spmem:s1] =	stream.indirect.scatter.add.f32 [tilespmem:s17], [sflag:$0x6], $0x80, s8, s15, $0xb8;
	[tilespmem:$0x1E800] =	vst v63  }
0x59: {  	_ =	swait.ge [sflag:s24], $0x4000  }
0x5a: {  	[sflag:s24] =	ssyncset.done $0x0  }
0x5b: {  	s8 =	sadd.s32 $0x1500, s25;
	[sflag:s24] =	ssyncadd.s32 $0xFFFFC000  }
0x5c: {  	[spmem:s1] =	stream.indirect.scatter.add.f32 [tilespmem:s19], [sflag:$0x7], $0x80, s8, s15, $0xb8;
	[tilespmem:$0x1E800] =	vst v63  }
0x5d: {  	_ =	swait.ge [sflag:s26], $0x4000  }
0x5e: {  	[sflag:s26] =	ssyncset.done $0x0  }
0x5f: {  	s8 =	sadd.s32 $0x1580, s25;
	[sflag:s26] =	ssyncadd.s32 $0xFFFFC000  }
0x60: {  	[spmem:s1] =	stream.indirect.scatter.add.f32 [tilespmem:s21], [sflag:$0x8], $0x80, s8, s15, $0xb8;
	[tilespmem:$0x1E800] =	vst v63  }
0x61: {  	_ =	swait.ge [sflag:s28], $0x4000  }
0x62: {  	[sflag:s28] =	ssyncset.done $0x0  }
0x63: {  	s8 =	sadd.s32 $0x200, s25;
	[sflag:s28] =	ssyncadd.s32 $0xFFFFC000  }
0x64: {  	[tilespmem:s16], [sflag:$0x1] =	stream.indirect.gather [hbm4b:s4+s15], $0x80, s8, s15, $0xb8;
	[tilespmem:$0x1E800] =	vst v63  }
0x65: {  	_ =	swait.ge [sflag:s29], $0x4000  }
0x66: {  	[sflag:s29] =	ssyncset.done $0x0  }
0x67: {  	s8 =	sadd.s32 $0x280, s25;
	[sflag:s29] =	ssyncadd.s32 $0xFFFFC000  }
0x68: {  	[tilespmem:s17], [sflag:$0x2] =	stream.indirect.gather [hbm4b:s4+s15], $0x80, s8, s15, $0xb8;
	[tilespmem:$0x1E800] =	vst v63  }
0x69: {  	_ =	swait.ge [sflag:s30], $0x4000  }
0x6a: {  	[sflag:s30] =	ssyncset.done $0x0  }
.Ltmp0:
0x6b: {  	s8 =	sadd.s32 $0x300, s25;
	[sflag:s30] =	ssyncadd.s32 $0xFFFFC000;
	(pc) =	sbr.rel @p0 .LBB2_3-.Ltmp0, $4  }
0x6c: {  	[tilespmem:s19], [sflag:$0x3] =	stream.indirect.gather [hbm4b:s4+s15], $0x80, s8, s15, $0xb8;
	[tilespmem:$0x1E800] =	vst v63  }
0x6d: {  	_ =	swait.ge [sflag:s31], $0x4000  }
0x6e: {  	[sflag:s31] =	ssyncset.done $0x0  }
0x6f: {  	s25 =	sadd.s32 $0x380, s25;
	[sflag:s31] =	ssyncadd.s32 $0xFFFFC000  }
0x70: {  	[tilespmem:s21], [sflag:$0x4] =	stream.indirect.gather [hbm4b:s4+s15], $0x80, s25, s15, $0xb8;
	[tilespmem:$0x1E800] =	vst v63  }
0x71: {  	_ =	swait.ge [sflag:s22], $0x4000  }
0x72: {  	[sflag:s22] =	ssyncset.done $0x0  }
0x73: {  	[sflag:s22] =	ssyncadd.s32 $0xFFFFC000  }
0x74: {  	[spmem:s1] =	stream.indirect.scatter.add.f32 [tilespmem:s16], [sflag:$0x5], $0x80, s0, s15, $0xb8;
	[tilespmem:$0x1E800] =	vst v63  }
0x75: {  	_ =	swait.ge [sflag:s23], $0x4000  }
0x76: {  	[sflag:s23] =	ssyncset.done $0x0  }
0x77: {  	[sflag:s23] =	ssyncadd.s32 $0xFFFFC000  }
0x78: {  	[spmem:s1] =	stream.indirect.scatter.add.f32 [tilespmem:s17], [sflag:$0x6], $0x80, s3, s15, $0xb8;
	[tilespmem:$0x1E800] =	vst v63  }
0x79: {  	_ =	swait.ge [sflag:s24], $0x4000  }
0x7a: {  	[sflag:s24] =	ssyncset.done $0x0  }
0x7b: {  	[sflag:s24] =	ssyncadd.s32 $0xFFFFC000  }
0x7c: {  	[spmem:s1] =	stream.indirect.scatter.add.f32 [tilespmem:s19], [sflag:$0x7], $0x80, s6, s15, $0xb8;
	[tilespmem:$0x1E800] =	vst v63  }
0x7d: {  	_ =	swait.ge [sflag:s26], $0x4000  }
0x7e: {  	[sflag:s26] =	ssyncset.done $0x0  }
0x7f: {  	[sflag:s26] =	ssyncadd.s32 $0xFFFFC000  }
0x80: {  	[spmem:s1] =	stream.indirect.scatter.add.f32 [tilespmem:s21], [sflag:$0x8], $0x80, s10, s15, $0xb8;
	[tilespmem:$0x1E800] =	vst v63  }
0x81: {  	_ =	swait.ge [sflag:s28], $0x4000  }
0x82: {  	[sflag:s28] =	ssyncset.done $0x0  }
0x83: {  	[sflag:s28] =	ssyncadd.s32 $0xFFFFC000  }
0x84: {  	_ =	swait.ge [sflag:s29], $0x4000  }
0x85: {  	[sflag:s29] =	ssyncset.done $0x0  }
0x86: {  	s11 =	sadd.s32 $0x1, s11;
	[sflag:s29] =	ssyncadd.s32 $0xFFFFC000  }
0x87: {  	p0 =	sne.s32 s11, $0x4;
	_ =	swait.ge [sflag:s30], $0x4000  }
.Ltmp1:
0x88: {  	[sflag:s30] =	ssyncset.done $0x0;
	(pc) =	sbr.rel @p0 .LBB2_2-.Ltmp1, $4  }
0x89: {  	[sflag:s30] =	ssyncadd.s32 $0xFFFFC000  }
0x8a: {  	_ =	swait.ge [sflag:s31], $0x4000  }
0x8b: {  	[sflag:s31] =	ssyncset.done $0x0  }
0x8c: {  	[sflag:s31] =	ssyncadd.s32 $0xFFFFC000  }
0x8d: {  	[bflag:$0x0] =	sbarrier.arrive $0xFFFF  }
0x8e: {  	s12 =	rddreg [dreg:$0x4]  }
0x8f: {  	s8 =	rddreg [dreg:$0x5]  }
0x90: {  	s11 =	rddreg [dreg:$0x8]  }
0x91: {  	[hbm:s8], [sflag:s12] =	dma.local [spmem:s11], $0x1400  }
0x92: {  	_ =	swait.ge [sflag:s13], $0x1400  }
0x93: {  	s2 =	sadd.s32 $0x1, s2;
	s25 =	rddreg [dreg:$0x6]  }
0x94: {  	p0 =	sne.s32 s2, s25  }
.Ltmp2:
0x95: {  	_ = 	snop;
	(pc) =	sbr.rel @p0 .LBB2_1-.Ltmp2, $3  }
0x96: {  	_ =	sdelay $0x1  }
0x97: {  	[sflag:s13] =	ssyncset.done $0x0  }
0x98: {  	[sflag:s13] =	ssyncadd.s32 $0xFFFFEC00  }
0x99: {  	_ =	sfence.sel $0x180000  }
0x9a: {  	[bflag:$0x0] =	sbarrier.arrive $0xFFFF  }
0x9b: {  	_ =	strace $0x9000004A  }
0x9c: {  	s0 =	stileid.u32;
	[bflag:$0x2] =	sbarrier.arrive $0xFFFF  }
0x9d: {  	p0 =	sne.s32 s0, $0x0;
	s0 =	rddreg [dreg:$0x2]  }
0x9e: {  	s0 =	sadd.s32 @!p0 $0x100000, s0  }
0x9f: {  	[sflag:s0] =	ssyncadd.tile.s32 @!p0 $0x1;
	_ =	shalt  }
.Lfunc_end2:
_tile_overlayer_lowered:
.L_overlay_start_2:
0xa0: {  	(tag) =	ssettag $0x2  }
0xa1: {  	s0 =	rddreg [dreg:$0x0];
	s2 =	stileid.u32  }
0xa2: {  	s1 =	rddreg [dreg:$0x1];
	p0 =	sne.s32 s2, $0x0  }
0xa3: {  	s3 =	rddreg [dreg:$0x2];
	[bflag:$0x3] =	sbarrier.arrive $0xFFFF;
	s2 =	simm.s32 @!p0 $0x1C09  }
0xa4: {  	[timem:s3], [sflag:s2] =	dma.local @!p0 [hbm:s0], s1  }
0xa5: {  	s0 =	simm.s32 @!p0 $0x9  }
0xa6: {  	_ =	swait.ge @!p0 [sflag:s0], s1  }
0xa7: {  	s1 =	ssub.s32 @!p0 $0x0, s1;
	[sflag:s0] =	ssyncset.done @!p0 $0x0  }
0xa8: {  	[sflag:s0] =	ssyncadd.s32 @!p0 s1  }
0xa9: {  	[bflag:$0x3] =	sbarrier.arrive $0xFFFF  }
0xaa: {  	_ =	shalt  }

// kernel: kernel.14.cloned.1.call-start
scs
__scs_entry_jumppad:
0x0: {  	(pc) =	sbr.rel $0x88, $3  }
0x1: {  	(tag) =	ssettag $0x0;
	lr =	simm.s32 $0x1  }
0x2: {  	[smem:$0x3F99] =	sst lr;
	_ =	strace $0xD0000000  }
0x3: {  	_ = 	snop  }
0x4: {  	_ = 	snop  }
0x5: {  	_ = 	snop  }
0x6: {  	_ = 	snop  }
0x7: {  	_ = 	snop  }
__scs_overlays_trampoline_lowered:
0x8: {  	[smem:$0x3FA8] =	sst s0  }
0x9: {  	[smem:$0x3FA9] =	sst s1  }
0xa: {  	[smem:$0x3FAA] =	sst s2  }
0xb: {  	[smem:$0x3FAB] =	sst s3  }
0xc: {  	[smem:$0x3FAC] =	sst s4  }
0xd: {  	[smem:$0x3FAD] =	sst s5  }
0xe: {  	[smem:$0x3FAE] =	sst s6  }
0xf: {  	[smem:$0x3FAF] =	sst s7  }
0x10: {  	[smem:$0x3FB0] =	sst s8  }
0x11: {  	[smem:$0x3FB1] =	sst s9;
	s0 =	simm.s32 @!p0 $0x0  }
0x12: {  	s1 =	sld [smem:$0x3F97];
	s0 =	simm.s32 @p0 $0x1  }
0x13: {  	[smem:$0x3FB2] =	sst s0;
	s0 =	simm.s32 @!p1 $0x0  }
0x14: {  	s2 =	sld [smem:$0x3F96];
	s0 =	simm.s32 @p1 $0x1  }
0x15: {  	[smem:$0x3FB3] =	sst s0;
	s0 =	simm.s32 @!p2 $0x0  }
0x16: {  	s3 =	sld [smem:$0x3FDB];
	s0 =	simm.s32 @p2 $0x1  }
0x17: {  	s4 =	simm.s32 $0x1BF5;
	[smem:$0x3FB5] =	sst s0  }
0x18: {  	s0 =	sld [smem:$0x3F98];
	_ =	swait.ge [sflag:s4], $0x0  }
0x19: {  	s7 =	sld [smem:$0x3F99]  }
0x1a: {  	s8 =	sadd.s32 $0xFFFFE003, lr  }
0x1b: {  	s9 =	sadd.s32 $0xFFFFFEF7, lr;
	s5 =	simm.s32 $0xFFFFFFFF;
	p2 =	slt.u32 s8, $0xFFFFF086  }
0x1c: {  	p1 =	slt.u32 s9, $0xF7A;
	s5 =	simm.s32 @!p2 $0x0  }
0x1d: {  	s5 =	simm.s32 @p1 $0x1;
	p0 =	seq.s32 s7, s2  }
0x1e: {  	s7 =	smul.u32 @!p0 $0xF7A, s2;
	p2 =	seq.s32 @!p0 s5, $0x0  }
0x1f: {  	s9 =	smul.u32 $0xF7A, s1;
	s8 =	simm.s32 @!p0 $0x1BF5;
	p2 =	por !p2, p0  }
0x20: {  	[sflag:s8] =	ssyncset.s32 @!p0 $0xFFFFF086;
	s6 =	sadd.s32 @!p0 s3, s7;
	s7 =	simm.s32 @!p0 $0x108  }
0x21: {  	s3 =	sadd.s32 s3, s9;
	s6 =	sadd.s32 @!p0 $0x88, s6;
	s7 =	simm.s32 @p2 $0x1082  }
0x22: {  	[simem:s7], [sflag:s8] =	dma.local @!p0 [hbm:s6], $0xF7A  }
0x23: {  	s9 =	sor.u32 $0xD0000000, s2;
	s6 =	simm.s32 $0x108;
	_ =	swait.ge @!p0 [sflag:s8], $0x0  }
0x24: {  	s3 =	sadd.s32 $0x88, s3;
	s6 =	simm.s32 @!p1 $0x1082;
	[sflag:s4] =	ssyncset.s32 $0xFFFFF086  }
0x25: {  	[simem:s6], [sflag:s4] =	dma.local [hbm:s3], $0xF7A  }
0x26: {  	[smem:$0x3F99] =	sst s1;
	(tag) =	ssettag s2;
	_ =	strace s9  }
0x27: {  	s1 =	sld [smem:$0x3FA9]  }
0x28: {  	s2 =	sld [smem:$0x3FAA]  }
0x29: {  	s4 =	sld [smem:$0x3FAC]  }
0x2a: {  	p0 =	seq.s32 s5, $0x0;
	s5 =	sld [smem:$0x3FAD]  }
0x2b: {  	s6 =	sld [smem:$0x3FAE]  }
0x2c: {  	s7 =	sld [smem:$0x3FAF]  }
0x2d: {  	s3 =	simm.s32 $0x108;
	s8 =	sld [smem:$0x3FB0]  }
0x2e: {  	s3 =	simm.s32 @!p0 $0x1082;
	s9 =	sld [smem:$0x3FB1]  }
0x2f: {  	lr =	sadd.s32 s0, s3;
	s0 =	sld [smem:$0x3FA8]  }
0x30: {  	s3 =	sld [smem:$0x3FAB]  }
0x31: {  	[smem:$0x3FB4] =	sst s10  }
0x32: {  	s10 =	sld [smem:$0x3FB2];
	_ =	sdelay $0x3  }
0x33: {  	p0 =	seq.s32 s10, $0x1;
	s10 =	sld [smem:$0x3FB4];
	_ =	sdelay $0x3  }
0x34: {  	[smem:$0x3FB4] =	sst s10  }
0x35: {  	s10 =	sld [smem:$0x3FB3];
	_ =	sdelay $0x3  }
0x36: {  	p1 =	seq.s32 s10, $0x1;
	s10 =	sld [smem:$0x3FB4];
	_ =	sdelay $0x3  }
0x37: {  	[smem:$0x3FB4] =	sst s10  }
0x38: {  	s10 =	sld [smem:$0x3FB5]  }
0x39: {  	_ = 	snop;
	(pc) =	sbr.ind lr, $3  }
0x3a: {  	_ = 	snop  }
0x3b: {  	_ = 	snop  }
0x3c: {  	p2 =	seq.s32 s10, $0x1;
	s10 =	sld [smem:$0x3FB4]  }
0x3d: {  	_ =	shalt  }
0x3e: {  	_ =	shalt  }
0x3f: {  	_ =	shalt  }
0x40: {  	_ =	shalt  }
0x41: {  	_ =	shalt  }
0x42: {  	_ =	shalt  }
0x43: {  	_ =	shalt  }
0x44: {  	_ =	shalt  }
0x45: {  	_ =	shalt  }
0x46: {  	_ =	shalt  }
0x47: {  	_ =	shalt  }
0x48: {  	_ =	shalt  }
0x49: {  	_ =	shalt  }
0x4a: {  	_ =	shalt  }
0x4b: {  	_ =	shalt  }
0x4c: {  	_ =	shalt  }
0x4d: {  	_ =	shalt  }
0x4e: {  	_ =	shalt  }
0x4f: {  	_ =	shalt  }
0x50: {  	_ =	shalt  }
0x51: {  	_ =	shalt  }
0x52: {  	_ =	shalt  }
0x53: {  	_ =	shalt  }
0x54: {  	_ =	shalt  }
0x55: {  	_ =	shalt  }
0x56: {  	_ =	shalt  }
0x57: {  	_ =	shalt  }
0x58: {  	_ =	shalt  }
0x59: {  	_ =	shalt  }
0x5a: {  	_ =	shalt  }
0x5b: {  	_ =	shalt  }
0x5c: {  	_ =	shalt  }
0x5d: {  	_ =	shalt  }
0x5e: {  	_ =	shalt  }
0x5f: {  	_ =	shalt  }
0x60: {  	_ =	shalt  }
0x61: {  	_ =	shalt  }
0x62: {  	_ =	shalt  }
0x63: {  	_ =	shalt  }
0x64: {  	_ =	shalt  }
0x65: {  	_ =	shalt  }
0x66: {  	_ =	shalt  }
0x67: {  	_ =	shalt  }
0x68: {  	_ =	shalt  }
0x69: {  	_ =	shalt  }
0x6a: {  	_ =	shalt  }
0x6b: {  	_ =	shalt  }
0x6c: {  	_ =	shalt  }
0x6d: {  	_ =	shalt  }
0x6e: {  	_ =	shalt  }
0x6f: {  	_ =	shalt  }
0x70: {  	_ =	shalt  }
0x71: {  	_ =	shalt  }
0x72: {  	_ =	shalt  }
0x73: {  	_ =	shalt  }
0x74: {  	_ =	shalt  }
0x75: {  	_ =	shalt  }
0x76: {  	_ =	shalt  }
0x77: {  	_ =	shalt  }
0x78: {  	_ =	shalt  }
0x79: {  	_ =	shalt  }
0x7a: {  	_ =	shalt  }
0x7b: {  	_ =	shalt  }
0x7c: {  	_ =	shalt  }
0x7d: {  	_ =	shalt  }
0x7e: {  	_ =	shalt  }
0x7f: {  	_ =	shalt  }
0x80: {  	_ =	shalt  }
0x81: {  	_ =	shalt  }
0x82: {  	_ =	shalt  }
0x83: {  	_ =	shalt  }
0x84: {  	_ =	shalt  }
0x85: {  	_ =	shalt  }
0x86: {  	_ =	shalt  }
0x87: {  	_ =	shalt  }
.Lfunc_end0:
.L_simem_size_0:
called_computation.2_lowered:
.L_overlay_start_0:
0x88: {  	s2 =	sld [smem:$0x3FD9]  }
0x89: {  	s3 =	sld [smem:$0x3FFE];
	_ =	sdelay $0x1  }
0x8a: {  	s1 =	srdreg.scid  }
0x8b: {  	s0 =	sand.u32 $0x1, s1  }
0x8c: {  	s16 =	sshll.u32 s0, $0xA;
	s2 =	sadd.s32 s3, s2  }
0x8d: {  	s2 =	sadd.s32 s2, s16  }
0x8e: {  	[smem:$0x3FC0] =	sst s2  }
0x8f: {  	_ = 	snop  }
0x90: {  	(tm) =	ssettm $0x1  }
0x91: {  	s17 =	sld [smem:$0x3FFB];
	_ =	sdelay $0x3  }
0x92: {  	_ =	strace s17  }
0x93: {  	s2 =	sld [smem:$0x3FFC];
	_ =	sdelay $0x3  }
0x94: {  	_ =	strace s2  }
0x95: {  	s2 =	sld [smem:$0x3FFD];
	_ =	sdelay $0x3  }
0x96: {  	_ =	strace s2  }
0x97: {  	_ =	strace $0x8FFFFFFF  }
0x98: {  	s18 =	sld [smem:$0x3FDB];
	_ =	sdelay $0x1  }
0x99: {  	s19 =	simm.s32 $_scs_section_size  }
0x9a: {  	s4 =	simm.s32 $_size__tile_overlayer_lowered;
	s5 =	simm.s32 $_tile_overlayer_lowered  }
0x9b: {  	s22 =	simm.s32 $0x1BFF;
	s21 =	sshll.u32 s5, $0x1;
	s2 =	sadd.s32 s19, s18  }
0x9c: {  	s6 =	simm.s32 $0x0;
	s20 =	sshll.u32 s4, $0x1;
	s4 =	sadd.s32 s21, s2  }
0x9d: {  	[timem:s6], [sflag:s22] =	dma.local [hbm:s4], s20  }
0x9e: {  	_ =	swait.ge [sflag:s22], s20  }
0x9f: {  	s3 =	ssub.s32 $0x0, s20;
	[sflag:s22] =	ssyncset.done $0x0  }
0xa0: {  	[sflag:s22] =	ssyncadd.s32 s3;
	_ =	sdelay $0x1  }
0xa1: {  	s23 =	simm.s32 $0x1B8B  }
0xa2: {  	_ =	swait.ge [sflag:s23], $0x1  }
0xa3: {  	[sflag:s23] =	ssyncset.done $0x0  }
0xa4: {  	s25 =	simm.s32 $0x1B8E;
	s24 =	sld [smem:$0x3FFE];
	[sflag:s23] =	ssyncadd.s32 $0xFFFFFFFF  }
0xa5: {  	s26 =	simm.s32 $execute0_lowered;
	[smem:$0x3FD2] =	sst s25  }
0xa6: {  	s4 =	sshll.u32 s26, $0x1;
	_ =	strace $0x8000004C;
	[dreg:$0x1] =	wrdreg $0xFFFFFFFF  }
0xa7: {  	s28 =	simm.s32 $_size_execute0_lowered;
	s2 =	sadd.s32 s2, s4;
	[dreg:$0x0] =	wrdreg $0x0  }
0xa8: {  	s4 =	sshll.u32 s28, $0x1;
	[dreg:$0x2] =	wrdreg s2  }
0xa9: {  	[dreg:$0x3] =	wrdreg s4  }
0xaa: {  	[dreg:$0x4] =	wrdreg $0xC0  }
0xab: {  	_ =	task [dreg:s6], $0x5FFFF  }
0xac: {  	[dreg:$0x1] =	wrdreg $0xFFFFFFFF  }
0xad: {  	[dreg:$0x0] =	wrdreg $0x60  }
0xae: {  	[dreg:$0x2] =	wrdreg s24  }
0xaf: {  	[dreg:$0x3] =	wrdreg $0x128000  }
0xb0: {  	[dreg:$0x4] =	wrdreg $0x9  }
0xb1: {  	_ =	task.clear_ibuf [dreg:s6], $0x5FFFF;
	_ =	strace $0x9000004C  }
0xb2: {  	s29 =	simm.s32 $0x9;
	_ =	strace $0x8000004E  }
0xb3: {  	_ =	swait.ge [sflag:s29], $0x1  }
0xb4: {  	[sflag:s29] =	ssyncadd.s32 $0xFFFFFFFF  }
0xb5: {  	_ =	strace $0x9000004E  }
0xb6: {  	_ =	sfence  }
0xb7: {  	s30 =	sld [smem:$0x0];
	_ =	sdelay $0x2  }
0xb8: {  	s31 =	sshll.u32 s1, $0xD;
	s1 =	sshrl.u32 s1, $0x2  }
0xb9: {  	s3 =	sand.u32 $0x4000, s31;
	s1 =	sadd.s32 s1, s30  }
0xba: {  	s0 =	sor.u32 s3, s0;
	s1 =	sshll.u32 s1, $0x11  }
0xbb: {  	s0 =	sor.u32 s1, s0  }
0xbc: {  	s0 =	sadd.s32 $0x8F2B, s0  }
0xbd: {  	[sflag:s0] =	ssyncadd.remote.s32 $0x1  }
0xbe: {  	_ =	sfence.sel $0xFFFF  }
0xbf: {  	[dreg:$0x0] =	wrdreg $0xFFFFFFFF;
	(pc) =	sbr.abs _section_cstart, $3  }
0xc0: {  	[dreg:$0x1] =	wrdreg $0xFFFFFFFF  }
0xc1: {  	_ =	task.clear_ibuf [dreg:s6], $0x2FFFF;
	_ =	strace $0x9FFFFFFF  }
0xc2: {  	(tm) =	ssettm $0x7FFFFFFF  }
0xc3: {  	_ =	shalt  }
tec
execute0_lowered:
.L_overlay_start_1:
0x0: {  	(tag) =	ssettag $0x1  }
0x1: {  	s0 =	rddreg [dreg:$0x0]  }
0x2: {  	s1 =	rddreg [dreg:$0x1];
	s3 =	srdreg.scid;
	s2 =	simm.s32 $0x0  }
0x3: {  	s11 =	stileid.u32;
	s13 =	simm.s32 $0x9;
	s14 =	simm.s32 $0x1400  }
0x4: {  	s15 =	simm.s32 $0x80;
	s16 =	simm.s32 $0x2800;
	s17 =	simm.s32 $0x6800  }
0x5: {  	s18 =	simm.s32 $0x100;
	s19 =	simm.s32 $0xA800;
	s20 =	simm.s32 $0x180  }
0x6: {  	s21 =	simm.s32 $0xE800;
	s22 =	simm.s32 $0x1;
	s28 =	simm.s32 $0x5  }
0x7: {  	s29 =	simm.s32 $0x6;
	s30 =	simm.s32 $0x7;
	s8 =	smul.u32 $0x1400, s11  }
0x8: {  	s31 =	simm.s32 $0x8;
	s3 =	sand.u32 $0x1, s3;
	s24 =	smul.u32 $0x30000, s11  }
0x9: {  	[smem:$0x7FF] =	sst s2;
	s4 =	sadd.s32 $0x7EA00, s0;
	s10 =	smul.u32 $0x28000, s11  }
0xa: {  	s5 =	sadd.s32 $0xDA00, s0;
	s9 =	sadd.s32 $0x17A00, s0;
	s6 =	smul.u32 $0xA000, s3  }
0xb: {  	s26 =	sshll.u32 s11, $0x6;
	_ =	strace $0x8000004D;
	s7 =	smul.u32 $0x14000, s3  }
0xc: {  	[dreg:$0x3] =	wrdreg s9;
	s3 =	ssub.s32 $0x2, s3;
	s12 =	sor.u32 $0x1C09, s26  }
0xd: {  	s23 =	sshrl.u32 s3, $0x1;
	s25 =	sshrl.u32 s24, $0x2;
	s10 =	sshrl.u32 s10, $0x2  }
0xe: {  	[dreg:$0x4] =	wrdreg s12;
	s6 =	sadd.s32 s6, s0;
	s7 =	sadd.s32 s8, s7  }
0xf: {  	s3 =	ssub.s32 s3, s23;
	s8 =	sadd.s32 s25, s1;
	s10 =	sadd.s32 s10, s1  }
0x10: {  	s23 =	simm.s32 $0x2;
	s0 =	sadd.s32 s7, s0;
	s7 =	smul.u32 $0xA0, s11  }
0x11: {  	s9 =	sadd.s32 $0x6AA00, s6;
	s24 =	smax.u32 s3, $0x1;
	s25 =	sshrl.u32 s8, $0x3  }
0x12: {  	s26 =	sshrl.u32 s10, $0x3;
	s3 =	simm.s32 $0x2680;
	[dreg:$0x6] =	wrdreg s24  }
0x13: {  	s6 =	simm.s32 $0x2700;
	s10 =	simm.s32 $0x2780;
	[dreg:$0x7] =	wrdreg s25  }
0x14: {  	s0 =	sadd.s32 $0xA6A00, s0;
	s24 =	simm.s32 $0x3;
	[dreg:$0x8] =	wrdreg s26  }
0x15: {  	s26 =	simm.s32 $0x4;
	[dreg:$0x5] =	wrdreg s0;
	s0 =	simm.s32 $0x2600  }
.LBB2_1:
0x16: {  	s8 =	rddreg [dreg:$0x3]  }
0x17: {  	s11 =	rddreg [dreg:$0x7]  }
0x18: {  	[spmem:s11], [sflag:s12] =	dma.local [hbm:s8], $0x1800  }
0x19: {  	_ =	swait.ge [sflag:s13], $0x1800  }
0x1a: {  	[sflag:s13] =	ssyncset.done $0x0  }
0x1b: {  	[sflag:s13] =	ssyncadd.s32 $0xFFFFE800  }
0x1c: {  	s11 =	simm.s32 $0x0;
	[bflag:$0x0] =	sbarrier.arrive $0xFFFF  }
.LBB2_2:
0x1d: {  	s12 =	smul.u32 $0x28, s11;
	_ =	sdelay $0x1  }
0x1e: {  	s12 =	sadd.s32 s7, s12  }
0x1f: {  	s12 =	sshll.u32 s12, $0x4  }
0x20: {  	s8 =	simm.s32 $0x0;
	s25 =	sadd.s32 s5, s12  }
0x21: {  	[tilespmem:s8], [sflag:$0x9] =	stream.linear.gather [hbm4b:s25+s8], $0x1400, $0x38;
	[tilespmem:$0x1E800] =	vst v63  }
0x22: {  	_ =	swait.ge [sflag:s13], $0x1400  }
0x23: {  	[sflag:s13] =	ssyncset.done $0x0  }
0x24: {  	s12 =	sadd.s32 s12, s9;
	[sflag:s13] =	ssyncadd.s32 $0xFFFFEC00  }
0x25: {  	[tilespmem:s14], [sflag:$0x9] =	stream.linear.gather [hbm4b:s12+s8], $0x1400, $0x38;
	[tilespmem:$0x1E800] =	vst v63  }
0x26: {  	_ =	swait.ge [sflag:s13], $0x1400  }
0x27: {  	[sflag:s13] =	ssyncset.done $0x0  }
0x28: {  	[sflag:s13] =	ssyncadd.s32 $0xFFFFEC00  }
0x29: {  	[tilespmem:s16], [sflag:$0x1] =	stream.indirect.gather [hbm4b:s4+s15], $0x80, s8, s15, $0xb8;
	[tilespmem:$0x1E800] =	vst v63  }
0x2a: {  	_ = 	snop  }
0x2b: {  	[tilespmem:s17], [sflag:$0x2] =	stream.indirect.gather [hbm4b:s4+s15], $0x80, s15, s15, $0xb8;
	[tilespmem:$0x1E800] =	vst v63  }
0x2c: {  	_ = 	snop  }
0x2d: {  	[tilespmem:s19], [sflag:$0x3] =	stream.indirect.gather [hbm4b:s4+s15], $0x80, s18, s15, $0xb8;
	[tilespmem:$0x1E800] =	vst v63  }
0x2e: {  	_ = 	snop  }
0x2f: {  	[tilespmem:s21], [sflag:$0x4] =	stream.indirect.gather [hbm4b:s4+s15], $0x80, s20, s15, $0xb8;
	[tilespmem:$0x1E800] =	vst v63  }
0x30: {  	_ =	swait.ge [sflag:s22], $0x4000  }
0x31: {  	[sflag:s22] =	ssyncset.done $0x0  }
0x32: {  	s25 =	simm.s32 $0x1400;
	[sflag:s22] =	ssyncadd.s32 $0xFFFFC000  }
0x33: {  	[spmem:s1] =	stream.indirect.scatter.add.f32 [tilespmem:s16], [sflag:$0x5], $0x80, s25, s15, $0xb8;
	[tilespmem:$0x1E800] =	vst v63  }
0x34: {  	_ =	swait.ge [sflag:s23], $0x4000  }
0x35: {  	[sflag:s23] =	ssyncset.done $0x0  }
0x36: {  	s12 =	simm.s32 $0x1480;
	[sflag:s23] =	ssyncadd.s32 $0xFFFFC000  }
0x37: {  	[spmem:s1] =	stream.indirect.scatter.add.f32 [tilespmem:s17], [sflag:$0x6], $0x80, s12, s15, $0xb8;
	[tilespmem:$0x1E800] =	vst v63  }
0x38: {  	_ =	swait.ge [sflag:s24], $0x4000  }
0x39: {  	[sflag:s24] =	ssyncset.done $0x0  }
0x3a: {  	s25 =	simm.s32 $0x1500;
	[sflag:s24] =	ssyncadd.s32 $0xFFFFC000  }
0x3b: {  	[spmem:s1] =	stream.indirect.scatter.add.f32 [tilespmem:s19], [sflag:$0x7], $0x80, s25, s15, $0xb8;
	[tilespmem:$0x1E800] =	vst v63  }
0x3c: {  	_ =	swait.ge [sflag:s26], $0x4000  }
0x3d: {  	[sflag:s26] =	ssyncset.done $0x0  }
0x3e: {  	s12 =	simm.s32 $0x1580;
	[sflag:s26] =	ssyncadd.s32 $0xFFFFC000  }
0x3f: {  	[spmem:s1] =	stream.indirect.scatter.add.f32 [tilespmem:s21], [sflag:$0x8], $0x80, s12, s15, $0xb8;
	[tilespmem:$0x1E800] =	vst v63  }
0x40: {  	_ =	swait.ge [sflag:s28], $0x4000  }
0x41: {  	[sflag:s28] =	ssyncset.done $0x0  }
0x42: {  	s25 =	simm.s32 $0x200;
	[sflag:s28] =	ssyncadd.s32 $0xFFFFC000  }
0x43: {  	[tilespmem:s16], [sflag:$0x1] =	stream.indirect.gather [hbm4b:s4+s15], $0x80, s25, s15, $0xb8;
	[tilespmem:$0x1E800] =	vst v63  }
0x44: {  	_ =	swait.ge [sflag:s29], $0x4000  }
0x45: {  	[sflag:s29] =	ssyncset.done $0x0  }
0x46: {  	s12 =	simm.s32 $0x280;
	[sflag:s29] =	ssyncadd.s32 $0xFFFFC000  }
0x47: {  	[tilespmem:s17], [sflag:$0x2] =	stream.indirect.gather [hbm4b:s4+s15], $0x80, s12, s15, $0xb8;
	[tilespmem:$0x1E800] =	vst v63  }
0x48: {  	_ =	swait.ge [sflag:s30], $0x4000  }
0x49: {  	[sflag:s30] =	ssyncset.done $0x0  }
0x4a: {  	s25 =	simm.s32 $0x300;
	[sflag:s30] =	ssyncadd.s32 $0xFFFFC000  }
0x4b: {  	[tilespmem:s19], [sflag:$0x3] =	stream.indirect.gather [hbm4b:s4+s15], $0x80, s25, s15, $0xb8;
	[tilespmem:$0x1E800] =	vst v63  }
0x4c: {  	_ =	swait.ge [sflag:s31], $0x4000  }
0x4d: {  	[sflag:s31] =	ssyncset.done $0x0  }
0x4e: {  	s12 =	simm.s32 $0x800;
	s25 =	simm.s32 $0x380;
	[sflag:s31] =	ssyncadd.s32 $0xFFFFC000  }
.LBB2_3:
0x4f: {  	[tilespmem:s21], [sflag:$0x4] =	stream.indirect.gather [hbm4b:s4+s15], $0x80, s25, s15, $0xb8;
	[tilespmem:$0x1E800] =	vst v63  }
0x50: {  	s8 =	smov.u32 s12  }
0x51: {  	p0 =	sne.s32 s12, $0x4000;
	s12 =	sadd.s32 $0x800, s12;
	_ =	swait.ge [sflag:s22], $0x4000  }
0x52: {  	s25 =	sshra.s32 s8, $0x2;
	[sflag:s22] =	ssyncset.done $0x0  }
0x53: {  	s8 =	sadd.s32 $0x1400, s25;
	[sflag:s22] =	ssyncadd.s32 $0xFFFFC000  }
0x54: {  	[spmem:s1] =	stream.indirect.scatter.add.f32 [tilespmem:s16], [sflag:$0x5], $0x80, s8, s15, $0xb8;
	[tilespmem:$0x1E800] =	vst v63  }
0x55: {  	_ =	swait.ge [sflag:s23], $0x4000  }
0x56: {  	[sflag:s23] =	ssyncset.done $0x0  }
0x57: {  	s8 =	sadd.s32 $0x1480, s25;
	[sflag:s23] =	ssyncadd.s32 $0xFFFFC000  }
0x58: {  	[spmem:s1] =	stream.indirect.scatter.add.f32 [tilespmem:s17], [sflag:$0x6], $0x80, s8, s15, $0xb8;
	[tilespmem:$0x1E800] =	vst v63  }
0x59: {  	_ =	swait.ge [sflag:s24], $0x4000  }
0x5a: {  	[sflag:s24] =	ssyncset.done $0x0  }
0x5b: {  	s8 =	sadd.s32 $0x1500, s25;
	[sflag:s24] =	ssyncadd.s32 $0xFFFFC000  }
0x5c: {  	[spmem:s1] =	stream.indirect.scatter.add.f32 [tilespmem:s19], [sflag:$0x7], $0x80, s8, s15, $0xb8;
	[tilespmem:$0x1E800] =	vst v63  }
0x5d: {  	_ =	swait.ge [sflag:s26], $0x4000  }
0x5e: {  	[sflag:s26] =	ssyncset.done $0x0  }
0x5f: {  	s8 =	sadd.s32 $0x1580, s25;
	[sflag:s26] =	ssyncadd.s32 $0xFFFFC000  }
0x60: {  	[spmem:s1] =	stream.indirect.scatter.add.f32 [tilespmem:s21], [sflag:$0x8], $0x80, s8, s15, $0xb8;
	[tilespmem:$0x1E800] =	vst v63  }
0x61: {  	_ =	swait.ge [sflag:s28], $0x4000  }
0x62: {  	[sflag:s28] =	ssyncset.done $0x0  }
0x63: {  	s8 =	sadd.s32 $0x200, s25;
	[sflag:s28] =	ssyncadd.s32 $0xFFFFC000  }
0x64: {  	[tilespmem:s16], [sflag:$0x1] =	stream.indirect.gather [hbm4b:s4+s15], $0x80, s8, s15, $0xb8;
	[tilespmem:$0x1E800] =	vst v63  }
0x65: {  	_ =	swait.ge [sflag:s29], $0x4000  }
0x66: {  	[sflag:s29] =	ssyncset.done $0x0  }
0x67: {  	s8 =	sadd.s32 $0x280, s25;
	[sflag:s29] =	ssyncadd.s32 $0xFFFFC000  }
0x68: {  	[tilespmem:s17], [sflag:$0x2] =	stream.indirect.gather [hbm4b:s4+s15], $0x80, s8, s15, $0xb8;
	[tilespmem:$0x1E800] =	vst v63  }
0x69: {  	_ =	swait.ge [sflag:s30], $0x4000  }
0x6a: {  	[sflag:s30] =	ssyncset.done $0x0  }
.Ltmp0:
0x6b: {  	s8 =	sadd.s32 $0x300, s25;
	[sflag:s30] =	ssyncadd.s32 $0xFFFFC000;
	(pc) =	sbr.rel @p0 .LBB2_3-.Ltmp0, $4  }
0x6c: {  	[tilespmem:s19], [sflag:$0x3] =	stream.indirect.gather [hbm4b:s4+s15], $0x80, s8, s15, $0xb8;
	[tilespmem:$0x1E800] =	vst v63  }
0x6d: {  	_ =	swait.ge [sflag:s31], $0x4000  }
0x6e: {  	[sflag:s31] =	ssyncset.done $0x0  }
0x6f: {  	s25 =	sadd.s32 $0x380, s25;
	[sflag:s31] =	ssyncadd.s32 $0xFFFFC000  }
0x70: {  	[tilespmem:s21], [sflag:$0x4] =	stream.indirect.gather [hbm4b:s4+s15], $0x80, s25, s15, $0xb8;
	[tilespmem:$0x1E800] =	vst v63  }
0x71: {  	_ =	swait.ge [sflag:s22], $0x4000  }
0x72: {  	[sflag:s22] =	ssyncset.done $0x0  }
0x73: {  	[sflag:s22] =	ssyncadd.s32 $0xFFFFC000  }
0x74: {  	[spmem:s1] =	stream.indirect.scatter.add.f32 [tilespmem:s16], [sflag:$0x5], $0x80, s0, s15, $0xb8;
	[tilespmem:$0x1E800] =	vst v63  }
0x75: {  	_ =	swait.ge [sflag:s23], $0x4000  }
0x76: {  	[sflag:s23] =	ssyncset.done $0x0  }
0x77: {  	[sflag:s23] =	ssyncadd.s32 $0xFFFFC000  }
0x78: {  	[spmem:s1] =	stream.indirect.scatter.add.f32 [tilespmem:s17], [sflag:$0x6], $0x80, s3, s15, $0xb8;
	[tilespmem:$0x1E800] =	vst v63  }
0x79: {  	_ =	swait.ge [sflag:s24], $0x4000  }
0x7a: {  	[sflag:s24] =	ssyncset.done $0x0  }
0x7b: {  	[sflag:s24] =	ssyncadd.s32 $0xFFFFC000  }
0x7c: {  	[spmem:s1] =	stream.indirect.scatter.add.f32 [tilespmem:s19], [sflag:$0x7], $0x80, s6, s15, $0xb8;
	[tilespmem:$0x1E800] =	vst v63  }
0x7d: {  	_ =	swait.ge [sflag:s26], $0x4000  }
0x7e: {  	[sflag:s26] =	ssyncset.done $0x0  }
0x7f: {  	[sflag:s26] =	ssyncadd.s32 $0xFFFFC000  }
0x80: {  	[spmem:s1] =	stream.indirect.scatter.add.f32 [tilespmem:s21], [sflag:$0x8], $0x80, s10, s15, $0xb8;
	[tilespmem:$0x1E800] =	vst v63  }
0x81: {  	_ =	swait.ge [sflag:s28], $0x4000  }
0x82: {  	[sflag:s28] =	ssyncset.done $0x0  }
0x83: {  	[sflag:s28] =	ssyncadd.s32 $0xFFFFC000  }
0x84: {  	_ =	swait.ge [sflag:s29], $0x4000  }
0x85: {  	[sflag:s29] =	ssyncset.done $0x0  }
0x86: {  	s11 =	sadd.s32 $0x1, s11;
	[sflag:s29] =	ssyncadd.s32 $0xFFFFC000  }
0x87: {  	p0 =	sne.s32 s11, $0x4;
	_ =	swait.ge [sflag:s30], $0x4000  }
.Ltmp1:
0x88: {  	[sflag:s30] =	ssyncset.done $0x0;
	(pc) =	sbr.rel @p0 .LBB2_2-.Ltmp1, $4  }
0x89: {  	[sflag:s30] =	ssyncadd.s32 $0xFFFFC000  }
0x8a: {  	_ =	swait.ge [sflag:s31], $0x4000  }
0x8b: {  	[sflag:s31] =	ssyncset.done $0x0  }
0x8c: {  	[sflag:s31] =	ssyncadd.s32 $0xFFFFC000  }
0x8d: {  	[bflag:$0x0] =	sbarrier.arrive $0xFFFF  }
0x8e: {  	s12 =	rddreg [dreg:$0x4]  }
0x8f: {  	s8 =	rddreg [dreg:$0x5]  }
0x90: {  	s11 =	rddreg [dreg:$0x8]  }
0x91: {  	[hbm:s8], [sflag:s12] =	dma.local [spmem:s11], $0x1400  }
0x92: {  	_ =	swait.ge [sflag:s13], $0x1400  }
0x93: {  	s2 =	sadd.s32 $0x1, s2;
	s25 =	rddreg [dreg:$0x6]  }
0x94: {  	p0 =	sne.s32 s2, s25  }
.Ltmp2:
0x95: {  	_ = 	snop;
	(pc) =	sbr.rel @p0 .LBB2_1-.Ltmp2, $3  }
0x96: {  	_ =	sdelay $0x1  }
0x97: {  	[sflag:s13] =	ssyncset.done $0x0  }
0x98: {  	[sflag:s13] =	ssyncadd.s32 $0xFFFFEC00  }
0x99: {  	_ =	sfence.sel $0x180000  }
0x9a: {  	[bflag:$0x0] =	sbarrier.arrive $0xFFFF  }
0x9b: {  	_ =	strace $0x9000004D  }
0x9c: {  	s0 =	stileid.u32;
	[bflag:$0x2] =	sbarrier.arrive $0xFFFF  }
0x9d: {  	p0 =	sne.s32 s0, $0x0;
	s0 =	rddreg [dreg:$0x2]  }
0x9e: {  	s0 =	sadd.s32 @!p0 $0x100000, s0  }
0x9f: {  	[sflag:s0] =	ssyncadd.tile.s32 @!p0 $0x1;
	_ =	shalt  }
.Lfunc_end2:
_tile_overlayer_lowered:
.L_overlay_start_2:
0xa0: {  	(tag) =	ssettag $0x2  }
0xa1: {  	s0 =	rddreg [dreg:$0x0];
	s2 =	stileid.u32  }
0xa2: {  	s1 =	rddreg [dreg:$0x1];
	p0 =	sne.s32 s2, $0x0  }
0xa3: {  	s3 =	rddreg [dreg:$0x2];
	[bflag:$0x3] =	sbarrier.arrive $0xFFFF;
	s2 =	simm.s32 @!p0 $0x1C09  }
0xa4: {  	[timem:s3], [sflag:s2] =	dma.local @!p0 [hbm:s0], s1  }
0xa5: {  	s0 =	simm.s32 @!p0 $0x9  }
0xa6: {  	_ =	swait.ge @!p0 [sflag:s0], s1  }
0xa7: {  	s1 =	ssub.s32 @!p0 $0x0, s1;
	[sflag:s0] =	ssyncset.done @!p0 $0x0  }
0xa8: {  	[sflag:s0] =	ssyncadd.s32 @!p0 s1  }
0xa9: {  	[bflag:$0x3] =	sbarrier.arrive $0xFFFF  }
0xaa: {  	_ =	shalt  }

// kernel: kernel.8.cloned.1.call-start
scs
__scs_entry_jumppad:
0x0: {  	(pc) =	sbr.rel $0x88, $3  }
0x1: {  	(tag) =	ssettag $0x0;
	lr =	simm.s32 $0x1  }
0x2: {  	[smem:$0x3F99] =	sst lr;
	_ =	strace $0xD0000000  }
0x3: {  	_ = 	snop  }
0x4: {  	_ = 	snop  }
0x5: {  	_ = 	snop  }
0x6: {  	_ = 	snop  }
0x7: {  	_ = 	snop  }
__scs_overlays_trampoline_lowered:
0x8: {  	[smem:$0x3FA8] =	sst s0  }
0x9: {  	[smem:$0x3FA9] =	sst s1  }
0xa: {  	[smem:$0x3FAA] =	sst s2  }
0xb: {  	[smem:$0x3FAB] =	sst s3  }
0xc: {  	[smem:$0x3FAC] =	sst s4  }
0xd: {  	[smem:$0x3FAD] =	sst s5  }
0xe: {  	[smem:$0x3FAE] =	sst s6  }
0xf: {  	[smem:$0x3FAF] =	sst s7  }
0x10: {  	[smem:$0x3FB0] =	sst s8  }
0x11: {  	[smem:$0x3FB1] =	sst s9;
	s0 =	simm.s32 @!p0 $0x0  }
0x12: {  	s1 =	sld [smem:$0x3F97];
	s0 =	simm.s32 @p0 $0x1  }
0x13: {  	[smem:$0x3FB2] =	sst s0;
	s0 =	simm.s32 @!p1 $0x0  }
0x14: {  	s2 =	sld [smem:$0x3F96];
	s0 =	simm.s32 @p1 $0x1  }
0x15: {  	[smem:$0x3FB3] =	sst s0;
	s0 =	simm.s32 @!p2 $0x0  }
0x16: {  	s3 =	sld [smem:$0x3FDB];
	s0 =	simm.s32 @p2 $0x1  }
0x17: {  	s4 =	simm.s32 $0x1BF5;
	[smem:$0x3FB5] =	sst s0  }
0x18: {  	s0 =	sld [smem:$0x3F98];
	_ =	swait.ge [sflag:s4], $0x0  }
0x19: {  	s7 =	sld [smem:$0x3F99]  }
0x1a: {  	s8 =	sadd.s32 $0xFFFFE003, lr  }
0x1b: {  	s9 =	sadd.s32 $0xFFFFFEF7, lr;
	s5 =	simm.s32 $0xFFFFFFFF;
	p2 =	slt.u32 s8, $0xFFFFF086  }
0x1c: {  	p1 =	slt.u32 s9, $0xF7A;
	s5 =	simm.s32 @!p2 $0x0  }
0x1d: {  	s5 =	simm.s32 @p1 $0x1;
	p0 =	seq.s32 s7, s2  }
0x1e: {  	s7 =	smul.u32 @!p0 $0xF7A, s2;
	p2 =	seq.s32 @!p0 s5, $0x0  }
0x1f: {  	s9 =	smul.u32 $0xF7A, s1;
	s8 =	simm.s32 @!p0 $0x1BF5;
	p2 =	por !p2, p0  }
0x20: {  	[sflag:s8] =	ssyncset.s32 @!p0 $0xFFFFF086;
	s6 =	sadd.s32 @!p0 s3, s7;
	s7 =	simm.s32 @!p0 $0x108  }
0x21: {  	s3 =	sadd.s32 s3, s9;
	s6 =	sadd.s32 @!p0 $0x88, s6;
	s7 =	simm.s32 @p2 $0x1082  }
0x22: {  	[simem:s7], [sflag:s8] =	dma.local @!p0 [hbm:s6], $0xF7A  }
0x23: {  	s9 =	sor.u32 $0xD0000000, s2;
	s6 =	simm.s32 $0x108;
	_ =	swait.ge @!p0 [sflag:s8], $0x0  }
0x24: {  	s3 =	sadd.s32 $0x88, s3;
	s6 =	simm.s32 @!p1 $0x1082;
	[sflag:s4] =	ssyncset.s32 $0xFFFFF086  }
0x25: {  	[simem:s6], [sflag:s4] =	dma.local [hbm:s3], $0xF7A  }
0x26: {  	[smem:$0x3F99] =	sst s1;
	(tag) =	ssettag s2;
	_ =	strace s9  }
0x27: {  	s1 =	sld [smem:$0x3FA9]  }
0x28: {  	s2 =	sld [smem:$0x3FAA]  }
0x29: {  	s4 =	sld [smem:$0x3FAC]  }
0x2a: {  	p0 =	seq.s32 s5, $0x0;
	s5 =	sld [smem:$0x3FAD]  }
0x2b: {  	s6 =	sld [smem:$0x3FAE]  }
0x2c: {  	s7 =	sld [smem:$0x3FAF]  }
0x2d: {  	s3 =	simm.s32 $0x108;
	s8 =	sld [smem:$0x3FB0]  }
0x2e: {  	s3 =	simm.s32 @!p0 $0x1082;
	s9 =	sld [smem:$0x3FB1]  }
0x2f: {  	lr =	sadd.s32 s0, s3;
	s0 =	sld [smem:$0x3FA8]  }
0x30: {  	s3 =	sld [smem:$0x3FAB]  }
0x31: {  	[smem:$0x3FB4] =	sst s10  }
0x32: {  	s10 =	sld [smem:$0x3FB2];
	_ =	sdelay $0x3  }
0x33: {  	p0 =	seq.s32 s10, $0x1;
	s10 =	sld [smem:$0x3FB4];
	_ =	sdelay $0x3  }
0x34: {  	[smem:$0x3FB4] =	sst s10  }
0x35: {  	s10 =	sld [smem:$0x3FB3];
	_ =	sdelay $0x3  }
0x36: {  	p1 =	seq.s32 s10, $0x1;
	s10 =	sld [smem:$0x3FB4];
	_ =	sdelay $0x3  }
0x37: {  	[smem:$0x3FB4] =	sst s10  }
0x38: {  	s10 =	sld [smem:$0x3FB5]  }
0x39: {  	_ = 	snop;
	(pc) =	sbr.ind lr, $3  }
0x3a: {  	_ = 	snop  }
0x3b: {  	_ = 	snop  }
0x3c: {  	p2 =	seq.s32 s10, $0x1;
	s10 =	sld [smem:$0x3FB4]  }
0x3d: {  	_ =	shalt  }
0x3e: {  	_ =	shalt  }
0x3f: {  	_ =	shalt  }
0x40: {  	_ =	shalt  }
0x41: {  	_ =	shalt  }
0x42: {  	_ =	shalt  }
0x43: {  	_ =	shalt  }
0x44: {  	_ =	shalt  }
0x45: {  	_ =	shalt  }
0x46: {  	_ =	shalt  }
0x47: {  	_ =	shalt  }
0x48: {  	_ =	shalt  }
0x49: {  	_ =	shalt  }
0x4a: {  	_ =	shalt  }
0x4b: {  	_ =	shalt  }
0x4c: {  	_ =	shalt  }
0x4d: {  	_ =	shalt  }
0x4e: {  	_ =	shalt  }
0x4f: {  	_ =	shalt  }
0x50: {  	_ =	shalt  }
0x51: {  	_ =	shalt  }
0x52: {  	_ =	shalt  }
0x53: {  	_ =	shalt  }
0x54: {  	_ =	shalt  }
0x55: {  	_ =	shalt  }
0x56: {  	_ =	shalt  }
0x57: {  	_ =	shalt  }
0x58: {  	_ =	shalt  }
0x59: {  	_ =	shalt  }
0x5a: {  	_ =	shalt  }
0x5b: {  	_ =	shalt  }
0x5c: {  	_ =	shalt  }
0x5d: {  	_ =	shalt  }
0x5e: {  	_ =	shalt  }
0x5f: {  	_ =	shalt  }
0x60: {  	_ =	shalt  }
0x61: {  	_ =	shalt  }
0x62: {  	_ =	shalt  }
0x63: {  	_ =	shalt  }
0x64: {  	_ =	shalt  }
0x65: {  	_ =	shalt  }
0x66: {  	_ =	shalt  }
0x67: {  	_ =	shalt  }
0x68: {  	_ =	shalt  }
0x69: {  	_ =	shalt  }
0x6a: {  	_ =	shalt  }
0x6b: {  	_ =	shalt  }
0x6c: {  	_ =	shalt  }
0x6d: {  	_ =	shalt  }
0x6e: {  	_ =	shalt  }
0x6f: {  	_ =	shalt  }
0x70: {  	_ =	shalt  }
0x71: {  	_ =	shalt  }
0x72: {  	_ =	shalt  }
0x73: {  	_ =	shalt  }
0x74: {  	_ =	shalt  }
0x75: {  	_ =	shalt  }
0x76: {  	_ =	shalt  }
0x77: {  	_ =	shalt  }
0x78: {  	_ =	shalt  }
0x79: {  	_ =	shalt  }
0x7a: {  	_ =	shalt  }
0x7b: {  	_ =	shalt  }
0x7c: {  	_ =	shalt  }
0x7d: {  	_ =	shalt  }
0x7e: {  	_ =	shalt  }
0x7f: {  	_ =	shalt  }
0x80: {  	_ =	shalt  }
0x81: {  	_ =	shalt  }
0x82: {  	_ =	shalt  }
0x83: {  	_ =	shalt  }
0x84: {  	_ =	shalt  }
0x85: {  	_ =	shalt  }
0x86: {  	_ =	shalt  }
0x87: {  	_ =	shalt  }
.Lfunc_end0:
.L_simem_size_0:
called_computation_lowered:
.L_overlay_start_0:
0x88: {  	s2 =	sld [smem:$0x3FD9]  }
0x89: {  	s3 =	sld [smem:$0x3FFE];
	_ =	sdelay $0x1  }
0x8a: {  	s1 =	srdreg.scid  }
0x8b: {  	s0 =	sand.u32 $0x1, s1  }
0x8c: {  	s16 =	sshll.u32 s0, $0xA;
	s2 =	sadd.s32 s3, s2  }
0x8d: {  	s2 =	sadd.s32 s2, s16  }
0x8e: {  	[smem:$0x3FC0] =	sst s2  }
0x8f: {  	_ = 	snop  }
0x90: {  	(tm) =	ssettm $0x1  }
0x91: {  	s17 =	sld [smem:$0x3FFB];
	_ =	sdelay $0x3  }
0x92: {  	_ =	strace s17  }
0x93: {  	s2 =	sld [smem:$0x3FFC];
	_ =	sdelay $0x3  }
0x94: {  	_ =	strace s2  }
0x95: {  	s2 =	sld [smem:$0x3FFD];
	_ =	sdelay $0x3  }
0x96: {  	_ =	strace s2  }
0x97: {  	_ =	strace $0x8FFFFFFF  }
0x98: {  	s18 =	sld [smem:$0x3FDB];
	_ =	sdelay $0x1  }
0x99: {  	s19 =	simm.s32 $_scs_section_size  }
0x9a: {  	s4 =	simm.s32 $_size__tile_overlayer_lowered;
	s5 =	simm.s32 $_tile_overlayer_lowered  }
0x9b: {  	s22 =	simm.s32 $0x1BFF;
	s21 =	sshll.u32 s5, $0x1;
	s2 =	sadd.s32 s19, s18  }
0x9c: {  	s6 =	simm.s32 $0x0;
	s20 =	sshll.u32 s4, $0x1;
	s4 =	sadd.s32 s21, s2  }
0x9d: {  	[timem:s6], [sflag:s22] =	dma.local [hbm:s4], s20  }
0x9e: {  	_ =	swait.ge [sflag:s22], s20  }
0x9f: {  	s3 =	ssub.s32 $0x0, s20;
	[sflag:s22] =	ssyncset.done $0x0  }
0xa0: {  	[sflag:s22] =	ssyncadd.s32 s3;
	_ =	sdelay $0x1  }
0xa1: {  	s23 =	simm.s32 $0x1B8B  }
0xa2: {  	_ =	swait.ge [sflag:s23], $0x1  }
0xa3: {  	[sflag:s23] =	ssyncset.done $0x0  }
0xa4: {  	s25 =	simm.s32 $0x1B8E;
	s24 =	sld [smem:$0x3FFE];
	[sflag:s23] =	ssyncadd.s32 $0xFFFFFFFF  }
0xa5: {  	s26 =	simm.s32 $execute0_lowered;
	[smem:$0x3FD2] =	sst s25  }
0xa6: {  	s4 =	sshll.u32 s26, $0x1;
	_ =	strace $0x80000046;
	[dreg:$0x1] =	wrdreg $0xFFFFFFFF  }
0xa7: {  	s28 =	simm.s32 $_size_execute0_lowered;
	s2 =	sadd.s32 s2, s4;
	[dreg:$0x0] =	wrdreg $0x0  }
0xa8: {  	s4 =	sshll.u32 s28, $0x1;
	[dreg:$0x2] =	wrdreg s2  }
0xa9: {  	[dreg:$0x3] =	wrdreg s4  }
0xaa: {  	[dreg:$0x4] =	wrdreg $0xC0  }
0xab: {  	_ =	task [dreg:s6], $0x5FFFF  }
0xac: {  	[dreg:$0x1] =	wrdreg $0xFFFFFFFF  }
0xad: {  	[dreg:$0x0] =	wrdreg $0x60  }
0xae: {  	[dreg:$0x2] =	wrdreg s24  }
0xaf: {  	[dreg:$0x3] =	wrdreg $0x68000  }
0xb0: {  	[dreg:$0x4] =	wrdreg $0x9  }
0xb1: {  	_ =	task.clear_ibuf [dreg:s6], $0x5FFFF;
	_ =	strace $0x90000046  }
0xb2: {  	s29 =	simm.s32 $0x9;
	_ =	strace $0x80000048  }
0xb3: {  	_ =	swait.ge [sflag:s29], $0x1  }
0xb4: {  	[sflag:s29] =	ssyncadd.s32 $0xFFFFFFFF  }
0xb5: {  	_ =	strace $0x90000048  }
0xb6: {  	_ =	sfence  }
0xb7: {  	s30 =	sld [smem:$0x0];
	_ =	sdelay $0x2  }
0xb8: {  	s31 =	sshll.u32 s1, $0xD;
	s1 =	sshrl.u32 s1, $0x2  }
0xb9: {  	s3 =	sand.u32 $0x4000, s31;
	s1 =	sadd.s32 s1, s30  }
0xba: {  	s0 =	sor.u32 s3, s0;
	s1 =	sshll.u32 s1, $0x11  }
0xbb: {  	s0 =	sor.u32 s1, s0  }
0xbc: {  	s0 =	sadd.s32 $0x8F2B, s0  }
0xbd: {  	[sflag:s0] =	ssyncadd.remote.s32 $0x1  }
0xbe: {  	_ =	sfence.sel $0xFFFF  }
0xbf: {  	[dreg:$0x0] =	wrdreg $0xFFFFFFFF;
	(pc) =	sbr.abs _section_cstart, $3  }
0xc0: {  	[dreg:$0x1] =	wrdreg $0xFFFFFFFF  }
0xc1: {  	_ =	task.clear_ibuf [dreg:s6], $0x2FFFF;
	_ =	strace $0x9FFFFFFF  }
0xc2: {  	(tm) =	ssettm $0x7FFFFFFF  }
0xc3: {  	_ =	shalt  }
tec
execute0_lowered:
.L_overlay_start_1:
0x0: {  	(tag) =	ssettag $0x1  }
0x1: {  	s7 =	rddreg [dreg:$0x0]  }
0x2: {  	s0 =	srdreg.scid;
	s2 =	rddreg [dreg:$0x1]  }
0x3: {  	s3 =	simm.s32 $0x0;
	s12 =	simm.s32 $0x80;
	s13 =	simm.s32 $0x1  }
0x4: {  	s14 =	simm.s32 $0x2;
	s15 =	simm.s32 $0x3;
	s6 =	sand.u32 $0x1, s0  }
0x5: {  	s16 =	simm.s32 $0x4;
	s0 =	stileid.u32;
	s8 =	smul.u32 $0x28000, s6  }
0x6: {  	[smem:$0x7FF] =	sst s3;
	s5 =	sadd.s32 $0x17A00, s7;
	s10 =	smul.u32 $0x50000, s0  }
0x7: {  	s1 =	sshll.u32 s6, $0x4;
	s6 =	ssub.s32 $0x2, s6;
	s18 =	smul.u32 $0x2800, s0  }
0x8: {  	s31 =	sshll.u32 s0, $0x6;
	s4 =	sor.u32 s0, s1;
	s1 =	rddreg [dreg:$0x2]  }
0x9: {  	_ =	strace $0x80000047;
	s4 =	smul.u32 $0x500, s4;
	s10 =	sshrl.u32 s10, $0x2  }
0xa: {  	s30 =	sshrl.u32 s6, $0x1;
	s11 =	sadd.s32 s10, s2;
	s10 =	sor.u32 $0x1C05, s31  }
0xb: {  	s9 =	sadd.s32 s4, s7;
	s4 =	sadd.s32 $0x1A200, s7;
	s7 =	sadd.s32 s8, s7  }
0xc: {  	s8 =	ssub.s32 s6, s30;
	s11 =	sshrl.u32 s11, $0x3;
	s6 =	sadd.s32 $0x3A00, s9  }
0xd: {  	s17 =	sadd.s32 $0x1AA00, s7;
	s7 =	smax.u32 s8, $0x1;
	s8 =	simm.s32 $0x5  }
0xe: {  	s9 =	simm.s32 $0x2800;
	s17 =	sadd.s32 s18, s17;
	s18 =	simm.s32 $0x0  }
.LBB2_1:
0xf: {  	[tilespmem:s3], [sflag:$0x5] =	stream.linear.gather [hbm4b:s6+s3], $0x2800, $0x38;
	[tilespmem:$0x1A800] =	vst v63  }
0x10: {  	_ =	swait.ge [sflag:s8], $0x2800  }
0x11: {  	[sflag:s8] =	ssyncset.done $0x0  }
0x12: {  	[sflag:s8] =	ssyncadd.s32 $0xFFFFD800  }
0x13: {  	[tilespmem:s9], [sflag:$0x5] =	stream.linear.gather [hbm4b:s4+s3], $0x4000, $0x38;
	[tilespmem:$0x1A800] =	vst v63  }
0x14: {  	_ =	swait.ge [sflag:s8], $0x4000  }
0x15: {  	[sflag:s8] =	ssyncset.done $0x0  }
0x16: {  	[sflag:s8] =	ssyncadd.s32 $0xFFFFC000  }
0x17: {  	[spmem:s11], [sflag:s10] =	dma.local [hbm:s5], $0x2800  }
0x18: {  	_ =	swait.ge [sflag:s8], $0x2800  }
0x19: {  	[sflag:s8] =	ssyncset.done $0x0  }
0x1a: {  	[sflag:s8] =	ssyncadd.s32 $0xFFFFD800  }
0x1b: {  	s19 =	simm.s32 $0x0;
	[bflag:$0x0] =	sbarrier.arrive $0xFFFF  }
0x1c: {  	[spmem:s2] =	stream.indirect.scatter.add.f32 [tilespmem:s9], [sflag:$0x1], $0x80, s19, s12, $0xb8;
	[tilespmem:$0x1A800] =	vst v63  }
0x1d: {  	s29 =	simm.s32 $0x80  }
0x1e: {  	[spmem:s2] =	stream.indirect.scatter.add.f32 [tilespmem:s9], [sflag:$0x2], $0x80, s29, s12, $0xb8;
	[tilespmem:$0x1A800] =	vst v63  }
0x1f: {  	s30 =	simm.s32 $0x100  }
0x20: {  	[spmem:s2] =	stream.indirect.scatter.add.f32 [tilespmem:s9], [sflag:$0x3], $0x80, s30, s12, $0xb8;
	[tilespmem:$0x1A800] =	vst v63  }
0x21: {  	s31 =	simm.s32 $0x180  }
0x22: {  	[spmem:s2] =	stream.indirect.scatter.add.f32 [tilespmem:s9], [sflag:$0x4], $0x80, s31, s12, $0xb8;
	[tilespmem:$0x1A800] =	vst v63  }
0x23: {  	_ =	swait.ge [sflag:s13], $0x4000  }
0x24: {  	[sflag:s13] =	ssyncset.done $0x0  }
0x25: {  	[sflag:s13] =	ssyncadd.s32 $0xFFFFC000  }
0x26: {  	_ =	swait.ge [sflag:s14], $0x4000  }
0x27: {  	[sflag:s14] =	ssyncset.done $0x0  }
0x28: {  	[sflag:s14] =	ssyncadd.s32 $0xFFFFC000  }
0x29: {  	_ =	swait.ge [sflag:s15], $0x4000  }
0x2a: {  	[sflag:s15] =	ssyncset.done $0x0  }
0x2b: {  	[sflag:s15] =	ssyncadd.s32 $0xFFFFC000  }
0x2c: {  	_ =	swait.ge [sflag:s16], $0x4000  }
0x2d: {  	s20 =	simm.s32 $0x1000;
	s19 =	simm.s32 $0x800;
	[sflag:s16] =	ssyncset.done $0x0  }
.LBB2_2:
0x2e: {  	s21 =	sshra.s32 s19, $0x2  }
0x2f: {  	[sflag:s16] =	ssyncadd.s32 $0xFFFFC000;
	s19 =	smov.u32 s20;
	s22 =	sadd.s32 $0x800, s20  }
0x30: {  	[spmem:s2] =	stream.indirect.scatter.add.f32 [tilespmem:s9], [sflag:$0x1], $0x80, s21, s12, $0xb8;
	[tilespmem:$0x1A800] =	vst v63  }
0x31: {  	p0 =	sne.s32 s20, $0x9800;
	s20 =	sadd.s32 $0x80, s21  }
0x32: {  	[spmem:s2] =	stream.indirect.scatter.add.f32 [tilespmem:s9], [sflag:$0x2], $0x80, s20, s12, $0xb8;
	[tilespmem:$0x1A800] =	vst v63  }
0x33: {  	s20 =	sadd.s32 $0x100, s21  }
0x34: {  	[spmem:s2] =	stream.indirect.scatter.add.f32 [tilespmem:s9], [sflag:$0x3], $0x80, s20, s12, $0xb8;
	[tilespmem:$0x1A800] =	vst v63  }
0x35: {  	s20 =	sadd.s32 $0x180, s21  }
0x36: {  	[spmem:s2] =	stream.indirect.scatter.add.f32 [tilespmem:s9], [sflag:$0x4], $0x80, s20, s12, $0xb8;
	[tilespmem:$0x1A800] =	vst v63  }
0x37: {  	_ =	swait.ge [sflag:s13], $0x4000  }
0x38: {  	[sflag:s13] =	ssyncset.done $0x0  }
0x39: {  	[sflag:s13] =	ssyncadd.s32 $0xFFFFC000  }
0x3a: {  	_ =	swait.ge [sflag:s14], $0x4000  }
0x3b: {  	[sflag:s14] =	ssyncset.done $0x0  }
0x3c: {  	[sflag:s14] =	ssyncadd.s32 $0xFFFFC000  }
.Ltmp0:
0x3d: {  	_ =	swait.ge [sflag:s15], $0x4000;
	(pc) =	sbr.rel @p0 .LBB2_2-.Ltmp0, $4  }
0x3e: {  	[sflag:s15] =	ssyncset.done $0x0  }
0x3f: {  	[sflag:s15] =	ssyncadd.s32 $0xFFFFC000  }
0x40: {  	_ =	swait.ge [sflag:s16], $0x4000  }
0x41: {  	s20 =	smov.u32 s22;
	[sflag:s16] =	ssyncset.done $0x0  }
0x42: {  	s19 =	sshra.s32 s19, $0x2;
	[sflag:s16] =	ssyncadd.s32 $0xFFFFC000  }
0x43: {  	[spmem:s2] =	stream.indirect.scatter.add.f32 [tilespmem:s9], [sflag:$0x1], $0x80, s19, s12, $0xb8;
	[tilespmem:$0x1A800] =	vst v63  }
0x44: {  	s20 =	sadd.s32 $0x80, s19  }
0x45: {  	[spmem:s2] =	stream.indirect.scatter.add.f32 [tilespmem:s9], [sflag:$0x2], $0x80, s20, s12, $0xb8;
	[tilespmem:$0x1A800] =	vst v63  }
0x46: {  	s31 =	sadd.s32 $0x100, s19  }
0x47: {  	[spmem:s2] =	stream.indirect.scatter.add.f32 [tilespmem:s9], [sflag:$0x3], $0x80, s31, s12, $0xb8;
	[tilespmem:$0x1A800] =	vst v63  }
0x48: {  	s19 =	sadd.s32 $0x180, s19  }
0x49: {  	[spmem:s2] =	stream.indirect.scatter.add.f32 [tilespmem:s9], [sflag:$0x4], $0x80, s19, s12, $0xb8;
	[tilespmem:$0x1A800] =	vst v63  }
0x4a: {  	_ =	swait.ge [sflag:s13], $0x4000  }
0x4b: {  	[sflag:s13] =	ssyncset.done $0x0  }
0x4c: {  	[sflag:s13] =	ssyncadd.s32 $0xFFFFC000  }
0x4d: {  	_ =	swait.ge [sflag:s14], $0x4000  }
0x4e: {  	[sflag:s14] =	ssyncset.done $0x0  }
0x4f: {  	[sflag:s14] =	ssyncadd.s32 $0xFFFFC000  }
0x50: {  	_ =	swait.ge [sflag:s15], $0x4000  }
0x51: {  	[sflag:s15] =	ssyncset.done $0x0  }
0x52: {  	[sflag:s15] =	ssyncadd.s32 $0xFFFFC000  }
0x53: {  	_ =	swait.ge [sflag:s16], $0x4000  }
0x54: {  	s18 =	sadd.s32 $0x1, s18;
	[sflag:s16] =	ssyncset.done $0x0  }
0x55: {  	p0 =	sne.s32 s18, s7;
	[sflag:s16] =	ssyncadd.s32 $0xFFFFC000  }
.Ltmp1:
0x56: {  	[bflag:$0x0] =	sbarrier.arrive $0xFFFF;
	(pc) =	sbr.rel @p0 .LBB2_1-.Ltmp1, $4  }
0x57: {  	[hbm:s17], [sflag:s10] =	dma.local [spmem:s11], $0x2800  }
0x58: {  	_ =	swait.ge [sflag:s8], $0x2800  }
0x59: {  	[sflag:s8] =	ssyncset.done $0x0  }
0x5a: {  	[sflag:s8] =	ssyncadd.s32 $0xFFFFD800  }
0x5b: {  	_ =	sfence.sel $0x180000  }
0x5c: {  	[bflag:$0x0] =	sbarrier.arrive $0xFFFF  }
0x5d: {  	p0 =	sne.s32 s0, $0x0;
	_ =	strace $0x90000047  }
0x5e: {  	s0 =	sadd.s32 @!p0 $0x100000, s1;
	[bflag:$0x2] =	sbarrier.arrive $0xFFFF  }
0x5f: {  	[sflag:s0] =	ssyncadd.tile.s32 @!p0 $0x1;
	_ =	shalt  }
.Lfunc_end2:
_tile_overlayer_lowered:
.L_overlay_start_2:
0x60: {  	(tag) =	ssettag $0x2  }
0x61: {  	s0 =	rddreg [dreg:$0x0];
	s2 =	stileid.u32  }
0x62: {  	s1 =	rddreg [dreg:$0x1];
	p0 =	sne.s32 s2, $0x0  }
0x63: {  	s3 =	rddreg [dreg:$0x2];
	[bflag:$0x3] =	sbarrier.arrive $0xFFFF;
	s2 =	simm.s32 @!p0 $0x1C05  }
0x64: {  	[timem:s3], [sflag:s2] =	dma.local @!p0 [hbm:s0], s1  }
0x65: {  	s0 =	simm.s32 @!p0 $0x5  }
0x66: {  	_ =	swait.ge @!p0 [sflag:s0], s1  }
0x67: {  	s1 =	ssub.s32 @!p0 $0x0, s1;
	[sflag:s0] =	ssyncset.done @!p0 $0x0  }
0x68: {  	[sflag:s0] =	ssyncadd.s32 @!p0 s1  }
0x69: {  	[bflag:$0x3] =	sbarrier.arrive $0xFFFF  }
0x6a: {  	_ =	shalt  }

</sc_bundles>
